<compile_context>
chip_gen: v7x
topology: tpu7x:2x2x1
jax: 0.10.2.dev20260603
libtpu: 0.0.44.dev20260713+nightly
codegen_flags: <defaults>
</compile_context>

<pallas_src>
import jax
import jax.numpy as jnp
from jax import lax
from jax.experimental import pallas as pl
from jax.experimental.pallas import tpu as pltpu
from jax.experimental.pallas import tpu_sc as plsc

N = 10000
HID = 128
DOUT = 64
E = 320000
NPAD = 10112
NW = 32
NCH = 80
K = 128
EPAD = NW * NCH * K
RPT = NPAD // 16

_mesh = plsc.VectorSubcoreMesh(core_axis_name="c", subcore_axis_name="s")



_DEG_KW = dict(
    out_type=jax.ShapeDtypeStruct((2, NPAD, HID), jnp.float32),
    mesh=_mesh,
    scratch_types=[
        pltpu.VMEM((NCH, K), jnp.int32),
        pltpu.VMEM((K, HID), jnp.float32),
        pltpu.VMEM_SHARED((NPAD, HID), jnp.float32),
    ],
)


def _deg_body(dsti_hbm, zeros_hbm, ones_hbm, out_hbm, dstv, ones_v, acc):
    c = lax.axis_index("c")
    s = lax.axis_index("s")
    w = c * 16 + s
    base = s * RPT
    pltpu.sync_copy(dsti_hbm.at[w], dstv)
    pltpu.sync_copy(ones_hbm, ones_v)
    pltpu.sync_copy(zeros_hbm.at[pl.ds(base, RPT)], acc.at[pl.ds(base, RPT)])
    plsc.subcore_barrier()

    def _chunk(j, carry):
        pltpu.sync_copy(ones_v, acc.at[dstv.at[j]], add=True)
        return carry

    lax.fori_loop(0, NCH, _chunk, 0)
    plsc.subcore_barrier()
    pltpu.sync_copy(acc.at[pl.ds(base, RPT)], out_hbm.at[c, pl.ds(base, RPT)])


_SEG_KW = dict(
    out_type=jax.ShapeDtypeStruct((2, NPAD, HID), jnp.float32),
    mesh=_mesh,
    scratch_types=[
        pltpu.VMEM((NCH // 2, K), jnp.int32),
        pltpu.VMEM((NCH // 2, K), jnp.int32),
        pltpu.VMEM((K, HID), jnp.float32),
        pltpu.VMEM((K, HID), jnp.float32),
        pltpu.VMEM_SHARED((NPAD, HID), jnp.float32),
        pltpu.SemaphoreType.DMA,
        pltpu.SemaphoreType.DMA,
    ],
)


def _seg_body(hs_hbm, srci_hbm, dsti_hbm, zeros_hbm, out_hbm, srcv, dstv, buf0,
              buf1, acc, sem0, sem1):
    c = lax.axis_index("c")
    s = lax.axis_index("s")
    w = c * 16 + s
    half = NCH // 2
    base = s * RPT

    for hf in range(2):
        pltpu.sync_copy(srci_hbm.at[w, pl.ds(hf * half, half)], srcv)
        pltpu.sync_copy(dsti_hbm.at[w, pl.ds(hf * half, half)], dstv)

        if hf == 0:
            pltpu.sync_copy(zeros_hbm.at[pl.ds(base, RPT)],
                            acc.at[pl.ds(base, RPT)])
            plsc.subcore_barrier()

        pltpu.async_copy(hs_hbm.at[srcv.at[0]], buf0, sem0)
        pltpu.async_copy(hs_hbm.at[srcv.at[1]], buf1, sem1)

        def _pair(it, carry):
            j0 = it * 2
            j1 = j0 + 1
            pltpu.make_async_copy(hs_hbm.at[srcv.at[j0]], buf0, sem0).wait()
            pltpu.sync_copy(buf0, acc.at[dstv.at[j0]], add=True)

            @pl.when(j0 + 2 < half)
            def _():
                pltpu.async_copy(hs_hbm.at[srcv.at[j0 + 2]], buf0, sem0)

            pltpu.make_async_copy(hs_hbm.at[srcv.at[j1]], buf1, sem1).wait()
            pltpu.sync_copy(buf1, acc.at[dstv.at[j1]], add=True)

            @pl.when(j1 + 2 < half)
            def _():
                pltpu.async_copy(hs_hbm.at[srcv.at[j1 + 2]], buf1, sem1)

            return carry

        lax.fori_loop(0, half // 2, _pair, 0)

    plsc.subcore_barrier()
    pltpu.sync_copy(acc.at[pl.ds(base, RPT)], out_hbm.at[c, pl.ds(base, RPT)])


_deg = pl.kernel(_deg_body, **_DEG_KW)
_seg = pl.kernel(_seg_body, **_SEG_KW)



_MB = 1000
_G = N // _MB


def _tc0_body(x_ref, w1_ref, b1_ref, wg0_ref, p0_ref):
    h = jnp.dot(x_ref[...], w1_ref[...],
                preferred_element_type=jnp.float32) + b1_ref[...]
    p0_ref[...] = jnp.dot(h, wg0_ref[...], preferred_element_type=jnp.float32)


_tc0 = pl.pallas_call(
    _tc0_body,
    grid=(_G,),
    in_specs=[
        pl.BlockSpec((_MB, HID), lambda i: (i, 0)),
        pl.BlockSpec((HID, HID), lambda i: (0, 0)),
        pl.BlockSpec((1, HID), lambda i: (0, 0)),
        pl.BlockSpec((HID, HID), lambda i: (0, 0)),
    ],
    out_specs=pl.BlockSpec((_MB, HID), lambda i: (i, 0)),
    out_shape=jax.ShapeDtypeStruct((N, HID), jnp.float32),
)


def _tc1_body(deg_ref, p0_ref, dinv_ref, hs0_ref):
    deg = 1.0 + deg_ref[0][:, 0:1] + deg_ref[1][:, 0:1]
    dinv = lax.rsqrt(deg)
    hs0_ref[...] = p0_ref[...] * dinv
    dinv_ref[...] = dinv


_tc1 = pl.pallas_call(
    _tc1_body,
    grid=(_G,),
    in_specs=[
        pl.BlockSpec((2, _MB, HID), lambda i: (0, i, 0)),
        pl.BlockSpec((_MB, HID), lambda i: (i, 0)),
    ],
    out_specs=[
        pl.BlockSpec((_MB, 1), lambda i: (i, 0)),
        pl.BlockSpec((_MB, HID), lambda i: (i, 0)),
    ],
    out_shape=[
        jax.ShapeDtypeStruct((N, 1), jnp.float32),
        jax.ShapeDtypeStruct((N, HID), jnp.float32),
    ],
)


def _tcm_body(acc_ref, hs_ref, dinv_ref, b_ref, w_ref, j_ref, hsn_ref):
    dinv = dinv_ref[...]
    t = dinv * (acc_ref[0] + acc_ref[1] + hs_ref[...]) + b_ref[...]
    j = jnp.maximum(t, 0.0)
    j_ref[...] = j
    hsn_ref[...] = jnp.dot(j, w_ref[...],
                           preferred_element_type=jnp.float32) * dinv


_tcm = pl.pallas_call(
    _tcm_body,
    grid=(_G,),
    in_specs=[
        pl.BlockSpec((2, _MB, HID), lambda i: (0, i, 0)),
        pl.BlockSpec((_MB, HID), lambda i: (i, 0)),
        pl.BlockSpec((_MB, 1), lambda i: (i, 0)),
        pl.BlockSpec((1, HID), lambda i: (0, 0)),
        pl.BlockSpec((HID, HID), lambda i: (0, 0)),
    ],
    out_specs=[
        pl.BlockSpec((_MB, HID), lambda i: (i, 0)),
        pl.BlockSpec((_MB, HID), lambda i: (i, 0)),
    ],
    out_shape=[
        jax.ShapeDtypeStruct((N, HID), jnp.float32),
        jax.ShapeDtypeStruct((N, HID), jnp.float32),
    ],
)


def _tcm2_body(acc_ref, hs_ref, dinv_ref, b_ref, w_ref, jp_ref, s_ref,
               hsn_ref):
    dinv = dinv_ref[...]
    t = dinv * (acc_ref[0] + acc_ref[1] + hs_ref[...]) + b_ref[...]
    j = jnp.maximum(t, 0.0)
    s_ref[...] = jp_ref[...] + j
    hsn_ref[...] = jnp.dot(j, w_ref[...],
                           preferred_element_type=jnp.float32) * dinv


_tcm2 = pl.pallas_call(
    _tcm2_body,
    grid=(_G,),
    in_specs=[
        pl.BlockSpec((2, _MB, HID), lambda i: (0, i, 0)),
        pl.BlockSpec((_MB, HID), lambda i: (i, 0)),
        pl.BlockSpec((_MB, 1), lambda i: (i, 0)),
        pl.BlockSpec((1, HID), lambda i: (0, 0)),
        pl.BlockSpec((HID, HID), lambda i: (0, 0)),
        pl.BlockSpec((_MB, HID), lambda i: (i, 0)),
    ],
    out_specs=[
        pl.BlockSpec((_MB, HID), lambda i: (i, 0)),
        pl.BlockSpec((_MB, HID), lambda i: (i, 0)),
    ],
    out_shape=[
        jax.ShapeDtypeStruct((N, HID), jnp.float32),
        jax.ShapeDtypeStruct((N, HID), jnp.float32),
    ],
)


def _tcf_body(acc_ref, hs_ref, dinv_ref, b_ref, s_ref, wc_ref, bc_ref,
              out_ref):
    dinv = dinv_ref[...]
    t = dinv * (acc_ref[0] + acc_ref[1] + hs_ref[...]) + b_ref[...]
    j = jnp.maximum(t, 0.0)
    x5 = s_ref[...] + j
    out_ref[...] = jnp.dot(x5, wc_ref[...],
                           preferred_element_type=jnp.float32) + bc_ref[...]


_tcf = pl.pallas_call(
    _tcf_body,
    grid=(_G,),
    in_specs=[
        pl.BlockSpec((2, _MB, HID), lambda i: (0, i, 0)),
        pl.BlockSpec((_MB, HID), lambda i: (i, 0)),
        pl.BlockSpec((_MB, 1), lambda i: (i, 0)),
        pl.BlockSpec((1, HID), lambda i: (0, 0)),
        pl.BlockSpec((_MB, HID), lambda i: (i, 0)),
        pl.BlockSpec((HID, DOUT), lambda i: (0, 0)),
        pl.BlockSpec((1, DOUT), lambda i: (0, 0)),
    ],
    out_specs=pl.BlockSpec((_MB, DOUT), lambda i: (i, 0)),
    out_shape=jax.ShapeDtypeStruct((N, DOUT), jnp.float32),
)



def kernel(x, edge_index, w1, b1, wg0, bg0, wg1, bg1, wg2, bg2, wc, bc):
    ei = edge_index.astype(jnp.int32)
    pad = EPAD - E
    ar = jnp.arange(pad, dtype=jnp.int32)
    srcp = jnp.concatenate([ei[0], (ar * 37) % N]).reshape(NW, NCH, K)
    dstp = jnp.concatenate([ei[1], N + (ar % (NPAD - N))]).reshape(NW, NCH, K)

    zrows = jnp.zeros((NPAD, HID), jnp.float32)
    orows = jnp.ones((K, HID), jnp.float32)
    degp = _deg(dstp, zrows, orows)
    p0 = _tc0(x, w1, b1.reshape(1, HID), wg0)
    dinv, hs0 = _tc1(degp, p0)
    acc0 = _seg(hs0, srcp, dstp, zrows)
    j1, hs1 = _tcm(acc0, hs0, dinv, bg0.reshape(1, HID), wg1)
    acc1 = _seg(hs1, srcp, dstp, zrows)
    s2, hs2 = _tcm2(acc1, hs1, dinv, bg1.reshape(1, HID), wg2, j1)
    acc2 = _seg(hs2, srcp, dstp, zrows)
    return _tcf(acc2, hs2, dinv, bg2.reshape(1, HID), s2, wc,
                bc.reshape(1, DOUT))

# --- scband reference (transcript-rebuilt; emitter-appended) ---
"""Pipeline reference for scband-network-gnn-79422535237963 (READ-ONLY COPY).

The authoritative reference and input builder live on the scoring server;
editing this copy changes nothing except your own understanding.
"""

import jax, jax.numpy as jnp
import numpy as np

N = 10000
E = 320000
D_IN = 128
HID = 128
D_OUT = 64


def _glorot(key, shape):
    fan_in, fan_out = shape[0], shape[1]
    lim = (6.0 / (fan_in + fan_out)) ** 0.5
    return jax.random.uniform(key, shape, minval=-lim, maxval=lim, dtype=jnp.float32)


def setup_inputs(seed: int = 0) -> dict:
    key = jax.random.key(seed)
    ks = jax.random.split(key, 12)
    x = jax.random.normal(ks[0], (N, D_IN), dtype=jnp.float32)
    edge_index = jax.random.randint(ks[1], (2, E), 0, N, dtype=jnp.int64)
    inp = {
        'x': x,
        'edge_index': edge_index,
        'w1': _glorot(ks[2], (D_IN, HID)), 'b1': jnp.zeros((HID,), jnp.float32),
        'wg0': _glorot(ks[3], (HID, HID)), 'bg0': jnp.zeros((HID,), jnp.float32),
        'wg1': _glorot(ks[4], (HID, HID)), 'bg1': jnp.zeros((HID,), jnp.float32),
        'wg2': _glorot(ks[5], (HID, HID)), 'bg2': jnp.zeros((HID,), jnp.float32),
        'wc': _glorot(ks[6], (HID, D_OUT)), 'bc': jnp.zeros((D_OUT,), jnp.float32),
    }
    return inp


def _gcn_conv(h_in, w, b, src, dst, norm, n):
    # GCNConv with self-loops already folded into src/dst/norm
    h = h_in @ w
    msg = h[src] * norm[:, None]
    out = jnp.zeros((n, h.shape[1]), dtype=h.dtype).at[dst].add(msg)
    return out + b


def reference(x, edge_index, w1, b1, wg0, bg0, wg1, bg1, wg2, bg2, wc, bc):
    n = x.shape[0]
    loop = jnp.arange(n, dtype=edge_index.dtype)
    src = jnp.concatenate([edge_index[0], loop])
    dst = jnp.concatenate([edge_index[1], loop])
    deg = jnp.zeros((n,), jnp.float32).at[dst].add(1.0)
    dinv = jnp.where(deg > 0, deg ** -0.5, 0.0)
    norm = dinv[src] * dinv[dst]

    # lin1 + (eval-mode) dropout
    h = x @ w1 + b1
    x0 = h
    js = []
    params = [(wg0, bg0), (wg1, bg1), (wg2, bg2)]
    for i in range(3):
        w, b = params[i]
        h = jax.nn.relu(_gcn_conv(h, w, b, src, dst, norm, n))
        # sc 'skip' = identity; fix_last appends last layer directly
        js.append(h)
    # LaOp 'l_sum' with 'linear' act
    x5 = js[0] + js[1] + js[2]
    logits = x5 @ wc + bc
    return logits

if __name__ == "__main__":
    import jax
    _d = setup_inputs()
    print(jax.jit(kernel)(*tuple(_d.values())))

</pallas_src>

<mosaic_0001>
#map = affine_map<(d0, d1) -> (0, 0)>
#map1 = affine_map<(d0, d1) -> (0, 0, 0)>
module attributes {stable_mosaic.version = 14 : i64} {
  func.func @_seg_body(%arg0: i32, %arg1: i32, %arg2: memref<10000x128xf32, #tpu.memory_space<hbm>>, %arg3: memref<32x80x128xi32, #tpu.memory_space<hbm>>, %arg4: memref<32x80x128xi32, #tpu.memory_space<hbm>>, %arg5: memref<10112x128xf32, #tpu.memory_space<hbm>>, %arg6: memref<2x10112x128xf32, #tpu.memory_space<hbm>>, %arg7: memref<40x128xi32, #tpu.memory_space<vmem>>, %arg8: memref<40x128xi32, #tpu.memory_space<vmem>>, %arg9: memref<128x128xf32, #tpu.memory_space<vmem>>, %arg10: memref<128x128xf32, #tpu.memory_space<vmem>>, %arg11: memref<10112x128xf32, #tpu.memory_space<vmem_shared>>, %arg12: memref<!tpu.dma_semaphore, #tpu.memory_space<semaphore_mem>>, %arg13: memref<!tpu.dma_semaphore, #tpu.memory_space<semaphore_mem>>) attributes {dimension_semantics = [#tpu.dimension_semantics<core_parallel>, #tpu.dimension_semantics<subcore_parallel>], iteration_bounds = array<i64: 2, 16>, scalar_prefetch = 0 : i64, scratch_operands = 7 : i64, tpu.core_type = #tpu.core_type<sc_vector_subcore>, window_params = [{transform_indices = #map}, {transform_indices = #map1}, {transform_indices = #map1}, {transform_indices = #map}, {transform_indices = #map1}]} {
    %mul3A = arith.constant 16 : i32
    %mul3A_0 = arith.muli %arg0, %mul3A : i32
    %add3A = arith.addi %mul3A_0, %arg1 : i32
    %mul3A_1 = arith.constant 632 : i32
    %mul3A_2 = arith.muli %arg1, %mul3A_1 : i32
    "tpu.region"() ({
      %run_scoped3A = tpu.sem_alloc : memref<!tpu.dma_semaphore, #tpu.memory_space<semaphore_mem>>
      %dma_start3A_42 = arith.constant 0 : i32
      %dma_start3A_43 = arith.constant 0 : i32
      %dma_start3A_44 = tpu.memref_slice %arg3[%add3A, %dma_start3A_42, %dma_start3A_43] : memref<32x80x128xi32, #tpu.memory_space<hbm>> -> memref<1x40x128xi32, #tpu.memory_space<hbm>>
      %dma_start3A_45 = tpu.memref_squeeze %dma_start3A_44 : memref<1x40x128xi32, #tpu.memory_space<hbm>> -> memref<40x128xi32, #tpu.memory_space<hbm>>
      %dma_start3A_46 = arith.constant 0 : i32
      %dma_start3A_47 = arith.constant 0 : i32
      %dma_start3A_48 = tpu.memref_slice %arg3[%add3A, %dma_start3A_46, %dma_start3A_47] : memref<32x80x128xi32, #tpu.memory_space<hbm>> -> memref<1x40x128xi32, #tpu.memory_space<hbm>>
      %dma_start3A_49 = tpu.memref_squeeze %dma_start3A_48 : memref<1x40x128xi32, #tpu.memory_space<hbm>> -> memref<40x128xi32, #tpu.memory_space<hbm>>
      tpu.enqueue_dma source(%dma_start3A_49 : memref<40x128xi32, #tpu.memory_space<hbm>>) target(%arg7 : memref<40x128xi32, #tpu.memory_space<vmem>>) target_semaphore(%run_scoped3A : memref<!tpu.dma_semaphore, #tpu.memory_space<semaphore_mem>>)
      %dma_wait3A = arith.constant 0 : i32
      %dma_wait3A_50 = arith.constant 0 : i32
      %dma_wait3A_51 = tpu.memref_slice %arg3[%add3A, %dma_wait3A, %dma_wait3A_50] : memref<32x80x128xi32, #tpu.memory_space<hbm>> -> memref<1x40x128xi32, #tpu.memory_space<hbm>>
      %dma_wait3A_52 = tpu.memref_squeeze %dma_wait3A_51 : memref<1x40x128xi32, #tpu.memory_space<hbm>> -> memref<40x128xi32, #tpu.memory_space<hbm>>
      %dma_wait3A_53 = arith.constant 0 : i32
      %dma_wait3A_54 = arith.constant 0 : i32
      %dma_wait3A_55 = tpu.memref_slice %arg3[%add3A, %dma_wait3A_53, %dma_wait3A_54] : memref<32x80x128xi32, #tpu.memory_space<hbm>> -> memref<1x40x128xi32, #tpu.memory_space<hbm>>
      %dma_wait3A_56 = tpu.memref_squeeze %dma_wait3A_55 : memref<1x40x128xi32, #tpu.memory_space<hbm>> -> memref<40x128xi32, #tpu.memory_space<hbm>>
      tpu.wait_dma2 semaphore(%run_scoped3A : memref<!tpu.dma_semaphore, #tpu.memory_space<semaphore_mem>>) src(%dma_wait3A_56 : memref<40x128xi32, #tpu.memory_space<hbm>>) dst(%arg7 : memref<40x128xi32, #tpu.memory_space<vmem>>)
      tpu.yield
    }) : () -> ()
    "tpu.region"() ({
      %run_scoped3A = tpu.sem_alloc : memref<!tpu.dma_semaphore, #tpu.memory_space<semaphore_mem>>
      %dma_start3A_42 = arith.constant 0 : i32
      %dma_start3A_43 = arith.constant 0 : i32
      %dma_start3A_44 = tpu.memref_slice %arg4[%add3A, %dma_start3A_42, %dma_start3A_43] : memref<32x80x128xi32, #tpu.memory_space<hbm>> -> memref<1x40x128xi32, #tpu.memory_space<hbm>>
      %dma_start3A_45 = tpu.memref_squeeze %dma_start3A_44 : memref<1x40x128xi32, #tpu.memory_space<hbm>> -> memref<40x128xi32, #tpu.memory_space<hbm>>
      %dma_start3A_46 = arith.constant 0 : i32
      %dma_start3A_47 = arith.constant 0 : i32
      %dma_start3A_48 = tpu.memref_slice %arg4[%add3A, %dma_start3A_46, %dma_start3A_47] : memref<32x80x128xi32, #tpu.memory_space<hbm>> -> memref<1x40x128xi32, #tpu.memory_space<hbm>>
      %dma_start3A_49 = tpu.memref_squeeze %dma_start3A_48 : memref<1x40x128xi32, #tpu.memory_space<hbm>> -> memref<40x128xi32, #tpu.memory_space<hbm>>
      tpu.enqueue_dma source(%dma_start3A_49 : memref<40x128xi32, #tpu.memory_space<hbm>>) target(%arg8 : memref<40x128xi32, #tpu.memory_space<vmem>>) target_semaphore(%run_scoped3A : memref<!tpu.dma_semaphore, #tpu.memory_space<semaphore_mem>>)
      %dma_wait3A = arith.constant 0 : i32
      %dma_wait3A_50 = arith.constant 0 : i32
      %dma_wait3A_51 = tpu.memref_slice %arg4[%add3A, %dma_wait3A, %dma_wait3A_50] : memref<32x80x128xi32, #tpu.memory_space<hbm>> -> memref<1x40x128xi32, #tpu.memory_space<hbm>>
      %dma_wait3A_52 = tpu.memref_squeeze %dma_wait3A_51 : memref<1x40x128xi32, #tpu.memory_space<hbm>> -> memref<40x128xi32, #tpu.memory_space<hbm>>
      %dma_wait3A_53 = arith.constant 0 : i32
      %dma_wait3A_54 = arith.constant 0 : i32
      %dma_wait3A_55 = tpu.memref_slice %arg4[%add3A, %dma_wait3A_53, %dma_wait3A_54] : memref<32x80x128xi32, #tpu.memory_space<hbm>> -> memref<1x40x128xi32, #tpu.memory_space<hbm>>
      %dma_wait3A_56 = tpu.memref_squeeze %dma_wait3A_55 : memref<1x40x128xi32, #tpu.memory_space<hbm>> -> memref<40x128xi32, #tpu.memory_space<hbm>>
      tpu.wait_dma2 semaphore(%run_scoped3A : memref<!tpu.dma_semaphore, #tpu.memory_space<semaphore_mem>>) src(%dma_wait3A_56 : memref<40x128xi32, #tpu.memory_space<hbm>>) dst(%arg8 : memref<40x128xi32, #tpu.memory_space<vmem>>)
      tpu.yield
    }) : () -> ()
    "tpu.region"() ({
      %run_scoped3A = tpu.sem_alloc : memref<!tpu.dma_semaphore, #tpu.memory_space<semaphore_mem>>
      %dma_start3A_42 = arith.constant 0 : i32
      %dma_start3A_43 = tpu.memref_slice %arg11[%mul3A_2, %dma_start3A_42] : memref<10112x128xf32, #tpu.memory_space<vmem_shared>> -> memref<632x128xf32, #tpu.memory_space<vmem_shared>>
      %dma_start3A_44 = arith.constant 0 : i32
      %dma_start3A_45 = tpu.memref_slice %arg5[%mul3A_2, %dma_start3A_44] : memref<10112x128xf32, #tpu.memory_space<hbm>> -> memref<632x128xf32, #tpu.memory_space<hbm>>
      tpu.enqueue_dma source(%dma_start3A_45 : memref<632x128xf32, #tpu.memory_space<hbm>>) target(%dma_start3A_43 : memref<632x128xf32, #tpu.memory_space<vmem_shared>>) target_semaphore(%run_scoped3A : memref<!tpu.dma_semaphore, #tpu.memory_space<semaphore_mem>>)
      %dma_wait3A = arith.constant 0 : i32
      %dma_wait3A_46 = tpu.memref_slice %arg11[%mul3A_2, %dma_wait3A] : memref<10112x128xf32, #tpu.memory_space<vmem_shared>> -> memref<632x128xf32, #tpu.memory_space<vmem_shared>>
      %dma_wait3A_47 = arith.constant 0 : i32
      %dma_wait3A_48 = tpu.memref_slice %arg5[%mul3A_2, %dma_wait3A_47] : memref<10112x128xf32, #tpu.memory_space<hbm>> -> memref<632x128xf32, #tpu.memory_space<hbm>>
      tpu.wait_dma2 semaphore(%run_scoped3A : memref<!tpu.dma_semaphore, #tpu.memory_space<semaphore_mem>>) src(%dma_wait3A_48 : memref<632x128xf32, #tpu.memory_space<hbm>>) dst(%dma_wait3A_46 : memref<632x128xf32, #tpu.memory_space<vmem_shared>>)
      tpu.yield
    }) : () -> ()
    %barrier3A = arith.constant 0 : index
    tpu.barrier barrier_id(%barrier3A)
    %dma_start3A = arith.constant 0 : i32
    %dma_start3A_3 = arith.constant 0 : i32
    %dma_start3A_4 = tpu.memref_slice %arg7[%dma_start3A, %dma_start3A_3] : memref<40x128xi32, #tpu.memory_space<vmem>> -> memref<1x128xi32, #tpu.memory_space<vmem>>
    %dma_start3A_5 = tpu.memref_squeeze %dma_start3A_4 : memref<1x128xi32, #tpu.memory_space<vmem>> -> memref<128xi32, #tpu.memory_space<vmem>>
    %dma_start3A_6 = arith.constant 0 : i32
    %dma_start3A_7 = arith.constant 0 : i32
    %dma_start3A_8 = tpu.memref_slice %arg2[%dma_start3A_6, %dma_start3A_7] : memref<10000x128xf32, #tpu.memory_space<hbm>> -> memref<10000x128xf32, #tpu.memory_space<hbm>>
    tpu.enqueue_indirect_dma source(%dma_start3A_8 : memref<10000x128xf32, #tpu.memory_space<hbm>>) target(%arg9 : memref<128x128xf32, #tpu.memory_space<vmem>>) offsets(%dma_start3A_5 : memref<128xi32, #tpu.memory_space<vmem>>) semaphore(%arg12 : memref<!tpu.dma_semaphore, #tpu.memory_space<semaphore_mem>>)
    %dma_start3A_9 = arith.constant 1 : i32
    %dma_start3A_10 = arith.constant 0 : i32
    %dma_start3A_11 = tpu.memref_slice %arg7[%dma_start3A_9, %dma_start3A_10] : memref<40x128xi32, #tpu.memory_space<vmem>> -> memref<1x128xi32, #tpu.memory_space<vmem>>
    %dma_start3A_12 = tpu.memref_squeeze %dma_start3A_11 : memref<1x128xi32, #tpu.memory_space<vmem>> -> memref<128xi32, #tpu.memory_space<vmem>>
    %dma_start3A_13 = arith.constant 0 : i32
    %dma_start3A_14 = arith.constant 0 : i32
    %dma_start3A_15 = tpu.memref_slice %arg2[%dma_start3A_13, %dma_start3A_14] : memref<10000x128xf32, #tpu.memory_space<hbm>> -> memref<10000x128xf32, #tpu.memory_space<hbm>>
    tpu.enqueue_indirect_dma source(%dma_start3A_15 : memref<10000x128xf32, #tpu.memory_space<hbm>>) target(%arg10 : memref<128x128xf32, #tpu.memory_space<vmem>>) offsets(%dma_start3A_12 : memref<128xi32, #tpu.memory_space<vmem>>) semaphore(%arg13 : memref<!tpu.dma_semaphore, #tpu.memory_space<semaphore_mem>>)
    %scan3A = arith.constant 0 : i32
    %scan3A_16 = arith.constant 0 : i32
    %scan3A_17 = arith.constant 20 : i32
    %scan3A_18 = arith.addi %scan3A_16, %scan3A_17 : i32
    %scan3A_19 = arith.constant 1 : i32
    scf.for %scan3A_42 = %scan3A_16 to %scan3A_18 step %scan3A_19  : i32 {
      %mul3A_43 = arith.constant 2 : i32
      %mul3A_44 = arith.muli %scan3A_42, %mul3A_43 : i32
      %add3A_45 = arith.constant 1 : i32
      %add3A_46 = arith.addi %mul3A_44, %add3A_45 : i32
      %dma_wait3A = arith.constant 0 : i32
      %dma_wait3A_47 = tpu.memref_slice %arg7[%mul3A_44, %dma_wait3A] : memref<40x128xi32, #tpu.memory_space<vmem>> -> memref<1x128xi32, #tpu.memory_space<vmem>>
      %dma_wait3A_48 = tpu.memref_squeeze %dma_wait3A_47 : memref<1x128xi32, #tpu.memory_space<vmem>> -> memref<128xi32, #tpu.memory_space<vmem>>
      %dma_wait3A_49 = arith.constant 0 : i32
      %dma_wait3A_50 = arith.constant 0 : i32
      %dma_wait3A_51 = tpu.memref_slice %arg2[%dma_wait3A_49, %dma_wait3A_50] : memref<10000x128xf32, #tpu.memory_space<hbm>> -> memref<10000x128xf32, #tpu.memory_space<hbm>>
      tpu.wait_indirect_dma semaphore(%arg12 : memref<!tpu.dma_semaphore, #tpu.memory_space<semaphore_mem>>) src(%dma_wait3A_51 : memref<10000x128xf32, #tpu.memory_space<hbm>>) dst(%arg9 : memref<128x128xf32, #tpu.memory_space<vmem>>)
      "tpu.region"() ({
        %run_scoped3A = tpu.sem_alloc : memref<!tpu.dma_semaphore, #tpu.memory_space<semaphore_mem>>
        %dma_start3A_69 = arith.constant 0 : i32
        %dma_start3A_70 = tpu.memref_slice %arg8[%mul3A_44, %dma_start3A_69] : memref<40x128xi32, #tpu.memory_space<vmem>> -> memref<1x128xi32, #tpu.memory_space<vmem>>
        %dma_start3A_71 = tpu.memref_squeeze %dma_start3A_70 : memref<1x128xi32, #tpu.memory_space<vmem>> -> memref<128xi32, #tpu.memory_space<vmem>>
        %dma_start3A_72 = arith.constant 0 : i32
        %dma_start3A_73 = arith.constant 0 : i32
        %dma_start3A_74 = tpu.memref_slice %arg11[%dma_start3A_72, %dma_start3A_73] : memref<10112x128xf32, #tpu.memory_space<vmem_shared>> -> memref<10112x128xf32, #tpu.memory_space<vmem_shared>>
        tpu.enqueue_indirect_dma source(%arg9 : memref<128x128xf32, #tpu.memory_space<vmem>>) target(%dma_start3A_74 : memref<10112x128xf32, #tpu.memory_space<vmem_shared>>) offsets(%dma_start3A_71 : memref<128xi32, #tpu.memory_space<vmem>>) semaphore(%run_scoped3A : memref<!tpu.dma_semaphore, #tpu.memory_space<semaphore_mem>>) {add = true}
        %dma_wait3A_75 = arith.constant 0 : i32
        %dma_wait3A_76 = tpu.memref_slice %arg8[%mul3A_44, %dma_wait3A_75] : memref<40x128xi32, #tpu.memory_space<vmem>> -> memref<1x128xi32, #tpu.memory_space<vmem>>
        %dma_wait3A_77 = tpu.memref_squeeze %dma_wait3A_76 : memref<1x128xi32, #tpu.memory_space<vmem>> -> memref<128xi32, #tpu.memory_space<vmem>>
        %dma_wait3A_78 = arith.constant 0 : i32
        %dma_wait3A_79 = arith.constant 0 : i32
        %dma_wait3A_80 = tpu.memref_slice %arg11[%dma_wait3A_78, %dma_wait3A_79] : memref<10112x128xf32, #tpu.memory_space<vmem_shared>> -> memref<10112x128xf32, #tpu.memory_space<vmem_shared>>
        tpu.wait_indirect_dma semaphore(%run_scoped3A : memref<!tpu.dma_semaphore, #tpu.memory_space<semaphore_mem>>) src(%arg9 : memref<128x128xf32, #tpu.memory_space<vmem>>) dst(%dma_wait3A_80 : memref<10112x128xf32, #tpu.memory_space<vmem_shared>>)
        tpu.yield
      }) : () -> ()
      %add3A_52 = arith.constant 2 : i32
      %add3A_53 = arith.addi %mul3A_44, %add3A_52 : i32
      %lt3A = arith.constant 40 : i32
      %lt3A_54 = arith.cmpi slt, %add3A_53, %lt3A : i32
      %convert_element_type3A = arith.extui %lt3A_54 : i1 to i32
      %cond3A = arith.constant 0 : i32
      %cond3A_55 = arith.cmpi ne, %convert_element_type3A, %cond3A : i32
      scf.if %cond3A_55 {
        %add3A_69 = arith.constant 2 : i32
        %add3A_70 = arith.addi %mul3A_44, %add3A_69 : i32
        %dma_start3A_71 = arith.constant 0 : i32
        %dma_start3A_72 = tpu.memref_slice %arg7[%add3A_70, %dma_start3A_71] : memref<40x128xi32, #tpu.memory_space<vmem>> -> memref<1x128xi32, #tpu.memory_space<vmem>>
        %dma_start3A_73 = tpu.memref_squeeze %dma_start3A_72 : memref<1x128xi32, #tpu.memory_space<vmem>> -> memref<128xi32, #tpu.memory_space<vmem>>
        %dma_start3A_74 = arith.constant 0 : i32
        %dma_start3A_75 = arith.constant 0 : i32
        %dma_start3A_76 = tpu.memref_slice %arg2[%dma_start3A_74, %dma_start3A_75] : memref<10000x128xf32, #tpu.memory_space<hbm>> -> memref<10000x128xf32, #tpu.memory_space<hbm>>
        tpu.enqueue_indirect_dma source(%dma_start3A_76 : memref<10000x128xf32, #tpu.memory_space<hbm>>) target(%arg9 : memref<128x128xf32, #tpu.memory_space<vmem>>) offsets(%dma_start3A_73 : memref<128xi32, #tpu.memory_space<vmem>>) semaphore(%arg12 : memref<!tpu.dma_semaphore, #tpu.memory_space<semaphore_mem>>)
      } else {
      }
      %dma_wait3A_56 = arith.constant 0 : i32
      %dma_wait3A_57 = tpu.memref_slice %arg7[%add3A_46, %dma_wait3A_56] : memref<40x128xi32, #tpu.memory_space<vmem>> -> memref<1x128xi32, #tpu.memory_space<vmem>>
      %dma_wait3A_58 = tpu.memref_squeeze %dma_wait3A_57 : memref<1x128xi32, #tpu.memory_space<vmem>> -> memref<128xi32, #tpu.memory_space<vmem>>
      %dma_wait3A_59 = arith.constant 0 : i32
      %dma_wait3A_60 = arith.constant 0 : i32
      %dma_wait3A_61 = tpu.memref_slice %arg2[%dma_wait3A_59, %dma_wait3A_60] : memref<10000x128xf32, #tpu.memory_space<hbm>> -> memref<10000x128xf32, #tpu.memory_space<hbm>>
      tpu.wait_indirect_dma semaphore(%arg13 : memref<!tpu.dma_semaphore, #tpu.memory_space<semaphore_mem>>) src(%dma_wait3A_61 : memref<10000x128xf32, #tpu.memory_space<hbm>>) dst(%arg10 : memref<128x128xf32, #tpu.memory_space<vmem>>)
      "tpu.region"() ({
        %run_scoped3A = tpu.sem_alloc : memref<!tpu.dma_semaphore, #tpu.memory_space<semaphore_mem>>
        %dma_start3A_69 = arith.constant 0 : i32
        %dma_start3A_70 = tpu.memref_slice %arg8[%add3A_46, %dma_start3A_69] : memref<40x128xi32, #tpu.memory_space<vmem>> -> memref<1x128xi32, #tpu.memory_space<vmem>>
        %dma_start3A_71 = tpu.memref_squeeze %dma_start3A_70 : memref<1x128xi32, #tpu.memory_space<vmem>> -> memref<128xi32, #tpu.memory_space<vmem>>
        %dma_start3A_72 = arith.constant 0 : i32
        %dma_start3A_73 = arith.constant 0 : i32
        %dma_start3A_74 = tpu.memref_slice %arg11[%dma_start3A_72, %dma_start3A_73] : memref<10112x128xf32, #tpu.memory_space<vmem_shared>> -> memref<10112x128xf32, #tpu.memory_space<vmem_shared>>
        tpu.enqueue_indirect_dma source(%arg10 : memref<128x128xf32, #tpu.memory_space<vmem>>) target(%dma_start3A_74 : memref<10112x128xf32, #tpu.memory_space<vmem_shared>>) offsets(%dma_start3A_71 : memref<128xi32, #tpu.memory_space<vmem>>) semaphore(%run_scoped3A : memref<!tpu.dma_semaphore, #tpu.memory_space<semaphore_mem>>) {add = true}
        %dma_wait3A_75 = arith.constant 0 : i32
        %dma_wait3A_76 = tpu.memref_slice %arg8[%add3A_46, %dma_wait3A_75] : memref<40x128xi32, #tpu.memory_space<vmem>> -> memref<1x128xi32, #tpu.memory_space<vmem>>
        %dma_wait3A_77 = tpu.memref_squeeze %dma_wait3A_76 : memref<1x128xi32, #tpu.memory_space<vmem>> -> memref<128xi32, #tpu.memory_space<vmem>>
        %dma_wait3A_78 = arith.constant 0 : i32
        %dma_wait3A_79 = arith.constant 0 : i32
        %dma_wait3A_80 = tpu.memref_slice %arg11[%dma_wait3A_78, %dma_wait3A_79] : memref<10112x128xf32, #tpu.memory_space<vmem_shared>> -> memref<10112x128xf32, #tpu.memory_space<vmem_shared>>
        tpu.wait_indirect_dma semaphore(%run_scoped3A : memref<!tpu.dma_semaphore, #tpu.memory_space<semaphore_mem>>) src(%arg10 : memref<128x128xf32, #tpu.memory_space<vmem>>) dst(%dma_wait3A_80 : memref<10112x128xf32, #tpu.memory_space<vmem_shared>>)
        tpu.yield
      }) : () -> ()
      %add3A_62 = arith.constant 2 : i32
      %add3A_63 = arith.addi %add3A_46, %add3A_62 : i32
      %lt3A_64 = arith.constant 40 : i32
      %lt3A_65 = arith.cmpi slt, %add3A_63, %lt3A_64 : i32
      %convert_element_type3A_66 = arith.extui %lt3A_65 : i1 to i32
      %cond3A_67 = arith.constant 0 : i32
      %cond3A_68 = arith.cmpi ne, %convert_element_type3A_66, %cond3A_67 : i32
      scf.if %cond3A_68 {
        %add3A_69 = arith.constant 2 : i32
        %add3A_70 = arith.addi %add3A_46, %add3A_69 : i32
        %dma_start3A_71 = arith.constant 0 : i32
        %dma_start3A_72 = tpu.memref_slice %arg7[%add3A_70, %dma_start3A_71] : memref<40x128xi32, #tpu.memory_space<vmem>> -> memref<1x128xi32, #tpu.memory_space<vmem>>
        %dma_start3A_73 = tpu.memref_squeeze %dma_start3A_72 : memref<1x128xi32, #tpu.memory_space<vmem>> -> memref<128xi32, #tpu.memory_space<vmem>>
        %dma_start3A_74 = arith.constant 0 : i32
        %dma_start3A_75 = arith.constant 0 : i32
        %dma_start3A_76 = tpu.memref_slice %arg2[%dma_start3A_74, %dma_start3A_75] : memref<10000x128xf32, #tpu.memory_space<hbm>> -> memref<10000x128xf32, #tpu.memory_space<hbm>>
        tpu.enqueue_indirect_dma source(%dma_start3A_76 : memref<10000x128xf32, #tpu.memory_space<hbm>>) target(%arg10 : memref<128x128xf32, #tpu.memory_space<vmem>>) offsets(%dma_start3A_73 : memref<128xi32, #tpu.memory_space<vmem>>) semaphore(%arg13 : memref<!tpu.dma_semaphore, #tpu.memory_space<semaphore_mem>>)
      } else {
      }
    }
    %scan3A_20 = arith.constant 20 : i32
    "tpu.region"() ({
      %run_scoped3A = tpu.sem_alloc : memref<!tpu.dma_semaphore, #tpu.memory_space<semaphore_mem>>
      %dma_start3A_42 = arith.constant 40 : i32
      %dma_start3A_43 = arith.constant 0 : i32
      %dma_start3A_44 = tpu.memref_slice %arg3[%add3A, %dma_start3A_42, %dma_start3A_43] : memref<32x80x128xi32, #tpu.memory_space<hbm>> -> memref<1x40x128xi32, #tpu.memory_space<hbm>>
      %dma_start3A_45 = tpu.memref_squeeze %dma_start3A_44 : memref<1x40x128xi32, #tpu.memory_space<hbm>> -> memref<40x128xi32, #tpu.memory_space<hbm>>
      %dma_start3A_46 = arith.constant 40 : i32
      %dma_start3A_47 = arith.constant 0 : i32
      %dma_start3A_48 = tpu.memref_slice %arg3[%add3A, %dma_start3A_46, %dma_start3A_47] : memref<32x80x128xi32, #tpu.memory_space<hbm>> -> memref<1x40x128xi32, #tpu.memory_space<hbm>>
      %dma_start3A_49 = tpu.memref_squeeze %dma_start3A_48 : memref<1x40x128xi32, #tpu.memory_space<hbm>> -> memref<40x128xi32, #tpu.memory_space<hbm>>
      tpu.enqueue_dma source(%dma_start3A_49 : memref<40x128xi32, #tpu.memory_space<hbm>>) target(%arg7 : memref<40x128xi32, #tpu.memory_space<vmem>>) target_semaphore(%run_scoped3A : memref<!tpu.dma_semaphore, #tpu.memory_space<semaphore_mem>>)
      %dma_wait3A = arith.constant 40 : i32
      %dma_wait3A_50 = arith.constant 0 : i32
      %dma_wait3A_51 = tpu.memref_slice %arg3[%add3A, %dma_wait3A, %dma_wait3A_50] : memref<32x80x128xi32, #tpu.memory_space<hbm>> -> memref<1x40x128xi32, #tpu.memory_space<hbm>>
      %dma_wait3A_52 = tpu.memref_squeeze %dma_wait3A_51 : memref<1x40x128xi32, #tpu.memory_space<hbm>> -> memref<40x128xi32, #tpu.memory_space<hbm>>
      %dma_wait3A_53 = arith.constant 40 : i32
      %dma_wait3A_54 = arith.constant 0 : i32
      %dma_wait3A_55 = tpu.memref_slice %arg3[%add3A, %dma_wait3A_53, %dma_wait3A_54] : memref<32x80x128xi32, #tpu.memory_space<hbm>> -> memref<1x40x128xi32, #tpu.memory_space<hbm>>
      %dma_wait3A_56 = tpu.memref_squeeze %dma_wait3A_55 : memref<1x40x128xi32, #tpu.memory_space<hbm>> -> memref<40x128xi32, #tpu.memory_space<hbm>>
      tpu.wait_dma2 semaphore(%run_scoped3A : memref<!tpu.dma_semaphore, #tpu.memory_space<semaphore_mem>>) src(%dma_wait3A_56 : memref<40x128xi32, #tpu.memory_space<hbm>>) dst(%arg7 : memref<40x128xi32, #tpu.memory_space<vmem>>)
      tpu.yield
    }) : () -> ()
    "tpu.region"() ({
      %run_scoped3A = tpu.sem_alloc : memref<!tpu.dma_semaphore, #tpu.memory_space<semaphore_mem>>
      %dma_start3A_42 = arith.constant 40 : i32
      %dma_start3A_43 = arith.constant 0 : i32
      %dma_start3A_44 = tpu.memref_slice %arg4[%add3A, %dma_start3A_42, %dma_start3A_43] : memref<32x80x128xi32, #tpu.memory_space<hbm>> -> memref<1x40x128xi32, #tpu.memory_space<hbm>>
      %dma_start3A_45 = tpu.memref_squeeze %dma_start3A_44 : memref<1x40x128xi32, #tpu.memory_space<hbm>> -> memref<40x128xi32, #tpu.memory_space<hbm>>
      %dma_start3A_46 = arith.constant 40 : i32
      %dma_start3A_47 = arith.constant 0 : i32
      %dma_start3A_48 = tpu.memref_slice %arg4[%add3A, %dma_start3A_46, %dma_start3A_47] : memref<32x80x128xi32, #tpu.memory_space<hbm>> -> memref<1x40x128xi32, #tpu.memory_space<hbm>>
      %dma_start3A_49 = tpu.memref_squeeze %dma_start3A_48 : memref<1x40x128xi32, #tpu.memory_space<hbm>> -> memref<40x128xi32, #tpu.memory_space<hbm>>
      tpu.enqueue_dma source(%dma_start3A_49 : memref<40x128xi32, #tpu.memory_space<hbm>>) target(%arg8 : memref<40x128xi32, #tpu.memory_space<vmem>>) target_semaphore(%run_scoped3A : memref<!tpu.dma_semaphore, #tpu.memory_space<semaphore_mem>>)
      %dma_wait3A = arith.constant 40 : i32
      %dma_wait3A_50 = arith.constant 0 : i32
      %dma_wait3A_51 = tpu.memref_slice %arg4[%add3A, %dma_wait3A, %dma_wait3A_50] : memref<32x80x128xi32, #tpu.memory_space<hbm>> -> memref<1x40x128xi32, #tpu.memory_space<hbm>>
      %dma_wait3A_52 = tpu.memref_squeeze %dma_wait3A_51 : memref<1x40x128xi32, #tpu.memory_space<hbm>> -> memref<40x128xi32, #tpu.memory_space<hbm>>
      %dma_wait3A_53 = arith.constant 40 : i32
      %dma_wait3A_54 = arith.constant 0 : i32
      %dma_wait3A_55 = tpu.memref_slice %arg4[%add3A, %dma_wait3A_53, %dma_wait3A_54] : memref<32x80x128xi32, #tpu.memory_space<hbm>> -> memref<1x40x128xi32, #tpu.memory_space<hbm>>
      %dma_wait3A_56 = tpu.memref_squeeze %dma_wait3A_55 : memref<1x40x128xi32, #tpu.memory_space<hbm>> -> memref<40x128xi32, #tpu.memory_space<hbm>>
      tpu.wait_dma2 semaphore(%run_scoped3A : memref<!tpu.dma_semaphore, #tpu.memory_space<semaphore_mem>>) src(%dma_wait3A_56 : memref<40x128xi32, #tpu.memory_space<hbm>>) dst(%arg8 : memref<40x128xi32, #tpu.memory_space<vmem>>)
      tpu.yield
    }) : () -> ()
    %dma_start3A_21 = arith.constant 0 : i32
    %dma_start3A_22 = arith.constant 0 : i32
    %dma_start3A_23 = tpu.memref_slice %arg7[%dma_start3A_21, %dma_start3A_22] : memref<40x128xi32, #tpu.memory_space<vmem>> -> memref<1x128xi32, #tpu.memory_space<vmem>>
    %dma_start3A_24 = tpu.memref_squeeze %dma_start3A_23 : memref<1x128xi32, #tpu.memory_space<vmem>> -> memref<128xi32, #tpu.memory_space<vmem>>
    %dma_start3A_25 = arith.constant 0 : i32
    %dma_start3A_26 = arith.constant 0 : i32
    %dma_start3A_27 = tpu.memref_slice %arg2[%dma_start3A_25, %dma_start3A_26] : memref<10000x128xf32, #tpu.memory_space<hbm>> -> memref<10000x128xf32, #tpu.memory_space<hbm>>
    tpu.enqueue_indirect_dma source(%dma_start3A_27 : memref<10000x128xf32, #tpu.memory_space<hbm>>) target(%arg9 : memref<128x128xf32, #tpu.memory_space<vmem>>) offsets(%dma_start3A_24 : memref<128xi32, #tpu.memory_space<vmem>>) semaphore(%arg12 : memref<!tpu.dma_semaphore, #tpu.memory_space<semaphore_mem>>)
    %dma_start3A_28 = arith.constant 1 : i32
    %dma_start3A_29 = arith.constant 0 : i32
    %dma_start3A_30 = tpu.memref_slice %arg7[%dma_start3A_28, %dma_start3A_29] : memref<40x128xi32, #tpu.memory_space<vmem>> -> memref<1x128xi32, #tpu.memory_space<vmem>>
    %dma_start3A_31 = tpu.memref_squeeze %dma_start3A_30 : memref<1x128xi32, #tpu.memory_space<vmem>> -> memref<128xi32, #tpu.memory_space<vmem>>
    %dma_start3A_32 = arith.constant 0 : i32
    %dma_start3A_33 = arith.constant 0 : i32
    %dma_start3A_34 = tpu.memref_slice %arg2[%dma_start3A_32, %dma_start3A_33] : memref<10000x128xf32, #tpu.memory_space<hbm>> -> memref<10000x128xf32, #tpu.memory_space<hbm>>
    tpu.enqueue_indirect_dma source(%dma_start3A_34 : memref<10000x128xf32, #tpu.memory_space<hbm>>) target(%arg10 : memref<128x128xf32, #tpu.memory_space<vmem>>) offsets(%dma_start3A_31 : memref<128xi32, #tpu.memory_space<vmem>>) semaphore(%arg13 : memref<!tpu.dma_semaphore, #tpu.memory_space<semaphore_mem>>)
    %scan3A_35 = arith.constant 0 : i32
    %scan3A_36 = arith.constant 0 : i32
    %scan3A_37 = arith.constant 20 : i32
    %scan3A_38 = arith.addi %scan3A_36, %scan3A_37 : i32
    %scan3A_39 = arith.constant 1 : i32
    scf.for %scan3A_42 = %scan3A_36 to %scan3A_38 step %scan3A_39  : i32 {
      %mul3A_43 = arith.constant 2 : i32
      %mul3A_44 = arith.muli %scan3A_42, %mul3A_43 : i32
      %add3A_45 = arith.constant 1 : i32
      %add3A_46 = arith.addi %mul3A_44, %add3A_45 : i32
      %dma_wait3A = arith.constant 0 : i32
      %dma_wait3A_47 = tpu.memref_slice %arg7[%mul3A_44, %dma_wait3A] : memref<40x128xi32, #tpu.memory_space<vmem>> -> memref<1x128xi32, #tpu.memory_space<vmem>>
      %dma_wait3A_48 = tpu.memref_squeeze %dma_wait3A_47 : memref<1x128xi32, #tpu.memory_space<vmem>> -> memref<128xi32, #tpu.memory_space<vmem>>
      %dma_wait3A_49 = arith.constant 0 : i32
      %dma_wait3A_50 = arith.constant 0 : i32
      %dma_wait3A_51 = tpu.memref_slice %arg2[%dma_wait3A_49, %dma_wait3A_50] : memref<10000x128xf32, #tpu.memory_space<hbm>> -> memref<10000x128xf32, #tpu.memory_space<hbm>>
      tpu.wait_indirect_dma semaphore(%arg12 : memref<!tpu.dma_semaphore, #tpu.memory_space<semaphore_mem>>) src(%dma_wait3A_51 : memref<10000x128xf32, #tpu.memory_space<hbm>>) dst(%arg9 : memref<128x128xf32, #tpu.memory_space<vmem>>)
      "tpu.region"() ({
        %run_scoped3A = tpu.sem_alloc : memref<!tpu.dma_semaphore, #tpu.memory_space<semaphore_mem>>
        %dma_start3A_69 = arith.constant 0 : i32
        %dma_start3A_70 = tpu.memref_slice %arg8[%mul3A_44, %dma_start3A_69] : memref<40x128xi32, #tpu.memory_space<vmem>> -> memref<1x128xi32, #tpu.memory_space<vmem>>
        %dma_start3A_71 = tpu.memref_squeeze %dma_start3A_70 : memref<1x128xi32, #tpu.memory_space<vmem>> -> memref<128xi32, #tpu.memory_space<vmem>>
        %dma_start3A_72 = arith.constant 0 : i32
        %dma_start3A_73 = arith.constant 0 : i32
        %dma_start3A_74 = tpu.memref_slice %arg11[%dma_start3A_72, %dma_start3A_73] : memref<10112x128xf32, #tpu.memory_space<vmem_shared>> -> memref<10112x128xf32, #tpu.memory_space<vmem_shared>>
        tpu.enqueue_indirect_dma source(%arg9 : memref<128x128xf32, #tpu.memory_space<vmem>>) target(%dma_start3A_74 : memref<10112x128xf32, #tpu.memory_space<vmem_shared>>) offsets(%dma_start3A_71 : memref<128xi32, #tpu.memory_space<vmem>>) semaphore(%run_scoped3A : memref<!tpu.dma_semaphore, #tpu.memory_space<semaphore_mem>>) {add = true}
        %dma_wait3A_75 = arith.constant 0 : i32
        %dma_wait3A_76 = tpu.memref_slice %arg8[%mul3A_44, %dma_wait3A_75] : memref<40x128xi32, #tpu.memory_space<vmem>> -> memref<1x128xi32, #tpu.memory_space<vmem>>
        %dma_wait3A_77 = tpu.memref_squeeze %dma_wait3A_76 : memref<1x128xi32, #tpu.memory_space<vmem>> -> memref<128xi32, #tpu.memory_space<vmem>>
        %dma_wait3A_78 = arith.constant 0 : i32
        %dma_wait3A_79 = arith.constant 0 : i32
        %dma_wait3A_80 = tpu.memref_slice %arg11[%dma_wait3A_78, %dma_wait3A_79] : memref<10112x128xf32, #tpu.memory_space<vmem_shared>> -> memref<10112x128xf32, #tpu.memory_space<vmem_shared>>
        tpu.wait_indirect_dma semaphore(%run_scoped3A : memref<!tpu.dma_semaphore, #tpu.memory_space<semaphore_mem>>) src(%arg9 : memref<128x128xf32, #tpu.memory_space<vmem>>) dst(%dma_wait3A_80 : memref<10112x128xf32, #tpu.memory_space<vmem_shared>>)
        tpu.yield
      }) : () -> ()
      %add3A_52 = arith.constant 2 : i32
      %add3A_53 = arith.addi %mul3A_44, %add3A_52 : i32
      %lt3A = arith.constant 40 : i32
      %lt3A_54 = arith.cmpi slt, %add3A_53, %lt3A : i32
      %convert_element_type3A = arith.extui %lt3A_54 : i1 to i32
      %cond3A = arith.constant 0 : i32
      %cond3A_55 = arith.cmpi ne, %convert_element_type3A, %cond3A : i32
      scf.if %cond3A_55 {
        %add3A_69 = arith.constant 2 : i32
        %add3A_70 = arith.addi %mul3A_44, %add3A_69 : i32
        %dma_start3A_71 = arith.constant 0 : i32
        %dma_start3A_72 = tpu.memref_slice %arg7[%add3A_70, %dma_start3A_71] : memref<40x128xi32, #tpu.memory_space<vmem>> -> memref<1x128xi32, #tpu.memory_space<vmem>>
        %dma_start3A_73 = tpu.memref_squeeze %dma_start3A_72 : memref<1x128xi32, #tpu.memory_space<vmem>> -> memref<128xi32, #tpu.memory_space<vmem>>
        %dma_start3A_74 = arith.constant 0 : i32
        %dma_start3A_75 = arith.constant 0 : i32
        %dma_start3A_76 = tpu.memref_slice %arg2[%dma_start3A_74, %dma_start3A_75] : memref<10000x128xf32, #tpu.memory_space<hbm>> -> memref<10000x128xf32, #tpu.memory_space<hbm>>
        tpu.enqueue_indirect_dma source(%dma_start3A_76 : memref<10000x128xf32, #tpu.memory_space<hbm>>) target(%arg9 : memref<128x128xf32, #tpu.memory_space<vmem>>) offsets(%dma_start3A_73 : memref<128xi32, #tpu.memory_space<vmem>>) semaphore(%arg12 : memref<!tpu.dma_semaphore, #tpu.memory_space<semaphore_mem>>)
      } else {
      }
      %dma_wait3A_56 = arith.constant 0 : i32
      %dma_wait3A_57 = tpu.memref_slice %arg7[%add3A_46, %dma_wait3A_56] : memref<40x128xi32, #tpu.memory_space<vmem>> -> memref<1x128xi32, #tpu.memory_space<vmem>>
      %dma_wait3A_58 = tpu.memref_squeeze %dma_wait3A_57 : memref<1x128xi32, #tpu.memory_space<vmem>> -> memref<128xi32, #tpu.memory_space<vmem>>
      %dma_wait3A_59 = arith.constant 0 : i32
      %dma_wait3A_60 = arith.constant 0 : i32
      %dma_wait3A_61 = tpu.memref_slice %arg2[%dma_wait3A_59, %dma_wait3A_60] : memref<10000x128xf32, #tpu.memory_space<hbm>> -> memref<10000x128xf32, #tpu.memory_space<hbm>>
      tpu.wait_indirect_dma semaphore(%arg13 : memref<!tpu.dma_semaphore, #tpu.memory_space<semaphore_mem>>) src(%dma_wait3A_61 : memref<10000x128xf32, #tpu.memory_space<hbm>>) dst(%arg10 : memref<128x128xf32, #tpu.memory_space<vmem>>)
      "tpu.region"() ({
        %run_scoped3A = tpu.sem_alloc : memref<!tpu.dma_semaphore, #tpu.memory_space<semaphore_mem>>
        %dma_start3A_69 = arith.constant 0 : i32
        %dma_start3A_70 = tpu.memref_slice %arg8[%add3A_46, %dma_start3A_69] : memref<40x128xi32, #tpu.memory_space<vmem>> -> memref<1x128xi32, #tpu.memory_space<vmem>>
        %dma_start3A_71 = tpu.memref_squeeze %dma_start3A_70 : memref<1x128xi32, #tpu.memory_space<vmem>> -> memref<128xi32, #tpu.memory_space<vmem>>
        %dma_start3A_72 = arith.constant 0 : i32
        %dma_start3A_73 = arith.constant 0 : i32
        %dma_start3A_74 = tpu.memref_slice %arg11[%dma_start3A_72, %dma_start3A_73] : memref<10112x128xf32, #tpu.memory_space<vmem_shared>> -> memref<10112x128xf32, #tpu.memory_space<vmem_shared>>
        tpu.enqueue_indirect_dma source(%arg10 : memref<128x128xf32, #tpu.memory_space<vmem>>) target(%dma_start3A_74 : memref<10112x128xf32, #tpu.memory_space<vmem_shared>>) offsets(%dma_start3A_71 : memref<128xi32, #tpu.memory_space<vmem>>) semaphore(%run_scoped3A : memref<!tpu.dma_semaphore, #tpu.memory_space<semaphore_mem>>) {add = true}
        %dma_wait3A_75 = arith.constant 0 : i32
        %dma_wait3A_76 = tpu.memref_slice %arg8[%add3A_46, %dma_wait3A_75] : memref<40x128xi32, #tpu.memory_space<vmem>> -> memref<1x128xi32, #tpu.memory_space<vmem>>
        %dma_wait3A_77 = tpu.memref_squeeze %dma_wait3A_76 : memref<1x128xi32, #tpu.memory_space<vmem>> -> memref<128xi32, #tpu.memory_space<vmem>>
        %dma_wait3A_78 = arith.constant 0 : i32
        %dma_wait3A_79 = arith.constant 0 : i32
        %dma_wait3A_80 = tpu.memref_slice %arg11[%dma_wait3A_78, %dma_wait3A_79] : memref<10112x128xf32, #tpu.memory_space<vmem_shared>> -> memref<10112x128xf32, #tpu.memory_space<vmem_shared>>
        tpu.wait_indirect_dma semaphore(%run_scoped3A : memref<!tpu.dma_semaphore, #tpu.memory_space<semaphore_mem>>) src(%arg10 : memref<128x128xf32, #tpu.memory_space<vmem>>) dst(%dma_wait3A_80 : memref<10112x128xf32, #tpu.memory_space<vmem_shared>>)
        tpu.yield
      }) : () -> ()
      %add3A_62 = arith.constant 2 : i32
      %add3A_63 = arith.addi %add3A_46, %add3A_62 : i32
      %lt3A_64 = arith.constant 40 : i32
      %lt3A_65 = arith.cmpi slt, %add3A_63, %lt3A_64 : i32
      %convert_element_type3A_66 = arith.extui %lt3A_65 : i1 to i32
      %cond3A_67 = arith.constant 0 : i32
      %cond3A_68 = arith.cmpi ne, %convert_element_type3A_66, %cond3A_67 : i32
      scf.if %cond3A_68 {
        %add3A_69 = arith.constant 2 : i32
        %add3A_70 = arith.addi %add3A_46, %add3A_69 : i32
        %dma_start3A_71 = arith.constant 0 : i32
        %dma_start3A_72 = tpu.memref_slice %arg7[%add3A_70, %dma_start3A_71] : memref<40x128xi32, #tpu.memory_space<vmem>> -> memref<1x128xi32, #tpu.memory_space<vmem>>
        %dma_start3A_73 = tpu.memref_squeeze %dma_start3A_72 : memref<1x128xi32, #tpu.memory_space<vmem>> -> memref<128xi32, #tpu.memory_space<vmem>>
        %dma_start3A_74 = arith.constant 0 : i32
        %dma_start3A_75 = arith.constant 0 : i32
        %dma_start3A_76 = tpu.memref_slice %arg2[%dma_start3A_74, %dma_start3A_75] : memref<10000x128xf32, #tpu.memory_space<hbm>> -> memref<10000x128xf32, #tpu.memory_space<hbm>>
        tpu.enqueue_indirect_dma source(%dma_start3A_76 : memref<10000x128xf32, #tpu.memory_space<hbm>>) target(%arg10 : memref<128x128xf32, #tpu.memory_space<vmem>>) offsets(%dma_start3A_73 : memref<128xi32, #tpu.memory_space<vmem>>) semaphore(%arg13 : memref<!tpu.dma_semaphore, #tpu.memory_space<semaphore_mem>>)
      } else {
      }
    }
    %scan3A_40 = arith.constant 20 : i32
    %barrier3A_41 = arith.constant 0 : index
    tpu.barrier barrier_id(%barrier3A_41)
    "tpu.region"() ({
      %run_scoped3A = tpu.sem_alloc : memref<!tpu.dma_semaphore, #tpu.memory_space<semaphore_mem>>
      %dma_start3A_42 = arith.constant 0 : i32
      %dma_start3A_43 = tpu.memref_slice %arg6[%arg0, %mul3A_2, %dma_start3A_42] : memref<2x10112x128xf32, #tpu.memory_space<hbm>> -> memref<1x632x128xf32, #tpu.memory_space<hbm>>
      %dma_start3A_44 = tpu.memref_squeeze %dma_start3A_43 : memref<1x632x128xf32, #tpu.memory_space<hbm>> -> memref<632x128xf32, #tpu.memory_space<hbm>>
      %dma_start3A_45 = arith.constant 0 : i32
      %dma_start3A_46 = tpu.memref_slice %arg11[%mul3A_2, %dma_start3A_45] : memref<10112x128xf32, #tpu.memory_space<vmem_shared>> -> memref<632x128xf32, #tpu.memory_space<vmem_shared>>
      tpu.enqueue_dma source(%dma_start3A_46 : memref<632x128xf32, #tpu.memory_space<vmem_shared>>) target(%dma_start3A_44 : memref<632x128xf32, #tpu.memory_space<hbm>>) target_semaphore(%run_scoped3A : memref<!tpu.dma_semaphore, #tpu.memory_space<semaphore_mem>>)
      %dma_wait3A = arith.constant 0 : i32
      %dma_wait3A_47 = tpu.memref_slice %arg6[%arg0, %mul3A_2, %dma_wait3A] : memref<2x10112x128xf32, #tpu.memory_space<hbm>> -> memref<1x632x128xf32, #tpu.memory_space<hbm>>
      %dma_wait3A_48 = tpu.memref_squeeze %dma_wait3A_47 : memref<1x632x128xf32, #tpu.memory_space<hbm>> -> memref<632x128xf32, #tpu.memory_space<hbm>>
      %dma_wait3A_49 = arith.constant 0 : i32
      %dma_wait3A_50 = tpu.memref_slice %arg11[%mul3A_2, %dma_wait3A_49] : memref<10112x128xf32, #tpu.memory_space<vmem_shared>> -> memref<632x128xf32, #tpu.memory_space<vmem_shared>>
      tpu.wait_dma2 semaphore(%run_scoped3A : memref<!tpu.dma_semaphore, #tpu.memory_space<semaphore_mem>>) src(%dma_wait3A_50 : memref<632x128xf32, #tpu.memory_space<vmem_shared>>) dst(%dma_wait3A_48 : memref<632x128xf32, #tpu.memory_space<hbm>>)
      tpu.yield
    }) : () -> ()
    return
  }
}

#map = affine_map<(d0, d1) -> (0, 0)>
#map1 = affine_map<(d0, d1) -> (0, 0, 0)>
module attributes {stable_mosaic.version = 14 : i64} {
  func.func @_seg_body(%arg0: i32, %arg1: i32, %arg2: memref<10000x128xf32, #tpu.memory_space<hbm>>, %arg3: memref<32x80x128xi32, #tpu.memory_space<hbm>>, %arg4: memref<32x80x128xi32, #tpu.memory_space<hbm>>, %arg5: memref<10112x128xf32, #tpu.memory_space<hbm>>, %arg6: memref<2x10112x128xf32, #tpu.memory_space<hbm>>, %arg7: memref<40x128xi32, #tpu.memory_space<vmem>>, %arg8: memref<40x128xi32, #tpu.memory_space<vmem>>, %arg9: memref<128x128xf32, #tpu.memory_space<vmem>>, %arg10: memref<128x128xf32, #tpu.memory_space<vmem>>, %arg11: memref<10112x128xf32, #tpu.memory_space<vmem_shared>>, %arg12: memref<!tpu.dma_semaphore, #tpu.memory_space<semaphore_mem>>, %arg13: memref<!tpu.dma_semaphore, #tpu.memory_space<semaphore_mem>>) attributes {dimension_semantics = [#tpu.dimension_semantics<core_parallel>, #tpu.dimension_semantics<subcore_parallel>], iteration_bounds = array<i64: 2, 16>, scalar_prefetch = 0 : i64, scratch_operands = 7 : i64, tpu.core_type = #tpu.core_type<sc_vector_subcore>, window_params = [{transform_indices = #map}, {transform_indices = #map1}, {transform_indices = #map1}, {transform_indices = #map}, {transform_indices = #map1}]} {
    %mul3A = arith.constant 16 : i32
    %mul3A_0 = arith.muli %arg0, %mul3A : i32
    %add3A = arith.addi %mul3A_0, %arg1 : i32
    %mul3A_1 = arith.constant 632 : i32
    %mul3A_2 = arith.muli %arg1, %mul3A_1 : i32
    "tpu.region"() ({
      %run_scoped3A = tpu.sem_alloc : memref<!tpu.dma_semaphore, #tpu.memory_space<semaphore_mem>>
      %dma_start3A_42 = arith.constant 0 : i32
      %dma_start3A_43 = arith.constant 0 : i32
      %dma_start3A_44 = tpu.memref_slice %arg3[%add3A, %dma_start3A_42, %dma_start3A_43] : memref<32x80x128xi32, #tpu.memory_space<hbm>> -> memref<1x40x128xi32, #tpu.memory_space<hbm>>
      %dma_start3A_45 = tpu.memref_squeeze %dma_start3A_44 : memref<1x40x128xi32, #tpu.memory_space<hbm>> -> memref<40x128xi32, #tpu.memory_space<hbm>>
      %dma_start3A_46 = arith.constant 0 : i32
      %dma_start3A_47 = arith.constant 0 : i32
      %dma_start3A_48 = tpu.memref_slice %arg3[%add3A, %dma_start3A_46, %dma_start3A_47] : memref<32x80x128xi32, #tpu.memory_space<hbm>> -> memref<1x40x128xi32, #tpu.memory_space<hbm>>
      %dma_start3A_49 = tpu.memref_squeeze %dma_start3A_48 : memref<1x40x128xi32, #tpu.memory_space<hbm>> -> memref<40x128xi32, #tpu.memory_space<hbm>>
      tpu.enqueue_dma source(%dma_start3A_49 : memref<40x128xi32, #tpu.memory_space<hbm>>) target(%arg7 : memref<40x128xi32, #tpu.memory_space<vmem>>) target_semaphore(%run_scoped3A : memref<!tpu.dma_semaphore, #tpu.memory_space<semaphore_mem>>)
      %dma_wait3A = arith.constant 0 : i32
      %dma_wait3A_50 = arith.constant 0 : i32
      %dma_wait3A_51 = tpu.memref_slice %arg3[%add3A, %dma_wait3A, %dma_wait3A_50] : memref<32x80x128xi32, #tpu.memory_space<hbm>> -> memref<1x40x128xi32, #tpu.memory_space<hbm>>
      %dma_wait3A_52 = tpu.memref_squeeze %dma_wait3A_51 : memref<1x40x128xi32, #tpu.memory_space<hbm>> -> memref<40x128xi32, #tpu.memory_space<hbm>>
      %dma_wait3A_53 = arith.constant 0 : i32
      %dma_wait3A_54 = arith.constant 0 : i32
      %dma_wait3A_55 = tpu.memref_slice %arg3[%add3A, %dma_wait3A_53, %dma_wait3A_54] : memref<32x80x128xi32, #tpu.memory_space<hbm>> -> memref<1x40x128xi32, #tpu.memory_space<hbm>>
      %dma_wait3A_56 = tpu.memref_squeeze %dma_wait3A_55 : memref<1x40x128xi32, #tpu.memory_space<hbm>> -> memref<40x128xi32, #tpu.memory_space<hbm>>
      tpu.wait_dma2 semaphore(%run_scoped3A : memref<!tpu.dma_semaphore, #tpu.memory_space<semaphore_mem>>) src(%dma_wait3A_56 : memref<40x128xi32, #tpu.memory_space<hbm>>) dst(%arg7 : memref<40x128xi32, #tpu.memory_space<vmem>>)
      tpu.yield
    }) : () -> ()
    "tpu.region"() ({
      %run_scoped3A = tpu.sem_alloc : memref<!tpu.dma_semaphore, #tpu.memory_space<semaphore_mem>>
      %dma_start3A_42 = arith.constant 0 : i32
      %dma_start3A_43 = arith.constant 0 : i32
      %dma_start3A_44 = tpu.memref_slice %arg4[%add3A, %dma_start3A_42, %dma_start3A_43] : memref<32x80x128xi32, #tpu.memory_space<hbm>> -> memref<1x40x128xi32, #tpu.memory_space<hbm>>
      %dma_start3A_45 = tpu.memref_squeeze %dma_start3A_44 : memref<1x40x128xi32, #tpu.memory_space<hbm>> -> memref<40x128xi32, #tpu.memory_space<hbm>>
      %dma_start3A_46 = arith.constant 0 : i32
      %dma_start3A_47 = arith.constant 0 : i32
      %dma_start3A_48 = tpu.memref_slice %arg4[%add3A, %dma_start3A_46, %dma_start3A_47] : memref<32x80x128xi32, #tpu.memory_space<hbm>> -> memref<1x40x128xi32, #tpu.memory_space<hbm>>
      %dma_start3A_49 = tpu.memref_squeeze %dma_start3A_48 : memref<1x40x128xi32, #tpu.memory_space<hbm>> -> memref<40x128xi32, #tpu.memory_space<hbm>>
      tpu.enqueue_dma source(%dma_start3A_49 : memref<40x128xi32, #tpu.memory_space<hbm>>) target(%arg8 : memref<40x128xi32, #tpu.memory_space<vmem>>) target_semaphore(%run_scoped3A : memref<!tpu.dma_semaphore, #tpu.memory_space<semaphore_mem>>)
      %dma_wait3A = arith.constant 0 : i32
      %dma_wait3A_50 = arith.constant 0 : i32
      %dma_wait3A_51 = tpu.memref_slice %arg4[%add3A, %dma_wait3A, %dma_wait3A_50] : memref<32x80x128xi32, #tpu.memory_space<hbm>> -> memref<1x40x128xi32, #tpu.memory_space<hbm>>
      %dma_wait3A_52 = tpu.memref_squeeze %dma_wait3A_51 : memref<1x40x128xi32, #tpu.memory_space<hbm>> -> memref<40x128xi32, #tpu.memory_space<hbm>>
      %dma_wait3A_53 = arith.constant 0 : i32
      %dma_wait3A_54 = arith.constant 0 : i32
      %dma_wait3A_55 = tpu.memref_slice %arg4[%add3A, %dma_wait3A_53, %dma_wait3A_54] : memref<32x80x128xi32, #tpu.memory_space<hbm>> -> memref<1x40x128xi32, #tpu.memory_space<hbm>>
      %dma_wait3A_56 = tpu.memref_squeeze %dma_wait3A_55 : memref<1x40x128xi32, #tpu.memory_space<hbm>> -> memref<40x128xi32, #tpu.memory_space<hbm>>
      tpu.wait_dma2 semaphore(%run_scoped3A : memref<!tpu.dma_semaphore, #tpu.memory_space<semaphore_mem>>) src(%dma_wait3A_56 : memref<40x128xi32, #tpu.memory_space<hbm>>) dst(%arg8 : memref<40x128xi32, #tpu.memory_space<vmem>>)
      tpu.yield
    }) : () -> ()
    "tpu.region"() ({
      %run_scoped3A = tpu.sem_alloc : memref<!tpu.dma_semaphore, #tpu.memory_space<semaphore_mem>>
      %dma_start3A_42 = arith.constant 0 : i32
      %dma_start3A_43 = tpu.memref_slice %arg11[%mul3A_2, %dma_start3A_42] : memref<10112x128xf32, #tpu.memory_space<vmem_shared>> -> memref<632x128xf32, #tpu.memory_space<vmem_shared>>
      %dma_start3A_44 = arith.constant 0 : i32
      %dma_start3A_45 = tpu.memref_slice %arg5[%mul3A_2, %dma_start3A_44] : memref<10112x128xf32, #tpu.memory_space<hbm>> -> memref<632x128xf32, #tpu.memory_space<hbm>>
      tpu.enqueue_dma source(%dma_start3A_45 : memref<632x128xf32, #tpu.memory_space<hbm>>) target(%dma_start3A_43 : memref<632x128xf32, #tpu.memory_space<vmem_shared>>) target_semaphore(%run_scoped3A : memref<!tpu.dma_semaphore, #tpu.memory_space<semaphore_mem>>)
      %dma_wait3A = arith.constant 0 : i32
      %dma_wait3A_46 = tpu.memref_slice %arg11[%mul3A_2, %dma_wait3A] : memref<10112x128xf32, #tpu.memory_space<vmem_shared>> -> memref<632x128xf32, #tpu.memory_space<vmem_shared>>
      %dma_wait3A_47 = arith.constant 0 : i32
      %dma_wait3A_48 = tpu.memref_slice %arg5[%mul3A_2, %dma_wait3A_47] : memref<10112x128xf32, #tpu.memory_space<hbm>> -> memref<632x128xf32, #tpu.memory_space<hbm>>
      tpu.wait_dma2 semaphore(%run_scoped3A : memref<!tpu.dma_semaphore, #tpu.memory_space<semaphore_mem>>) src(%dma_wait3A_48 : memref<632x128xf32, #tpu.memory_space<hbm>>) dst(%dma_wait3A_46 : memref<632x128xf32, #tpu.memory_space<vmem_shared>>)
      tpu.yield
    }) : () -> ()
    %barrier3A = arith.constant 0 : index
    tpu.barrier barrier_id(%barrier3A)
    %dma_start3A = arith.constant 0 : i32
    %dma_start3A_3 = arith.constant 0 : i32
    %dma_start3A_4 = tpu.memref_slice %arg7[%dma_start3A, %dma_start3A_3] : memref<40x128xi32, #tpu.memory_space<vmem>> -> memref<1x128xi32, #tpu.memory_space<vmem>>
    %dma_start3A_5 = tpu.memref_squeeze %dma_start3A_4 : memref<1x128xi32, #tpu.memory_space<vmem>> -> memref<128xi32, #tpu.memory_space<vmem>>
    %dma_start3A_6 = arith.constant 0 : i32
    %dma_start3A_7 = arith.constant 0 : i32
    %dma_start3A_8 = tpu.memref_slice %arg2[%dma_start3A_6, %dma_start3A_7] : memref<10000x128xf32, #tpu.memory_space<hbm>> -> memref<10000x128xf32, #tpu.memory_space<hbm>>
    tpu.enqueue_indirect_dma source(%dma_start3A_8 : memref<10000x128xf32, #tpu.memory_space<hbm>>) target(%arg9 : memref<128x128xf32, #tpu.memory_space<vmem>>) offsets(%dma_start3A_5 : memref<128xi32, #tpu.memory_space<vmem>>) semaphore(%arg12 : memref<!tpu.dma_semaphore, #tpu.memory_space<semaphore_mem>>)
    %dma_start3A_9 = arith.constant 1 : i32
    %dma_start3A_10 = arith.constant 0 : i32
    %dma_start3A_11 = tpu.memref_slice %arg7[%dma_start3A_9, %dma_start3A_10] : memref<40x128xi32, #tpu.memory_space<vmem>> -> memref<1x128xi32, #tpu.memory_space<vmem>>
    %dma_start3A_12 = tpu.memref_squeeze %dma_start3A_11 : memref<1x128xi32, #tpu.memory_space<vmem>> -> memref<128xi32, #tpu.memory_space<vmem>>
    %dma_start3A_13 = arith.constant 0 : i32
    %dma_start3A_14 = arith.constant 0 : i32
    %dma_start3A_15 = tpu.memref_slice %arg2[%dma_start3A_13, %dma_start3A_14] : memref<10000x128xf32, #tpu.memory_space<hbm>> -> memref<10000x128xf32, #tpu.memory_space<hbm>>
    tpu.enqueue_indirect_dma source(%dma_start3A_15 : memref<10000x128xf32, #tpu.memory_space<hbm>>) target(%arg10 : memref<128x128xf32, #tpu.memory_space<vmem>>) offsets(%dma_start3A_12 : memref<128xi32, #tpu.memory_space<vmem>>) semaphore(%arg13 : memref<!tpu.dma_semaphore, #tpu.memory_space<semaphore_mem>>)
    %scan3A = arith.constant 0 : i32
    %scan3A_16 = arith.constant 0 : i32
    %scan3A_17 = arith.constant 20 : i32
    %scan3A_18 = arith.addi %scan3A_16, %scan3A_17 : i32
    %scan3A_19 = arith.constant 1 : i32
    scf.for %scan3A_42 = %scan3A_16 to %scan3A_18 step %scan3A_19  : i32 {
      %mul3A_43 = arith.constant 2 : i32
      %mul3A_44 = arith.muli %scan3A_42, %mul3A_43 : i32
      %add3A_45 = arith.constant 1 : i32
      %add3A_46 = arith.addi %mul3A_44, %add3A_45 : i32
      %dma_wait3A = arith.constant 0 : i32
      %dma_wait3A_47 = tpu.memref_slice %arg7[%mul3A_44, %dma_wait3A] : memref<40x128xi32, #tpu.memory_space<vmem>> -> memref<1x128xi32, #tpu.memory_space<vmem>>
      %dma_wait3A_48 = tpu.memref_squeeze %dma_wait3A_47 : memref<1x128xi32, #tpu.memory_space<vmem>> -> memref<128xi32, #tpu.memory_space<vmem>>
      %dma_wait3A_49 = arith.constant 0 : i32
      %dma_wait3A_50 = arith.constant 0 : i32
      %dma_wait3A_51 = tpu.memref_slice %arg2[%dma_wait3A_49, %dma_wait3A_50] : memref<10000x128xf32, #tpu.memory_space<hbm>> -> memref<10000x128xf32, #tpu.memory_space<hbm>>
      tpu.wait_indirect_dma semaphore(%arg12 : memref<!tpu.dma_semaphore, #tpu.memory_space<semaphore_mem>>) src(%dma_wait3A_51 : memref<10000x128xf32, #tpu.memory_space<hbm>>) dst(%arg9 : memref<128x128xf32, #tpu.memory_space<vmem>>)
      "tpu.region"() ({
        %run_scoped3A = tpu.sem_alloc : memref<!tpu.dma_semaphore, #tpu.memory_space<semaphore_mem>>
        %dma_start3A_69 = arith.constant 0 : i32
        %dma_start3A_70 = tpu.memref_slice %arg8[%mul3A_44, %dma_start3A_69] : memref<40x128xi32, #tpu.memory_space<vmem>> -> memref<1x128xi32, #tpu.memory_space<vmem>>
        %dma_start3A_71 = tpu.memref_squeeze %dma_start3A_70 : memref<1x128xi32, #tpu.memory_space<vmem>> -> memref<128xi32, #tpu.memory_space<vmem>>
        %dma_start3A_72 = arith.constant 0 : i32
        %dma_start3A_73 = arith.constant 0 : i32
        %dma_start3A_74 = tpu.memref_slice %arg11[%dma_start3A_72, %dma_start3A_73] : memref<10112x128xf32, #tpu.memory_space<vmem_shared>> -> memref<10112x128xf32, #tpu.memory_space<vmem_shared>>
        tpu.enqueue_indirect_dma source(%arg9 : memref<128x128xf32, #tpu.memory_space<vmem>>) target(%dma_start3A_74 : memref<10112x128xf32, #tpu.memory_space<vmem_shared>>) offsets(%dma_start3A_71 : memref<128xi32, #tpu.memory_space<vmem>>) semaphore(%run_scoped3A : memref<!tpu.dma_semaphore, #tpu.memory_space<semaphore_mem>>) {add = true}
        %dma_wait3A_75 = arith.constant 0 : i32
        %dma_wait3A_76 = tpu.memref_slice %arg8[%mul3A_44, %dma_wait3A_75] : memref<40x128xi32, #tpu.memory_space<vmem>> -> memref<1x128xi32, #tpu.memory_space<vmem>>
        %dma_wait3A_77 = tpu.memref_squeeze %dma_wait3A_76 : memref<1x128xi32, #tpu.memory_space<vmem>> -> memref<128xi32, #tpu.memory_space<vmem>>
        %dma_wait3A_78 = arith.constant 0 : i32
        %dma_wait3A_79 = arith.constant 0 : i32
        %dma_wait3A_80 = tpu.memref_slice %arg11[%dma_wait3A_78, %dma_wait3A_79] : memref<10112x128xf32, #tpu.memory_space<vmem_shared>> -> memref<10112x128xf32, #tpu.memory_space<vmem_shared>>
        tpu.wait_indirect_dma semaphore(%run_scoped3A : memref<!tpu.dma_semaphore, #tpu.memory_space<semaphore_mem>>) src(%arg9 : memref<128x128xf32, #tpu.memory_space<vmem>>) dst(%dma_wait3A_80 : memref<10112x128xf32, #tpu.memory_space<vmem_shared>>)
        tpu.yield
      }) : () -> ()
      %add3A_52 = arith.constant 2 : i32
      %add3A_53 = arith.addi %mul3A_44, %add3A_52 : i32
      %lt3A = arith.constant 40 : i32
      %lt3A_54 = arith.cmpi slt, %add3A_53, %lt3A : i32
      %convert_element_type3A = arith.extui %lt3A_54 : i1 to i32
      %cond3A = arith.constant 0 : i32
      %cond3A_55 = arith.cmpi ne, %convert_element_type3A, %cond3A : i32
      scf.if %cond3A_55 {
        %add3A_69 = arith.constant 2 : i32
        %add3A_70 = arith.addi %mul3A_44, %add3A_69 : i32
        %dma_start3A_71 = arith.constant 0 : i32
        %dma_start3A_72 = tpu.memref_slice %arg7[%add3A_70, %dma_start3A_71] : memref<40x128xi32, #tpu.memory_space<vmem>> -> memref<1x128xi32, #tpu.memory_space<vmem>>
        %dma_start3A_73 = tpu.memref_squeeze %dma_start3A_72 : memref<1x128xi32, #tpu.memory_space<vmem>> -> memref<128xi32, #tpu.memory_space<vmem>>
        %dma_start3A_74 = arith.constant 0 : i32
        %dma_start3A_75 = arith.constant 0 : i32
        %dma_start3A_76 = tpu.memref_slice %arg2[%dma_start3A_74, %dma_start3A_75] : memref<10000x128xf32, #tpu.memory_space<hbm>> -> memref<10000x128xf32, #tpu.memory_space<hbm>>
        tpu.enqueue_indirect_dma source(%dma_start3A_76 : memref<10000x128xf32, #tpu.memory_space<hbm>>) target(%arg9 : memref<128x128xf32, #tpu.memory_space<vmem>>) offsets(%dma_start3A_73 : memref<128xi32, #tpu.memory_space<vmem>>) semaphore(%arg12 : memref<!tpu.dma_semaphore, #tpu.memory_space<semaphore_mem>>)
      } else {
      }
      %dma_wait3A_56 = arith.constant 0 : i32
      %dma_wait3A_57 = tpu.memref_slice %arg7[%add3A_46, %dma_wait3A_56] : memref<40x128xi32, #tpu.memory_space<vmem>> -> memref<1x128xi32, #tpu.memory_space<vmem>>
      %dma_wait3A_58 = tpu.memref_squeeze %dma_wait3A_57 : memref<1x128xi32, #tpu.memory_space<vmem>> -> memref<128xi32, #tpu.memory_space<vmem>>
      %dma_wait3A_59 = arith.constant 0 : i32
      %dma_wait3A_60 = arith.constant 0 : i32
      %dma_wait3A_61 = tpu.memref_slice %arg2[%dma_wait3A_59, %dma_wait3A_60] : memref<10000x128xf32, #tpu.memory_space<hbm>> -> memref<10000x128xf32, #tpu.memory_space<hbm>>
      tpu.wait_indirect_dma semaphore(%arg13 : memref<!tpu.dma_semaphore, #tpu.memory_space<semaphore_mem>>) src(%dma_wait3A_61 : memref<10000x128xf32, #tpu.memory_space<hbm>>) dst(%arg10 : memref<128x128xf32, #tpu.memory_space<vmem>>)
      "tpu.region"() ({
        %run_scoped3A = tpu.sem_alloc : memref<!tpu.dma_semaphore, #tpu.memory_space<semaphore_mem>>
        %dma_start3A_69 = arith.constant 0 : i32
        %dma_start3A_70 = tpu.memref_slice %arg8[%add3A_46, %dma_start3A_69] : memref<40x128xi32, #tpu.memory_space<vmem>> -> memref<1x128xi32, #tpu.memory_space<vmem>>
        %dma_start3A_71 = tpu.memref_squeeze %dma_start3A_70 : memref<1x128xi32, #tpu.memory_space<vmem>> -> memref<128xi32, #tpu.memory_space<vmem>>
        %dma_start3A_72 = arith.constant 0 : i32
        %dma_start3A_73 = arith.constant 0 : i32
        %dma_start3A_74 = tpu.memref_slice %arg11[%dma_start3A_72, %dma_start3A_73] : memref<10112x128xf32, #tpu.memory_space<vmem_shared>> -> memref<10112x128xf32, #tpu.memory_space<vmem_shared>>
        tpu.enqueue_indirect_dma source(%arg10 : memref<128x128xf32, #tpu.memory_space<vmem>>) target(%dma_start3A_74 : memref<10112x128xf32, #tpu.memory_space<vmem_shared>>) offsets(%dma_start3A_71 : memref<128xi32, #tpu.memory_space<vmem>>) semaphore(%run_scoped3A : memref<!tpu.dma_semaphore, #tpu.memory_space<semaphore_mem>>) {add = true}
        %dma_wait3A_75 = arith.constant 0 : i32
        %dma_wait3A_76 = tpu.memref_slice %arg8[%add3A_46, %dma_wait3A_75] : memref<40x128xi32, #tpu.memory_space<vmem>> -> memref<1x128xi32, #tpu.memory_space<vmem>>
        %dma_wait3A_77 = tpu.memref_squeeze %dma_wait3A_76 : memref<1x128xi32, #tpu.memory_space<vmem>> -> memref<128xi32, #tpu.memory_space<vmem>>
        %dma_wait3A_78 = arith.constant 0 : i32
        %dma_wait3A_79 = arith.constant 0 : i32
        %dma_wait3A_80 = tpu.memref_slice %arg11[%dma_wait3A_78, %dma_wait3A_79] : memref<10112x128xf32, #tpu.memory_space<vmem_shared>> -> memref<10112x128xf32, #tpu.memory_space<vmem_shared>>
        tpu.wait_indirect_dma semaphore(%run_scoped3A : memref<!tpu.dma_semaphore, #tpu.memory_space<semaphore_mem>>) src(%arg10 : memref<128x128xf32, #tpu.memory_space<vmem>>) dst(%dma_wait3A_80 : memref<10112x128xf32, #tpu.memory_space<vmem_shared>>)
        tpu.yield
      }) : () -> ()
      %add3A_62 = arith.constant 2 : i32
      %add3A_63 = arith.addi %add3A_46, %add3A_62 : i32
      %lt3A_64 = arith.constant 40 : i32
      %lt3A_65 = arith.cmpi slt, %add3A_63, %lt3A_64 : i32
      %convert_element_type3A_66 = arith.extui %lt3A_65 : i1 to i32
      %cond3A_67 = arith.constant 0 : i32
      %cond3A_68 = arith.cmpi ne, %convert_element_type3A_66, %cond3A_67 : i32
      scf.if %cond3A_68 {
        %add3A_69 = arith.constant 2 : i32
        %add3A_70 = arith.addi %add3A_46, %add3A_69 : i32
        %dma_start3A_71 = arith.constant 0 : i32
        %dma_start3A_72 = tpu.memref_slice %arg7[%add3A_70, %dma_start3A_71] : memref<40x128xi32, #tpu.memory_space<vmem>> -> memref<1x128xi32, #tpu.memory_space<vmem>>
        %dma_start3A_73 = tpu.memref_squeeze %dma_start3A_72 : memref<1x128xi32, #tpu.memory_space<vmem>> -> memref<128xi32, #tpu.memory_space<vmem>>
        %dma_start3A_74 = arith.constant 0 : i32
        %dma_start3A_75 = arith.constant 0 : i32
        %dma_start3A_76 = tpu.memref_slice %arg2[%dma_start3A_74, %dma_start3A_75] : memref<10000x128xf32, #tpu.memory_space<hbm>> -> memref<10000x128xf32, #tpu.memory_space<hbm>>
        tpu.enqueue_indirect_dma source(%dma_start3A_76 : memref<10000x128xf32, #tpu.memory_space<hbm>>) target(%arg10 : memref<128x128xf32, #tpu.memory_space<vmem>>) offsets(%dma_start3A_73 : memref<128xi32, #tpu.memory_space<vmem>>) semaphore(%arg13 : memref<!tpu.dma_semaphore, #tpu.memory_space<semaphore_mem>>)
      } else {
      }
    }
    %scan3A_20 = arith.constant 20 : i32
    "tpu.region"() ({
      %run_scoped3A = tpu.sem_alloc : memref<!tpu.dma_semaphore, #tpu.memory_space<semaphore_mem>>
      %dma_start3A_42 = arith.constant 40 : i32
      %dma_start3A_43 = arith.constant 0 : i32
      %dma_start3A_44 = tpu.memref_slice %arg3[%add3A, %dma_start3A_42, %dma_start3A_43] : memref<32x80x128xi32, #tpu.memory_space<hbm>> -> memref<1x40x128xi32, #tpu.memory_space<hbm>>
      %dma_start3A_45 = tpu.memref_squeeze %dma_start3A_44 : memref<1x40x128xi32, #tpu.memory_space<hbm>> -> memref<40x128xi32, #tpu.memory_space<hbm>>
      %dma_start3A_46 = arith.constant 40 : i32
      %dma_start3A_47 = arith.constant 0 : i32
      %dma_start3A_48 = tpu.memref_slice %arg3[%add3A, %dma_start3A_46, %dma_start3A_47] : memref<32x80x128xi32, #tpu.memory_space<hbm>> -> memref<1x40x128xi32, #tpu.memory_space<hbm>>
      %dma_start3A_49 = tpu.memref_squeeze %dma_start3A_48 : memref<1x40x128xi32, #tpu.memory_space<hbm>> -> memref<40x128xi32, #tpu.memory_space<hbm>>
      tpu.enqueue_dma source(%dma_start3A_49 : memref<40x128xi32, #tpu.memory_space<hbm>>) target(%arg7 : memref<40x128xi32, #tpu.memory_space<vmem>>) target_semaphore(%run_scoped3A : memref<!tpu.dma_semaphore, #tpu.memory_space<semaphore_mem>>)
      %dma_wait3A = arith.constant 40 : i32
      %dma_wait3A_50 = arith.constant 0 : i32
      %dma_wait3A_51 = tpu.memref_slice %arg3[%add3A, %dma_wait3A, %dma_wait3A_50] : memref<32x80x128xi32, #tpu.memory_space<hbm>> -> memref<1x40x128xi32, #tpu.memory_space<hbm>>
      %dma_wait3A_52 = tpu.memref_squeeze %dma_wait3A_51 : memref<1x40x128xi32, #tpu.memory_space<hbm>> -> memref<40x128xi32, #tpu.memory_space<hbm>>
      %dma_wait3A_53 = arith.constant 40 : i32
      %dma_wait3A_54 = arith.constant 0 : i32
      %dma_wait3A_55 = tpu.memref_slice %arg3[%add3A, %dma_wait3A_53, %dma_wait3A_54] : memref<32x80x128xi32, #tpu.memory_space<hbm>> -> memref<1x40x128xi32, #tpu.memory_space<hbm>>
      %dma_wait3A_56 = tpu.memref_squeeze %dma_wait3A_55 : memref<1x40x128xi32, #tpu.memory_space<hbm>> -> memref<40x128xi32, #tpu.memory_space<hbm>>
      tpu.wait_dma2 semaphore(%run_scoped3A : memref<!tpu.dma_semaphore, #tpu.memory_space<semaphore_mem>>) src(%dma_wait3A_56 : memref<40x128xi32, #tpu.memory_space<hbm>>) dst(%arg7 : memref<40x128xi32, #tpu.memory_space<vmem>>)
      tpu.yield
    }) : () -> ()
    "tpu.region"() ({
      %run_scoped3A = tpu.sem_alloc : memref<!tpu.dma_semaphore, #tpu.memory_space<semaphore_mem>>
      %dma_start3A_42 = arith.constant 40 : i32
      %dma_start3A_43 = arith.constant 0 : i32
      %dma_start3A_44 = tpu.memref_slice %arg4[%add3A, %dma_start3A_42, %dma_start3A_43] : memref<32x80x128xi32, #tpu.memory_space<hbm>> -> memref<1x40x128xi32, #tpu.memory_space<hbm>>
      %dma_start3A_45 = tpu.memref_squeeze %dma_start3A_44 : memref<1x40x128xi32, #tpu.memory_space<hbm>> -> memref<40x128xi32, #tpu.memory_space<hbm>>
      %dma_start3A_46 = arith.constant 40 : i32
      %dma_start3A_47 = arith.constant 0 : i32
      %dma_start3A_48 = tpu.memref_slice %arg4[%add3A, %dma_start3A_46, %dma_start3A_47] : memref<32x80x128xi32, #tpu.memory_space<hbm>> -> memref<1x40x128xi32, #tpu.memory_space<hbm>>
      %dma_start3A_49 = tpu.memref_squeeze %dma_start3A_48 : memref<1x40x128xi32, #tpu.memory_space<hbm>> -> memref<40x128xi32, #tpu.memory_space<hbm>>
      tpu.enqueue_dma source(%dma_start3A_49 : memref<40x128xi32, #tpu.memory_space<hbm>>) target(%arg8 : memref<40x128xi32, #tpu.memory_space<vmem>>) target_semaphore(%run_scoped3A : memref<!tpu.dma_semaphore, #tpu.memory_space<semaphore_mem>>)
      %dma_wait3A = arith.constant 40 : i32
      %dma_wait3A_50 = arith.constant 0 : i32
      %dma_wait3A_51 = tpu.memref_slice %arg4[%add3A, %dma_wait3A, %dma_wait3A_50] : memref<32x80x128xi32, #tpu.memory_space<hbm>> -> memref<1x40x128xi32, #tpu.memory_space<hbm>>
      %dma_wait3A_52 = tpu.memref_squeeze %dma_wait3A_51 : memref<1x40x128xi32, #tpu.memory_space<hbm>> -> memref<40x128xi32, #tpu.memory_space<hbm>>
      %dma_wait3A_53 = arith.constant 40 : i32
      %dma_wait3A_54 = arith.constant 0 : i32
      %dma_wait3A_55 = tpu.memref_slice %arg4[%add3A, %dma_wait3A_53, %dma_wait3A_54] : memref<32x80x128xi32, #tpu.memory_space<hbm>> -> memref<1x40x128xi32, #tpu.memory_space<hbm>>
      %dma_wait3A_56 = tpu.memref_squeeze %dma_wait3A_55 : memref<1x40x128xi32, #tpu.memory_space<hbm>> -> memref<40x128xi32, #tpu.memory_space<hbm>>
      tpu.wait_dma2 semaphore(%run_scoped3A : memref<!tpu.dma_semaphore, #tpu.memory_space<semaphore_mem>>) src(%dma_wait3A_56 : memref<40x128xi32, #tpu.memory_space<hbm>>) dst(%arg8 : memref<40x128xi32, #tpu.memory_space<vmem>>)
      tpu.yield
    }) : () -> ()
    %dma_start3A_21 = arith.constant 0 : i32
    %dma_start3A_22 = arith.constant 0 : i32
    %dma_start3A_23 = tpu.memref_slice %arg7[%dma_start3A_21, %dma_start3A_22] : memref<40x128xi32, #tpu.memory_space<vmem>> -> memref<1x128xi32, #tpu.memory_space<vmem>>
    %dma_start3A_24 = tpu.memref_squeeze %dma_start3A_23 : memref<1x128xi32, #tpu.memory_space<vmem>> -> memref<128xi32, #tpu.memory_space<vmem>>
    %dma_start3A_25 = arith.constant 0 : i32
    %dma_start3A_26 = arith.constant 0 : i32
    %dma_start3A_27 = tpu.memref_slice %arg2[%dma_start3A_25, %dma_start3A_26] : memref<10000x128xf32, #tpu.memory_space<hbm>> -> memref<10000x128xf32, #tpu.memory_space<hbm>>
    tpu.enqueue_indirect_dma source(%dma_start3A_27 : memref<10000x128xf32, #tpu.memory_space<hbm>>) target(%arg9 : memref<128x128xf32, #tpu.memory_space<vmem>>) offsets(%dma_start3A_24 : memref<128xi32, #tpu.memory_space<vmem>>) semaphore(%arg12 : memref<!tpu.dma_semaphore, #tpu.memory_space<semaphore_mem>>)
    %dma_start3A_28 = arith.constant 1 : i32
    %dma_start3A_29 = arith.constant 0 : i32
    %dma_start3A_30 = tpu.memref_slice %arg7[%dma_start3A_28, %dma_start3A_29] : memref<40x128xi32, #tpu.memory_space<vmem>> -> memref<1x128xi32, #tpu.memory_space<vmem>>
    %dma_start3A_31 = tpu.memref_squeeze %dma_start3A_30 : memref<1x128xi32, #tpu.memory_space<vmem>> -> memref<128xi32, #tpu.memory_space<vmem>>
    %dma_start3A_32 = arith.constant 0 : i32
    %dma_start3A_33 = arith.constant 0 : i32
    %dma_start3A_34 = tpu.memref_slice %arg2[%dma_start3A_32, %dma_start3A_33] : memref<10000x128xf32, #tpu.memory_space<hbm>> -> memref<10000x128xf32, #tpu.memory_space<hbm>>
    tpu.enqueue_indirect_dma source(%dma_start3A_34 : memref<10000x128xf32, #tpu.memory_space<hbm>>) target(%arg10 : memref<128x128xf32, #tpu.memory_space<vmem>>) offsets(%dma_start3A_31 : memref<128xi32, #tpu.memory_space<vmem>>) semaphore(%arg13 : memref<!tpu.dma_semaphore, #tpu.memory_space<semaphore_mem>>)
    %scan3A_35 = arith.constant 0 : i32
    %scan3A_36 = arith.constant 0 : i32
    %scan3A_37 = arith.constant 20 : i32
    %scan3A_38 = arith.addi %scan3A_36, %scan3A_37 : i32
    %scan3A_39 = arith.constant 1 : i32
    scf.for %scan3A_42 = %scan3A_36 to %scan3A_38 step %scan3A_39  : i32 {
      %mul3A_43 = arith.constant 2 : i32
      %mul3A_44 = arith.muli %scan3A_42, %mul3A_43 : i32
      %add3A_45 = arith.constant 1 : i32
      %add3A_46 = arith.addi %mul3A_44, %add3A_45 : i32
      %dma_wait3A = arith.constant 0 : i32
      %dma_wait3A_47 = tpu.memref_slice %arg7[%mul3A_44, %dma_wait3A] : memref<40x128xi32, #tpu.memory_space<vmem>> -> memref<1x128xi32, #tpu.memory_space<vmem>>
      %dma_wait3A_48 = tpu.memref_squeeze %dma_wait3A_47 : memref<1x128xi32, #tpu.memory_space<vmem>> -> memref<128xi32, #tpu.memory_space<vmem>>
      %dma_wait3A_49 = arith.constant 0 : i32
      %dma_wait3A_50 = arith.constant 0 : i32
      %dma_wait3A_51 = tpu.memref_slice %arg2[%dma_wait3A_49, %dma_wait3A_50] : memref<10000x128xf32, #tpu.memory_space<hbm>> -> memref<10000x128xf32, #tpu.memory_space<hbm>>
      tpu.wait_indirect_dma semaphore(%arg12 : memref<!tpu.dma_semaphore, #tpu.memory_space<semaphore_mem>>) src(%dma_wait3A_51 : memref<10000x128xf32, #tpu.memory_space<hbm>>) dst(%arg9 : memref<128x128xf32, #tpu.memory_space<vmem>>)
      "tpu.region"() ({
        %run_scoped3A = tpu.sem_alloc : memref<!tpu.dma_semaphore, #tpu.memory_space<semaphore_mem>>
        %dma_start3A_69 = arith.constant 0 : i32
        %dma_start3A_70 = tpu.memref_slice %arg8[%mul3A_44, %dma_start3A_69] : memref<40x128xi32, #tpu.memory_space<vmem>> -> memref<1x128xi32, #tpu.memory_space<vmem>>
        %dma_start3A_71 = tpu.memref_squeeze %dma_start3A_70 : memref<1x128xi32, #tpu.memory_space<vmem>> -> memref<128xi32, #tpu.memory_space<vmem>>
        %dma_start3A_72 = arith.constant 0 : i32
        %dma_start3A_73 = arith.constant 0 : i32
        %dma_start3A_74 = tpu.memref_slice %arg11[%dma_start3A_72, %dma_start3A_73] : memref<10112x128xf32, #tpu.memory_space<vmem_shared>> -> memref<10112x128xf32, #tpu.memory_space<vmem_shared>>
        tpu.enqueue_indirect_dma source(%arg9 : memref<128x128xf32, #tpu.memory_space<vmem>>) target(%dma_start3A_74 : memref<10112x128xf32, #tpu.memory_space<vmem_shared>>) offsets(%dma_start3A_71 : memref<128xi32, #tpu.memory_space<vmem>>) semaphore(%run_scoped3A : memref<!tpu.dma_semaphore, #tpu.memory_space<semaphore_mem>>) {add = true}
        %dma_wait3A_75 = arith.constant 0 : i32
        %dma_wait3A_76 = tpu.memref_slice %arg8[%mul3A_44, %dma_wait3A_75] : memref<40x128xi32, #tpu.memory_space<vmem>> -> memref<1x128xi32, #tpu.memory_space<vmem>>
        %dma_wait3A_77 = tpu.memref_squeeze %dma_wait3A_76 : memref<1x128xi32, #tpu.memory_space<vmem>> -> memref<128xi32, #tpu.memory_space<vmem>>
        %dma_wait3A_78 = arith.constant 0 : i32
        %dma_wait3A_79 = arith.constant 0 : i32
        %dma_wait3A_80 = tpu.memref_slice %arg11[%dma_wait3A_78, %dma_wait3A_79] : memref<10112x128xf32, #tpu.memory_space<vmem_shared>> -> memref<10112x128xf32, #tpu.memory_space<vmem_shared>>
        tpu.wait_indirect_dma semaphore(%run_scoped3A : memref<!tpu.dma_semaphore, #tpu.memory_space<semaphore_mem>>) src(%arg9 : memref<128x128xf32, #tpu.memory_space<vmem>>) dst(%dma_wait3A_80 : memref<10112x128xf32, #tpu.memory_space<vmem_shared>>)
        tpu.yield
      }) : () -> ()
      %add3A_52 = arith.constant 2 : i32
      %add3A_53 = arith.addi %mul3A_44, %add3A_52 : i32
      %lt3A = arith.constant 40 : i32
      %lt3A_54 = arith.cmpi slt, %add3A_53, %lt3A : i32
      %convert_element_type3A = arith.extui %lt3A_54 : i1 to i32
      %cond3A = arith.constant 0 : i32
      %cond3A_55 = arith.cmpi ne, %convert_element_type3A, %cond3A : i32
      scf.if %cond3A_55 {
        %add3A_69 = arith.constant 2 : i32
        %add3A_70 = arith.addi %mul3A_44, %add3A_69 : i32
        %dma_start3A_71 = arith.constant 0 : i32
        %dma_start3A_72 = tpu.memref_slice %arg7[%add3A_70, %dma_start3A_71] : memref<40x128xi32, #tpu.memory_space<vmem>> -> memref<1x128xi32, #tpu.memory_space<vmem>>
        %dma_start3A_73 = tpu.memref_squeeze %dma_start3A_72 : memref<1x128xi32, #tpu.memory_space<vmem>> -> memref<128xi32, #tpu.memory_space<vmem>>
        %dma_start3A_74 = arith.constant 0 : i32
        %dma_start3A_75 = arith.constant 0 : i32
        %dma_start3A_76 = tpu.memref_slice %arg2[%dma_start3A_74, %dma_start3A_75] : memref<10000x128xf32, #tpu.memory_space<hbm>> -> memref<10000x128xf32, #tpu.memory_space<hbm>>
        tpu.enqueue_indirect_dma source(%dma_start3A_76 : memref<10000x128xf32, #tpu.memory_space<hbm>>) target(%arg9 : memref<128x128xf32, #tpu.memory_space<vmem>>) offsets(%dma_start3A_73 : memref<128xi32, #tpu.memory_space<vmem>>) semaphore(%arg12 : memref<!tpu.dma_semaphore, #tpu.memory_space<semaphore_mem>>)
      } else {
      }
      %dma_wait3A_56 = arith.constant 0 : i32
      %dma_wait3A_57 = tpu.memref_slice %arg7[%add3A_46, %dma_wait3A_56] : memref<40x128xi32, #tpu.memory_space<vmem>> -> memref<1x128xi32, #tpu.memory_space<vmem>>
      %dma_wait3A_58 = tpu.memref_squeeze %dma_wait3A_57 : memref<1x128xi32, #tpu.memory_space<vmem>> -> memref<128xi32, #tpu.memory_space<vmem>>
      %dma_wait3A_59 = arith.constant 0 : i32
      %dma_wait3A_60 = arith.constant 0 : i32
      %dma_wait3A_61 = tpu.memref_slice %arg2[%dma_wait3A_59, %dma_wait3A_60] : memref<10000x128xf32, #tpu.memory_space<hbm>> -> memref<10000x128xf32, #tpu.memory_space<hbm>>
      tpu.wait_indirect_dma semaphore(%arg13 : memref<!tpu.dma_semaphore, #tpu.memory_space<semaphore_mem>>) src(%dma_wait3A_61 : memref<10000x128xf32, #tpu.memory_space<hbm>>) dst(%arg10 : memref<128x128xf32, #tpu.memory_space<vmem>>)
      "tpu.region"() ({
        %run_scoped3A = tpu.sem_alloc : memref<!tpu.dma_semaphore, #tpu.memory_space<semaphore_mem>>
        %dma_start3A_69 = arith.constant 0 : i32
        %dma_start3A_70 = tpu.memref_slice %arg8[%add3A_46, %dma_start3A_69] : memref<40x128xi32, #tpu.memory_space<vmem>> -> memref<1x128xi32, #tpu.memory_space<vmem>>
        %dma_start3A_71 = tpu.memref_squeeze %dma_start3A_70 : memref<1x128xi32, #tpu.memory_space<vmem>> -> memref<128xi32, #tpu.memory_space<vmem>>
        %dma_start3A_72 = arith.constant 0 : i32
        %dma_start3A_73 = arith.constant 0 : i32
        %dma_start3A_74 = tpu.memref_slice %arg11[%dma_start3A_72, %dma_start3A_73] : memref<10112x128xf32, #tpu.memory_space<vmem_shared>> -> memref<10112x128xf32, #tpu.memory_space<vmem_shared>>
        tpu.enqueue_indirect_dma source(%arg10 : memref<128x128xf32, #tpu.memory_space<vmem>>) target(%dma_start3A_74 : memref<10112x128xf32, #tpu.memory_space<vmem_shared>>) offsets(%dma_start3A_71 : memref<128xi32, #tpu.memory_space<vmem>>) semaphore(%run_scoped3A : memref<!tpu.dma_semaphore, #tpu.memory_space<semaphore_mem>>) {add = true}
        %dma_wait3A_75 = arith.constant 0 : i32
        %dma_wait3A_76 = tpu.memref_slice %arg8[%add3A_46, %dma_wait3A_75] : memref<40x128xi32, #tpu.memory_space<vmem>> -> memref<1x128xi32, #tpu.memory_space<vmem>>
        %dma_wait3A_77 = tpu.memref_squeeze %dma_wait3A_76 : memref<1x128xi32, #tpu.memory_space<vmem>> -> memref<128xi32, #tpu.memory_space<vmem>>
        %dma_wait3A_78 = arith.constant 0 : i32
        %dma_wait3A_79 = arith.constant 0 : i32
        %dma_wait3A_80 = tpu.memref_slice %arg11[%dma_wait3A_78, %dma_wait3A_79] : memref<10112x128xf32, #tpu.memory_space<vmem_shared>> -> memref<10112x128xf32, #tpu.memory_space<vmem_shared>>
        tpu.wait_indirect_dma semaphore(%run_scoped3A : memref<!tpu.dma_semaphore, #tpu.memory_space<semaphore_mem>>) src(%arg10 : memref<128x128xf32, #tpu.memory_space<vmem>>) dst(%dma_wait3A_80 : memref<10112x128xf32, #tpu.memory_space<vmem_shared>>)
        tpu.yield
      }) : () -> ()
      %add3A_62 = arith.constant 2 : i32
      %add3A_63 = arith.addi %add3A_46, %add3A_62 : i32
      %lt3A_64 = arith.constant 40 : i32
      %lt3A_65 = arith.cmpi slt, %add3A_63, %lt3A_64 : i32
      %convert_element_type3A_66 = arith.extui %lt3A_65 : i1 to i32
      %cond3A_67 = arith.constant 0 : i32
      %cond3A_68 = arith.cmpi ne, %convert_element_type3A_66, %cond3A_67 : i32
      scf.if %cond3A_68 {
        %add3A_69 = arith.constant 2 : i32
        %add3A_70 = arith.addi %add3A_46, %add3A_69 : i32
        %dma_start3A_71 = arith.constant 0 : i32
        %dma_start3A_72 = tpu.memref_slice %arg7[%add3A_70, %dma_start3A_71] : memref<40x128xi32, #tpu.memory_space<vmem>> -> memref<1x128xi32, #tpu.memory_space<vmem>>
        %dma_start3A_73 = tpu.memref_squeeze %dma_start3A_72 : memref<1x128xi32, #tpu.memory_space<vmem>> -> memref<128xi32, #tpu.memory_space<vmem>>
        %dma_start3A_74 = arith.constant 0 : i32
        %dma_start3A_75 = arith.constant 0 : i32
        %dma_start3A_76 = tpu.memref_slice %arg2[%dma_start3A_74, %dma_start3A_75] : memref<10000x128xf32, #tpu.memory_space<hbm>> -> memref<10000x128xf32, #tpu.memory_space<hbm>>
        tpu.enqueue_indirect_dma source(%dma_start3A_76 : memref<10000x128xf32, #tpu.memory_space<hbm>>) target(%arg10 : memref<128x128xf32, #tpu.memory_space<vmem>>) offsets(%dma_start3A_73 : memref<128xi32, #tpu.memory_space<vmem>>) semaphore(%arg13 : memref<!tpu.dma_semaphore, #tpu.memory_space<semaphore_mem>>)
      } else {
      }
    }
    %scan3A_40 = arith.constant 20 : i32
    %barrier3A_41 = arith.constant 0 : index
    tpu.barrier barrier_id(%barrier3A_41)
    "tpu.region"() ({
      %run_scoped3A = tpu.sem_alloc : memref<!tpu.dma_semaphore, #tpu.memory_space<semaphore_mem>>
      %dma_start3A_42 = arith.constant 0 : i32
      %dma_start3A_43 = tpu.memref_slice %arg6[%arg0, %mul3A_2, %dma_start3A_42] : memref<2x10112x128xf32, #tpu.memory_space<hbm>> -> memref<1x632x128xf32, #tpu.memory_space<hbm>>
      %dma_start3A_44 = tpu.memref_squeeze %dma_start3A_43 : memref<1x632x128xf32, #tpu.memory_space<hbm>> -> memref<632x128xf32, #tpu.memory_space<hbm>>
      %dma_start3A_45 = arith.constant 0 : i32
      %dma_start3A_46 = tpu.memref_slice %arg11[%mul3A_2, %dma_start3A_45] : memref<10112x128xf32, #tpu.memory_space<vmem_shared>> -> memref<632x128xf32, #tpu.memory_space<vmem_shared>>
      tpu.enqueue_dma source(%dma_start3A_46 : memref<632x128xf32, #tpu.memory_space<vmem_shared>>) target(%dma_start3A_44 : memref<632x128xf32, #tpu.memory_space<hbm>>) target_semaphore(%run_scoped3A : memref<!tpu.dma_semaphore, #tpu.memory_space<semaphore_mem>>)
      %dma_wait3A = arith.constant 0 : i32
      %dma_wait3A_47 = tpu.memref_slice %arg6[%arg0, %mul3A_2, %dma_wait3A] : memref<2x10112x128xf32, #tpu.memory_space<hbm>> -> memref<1x632x128xf32, #tpu.memory_space<hbm>>
      %dma_wait3A_48 = tpu.memref_squeeze %dma_wait3A_47 : memref<1x632x128xf32, #tpu.memory_space<hbm>> -> memref<632x128xf32, #tpu.memory_space<hbm>>
      %dma_wait3A_49 = arith.constant 0 : i32
      %dma_wait3A_50 = tpu.memref_slice %arg11[%mul3A_2, %dma_wait3A_49] : memref<10112x128xf32, #tpu.memory_space<vmem_shared>> -> memref<632x128xf32, #tpu.memory_space<vmem_shared>>
      tpu.wait_dma2 semaphore(%run_scoped3A : memref<!tpu.dma_semaphore, #tpu.memory_space<semaphore_mem>>) src(%dma_wait3A_50 : memref<632x128xf32, #tpu.memory_space<vmem_shared>>) dst(%dma_wait3A_48 : memref<632x128xf32, #tpu.memory_space<hbm>>)
      tpu.yield
    }) : () -> ()
    return
  }
}

#map = affine_map<(d0, d1) -> (0, 0, 0)>
#map1 = affine_map<(d0, d1) -> (0, 0)>
module attributes {stable_mosaic.version = 14 : i64} {
  func.func @_deg_body(%arg0: i32, %arg1: i32, %arg2: memref<32x80x128xi32, #tpu.memory_space<hbm>>, %arg3: memref<10112x128xf32, #tpu.memory_space<hbm>>, %arg4: memref<128x128xf32, #tpu.memory_space<hbm>>, %arg5: memref<2x10112x128xf32, #tpu.memory_space<hbm>>, %arg6: memref<80x128xi32, #tpu.memory_space<vmem>>, %arg7: memref<128x128xf32, #tpu.memory_space<vmem>>, %arg8: memref<10112x128xf32, #tpu.memory_space<vmem_shared>>) attributes {dimension_semantics = [#tpu.dimension_semantics<core_parallel>, #tpu.dimension_semantics<subcore_parallel>], iteration_bounds = array<i64: 2, 16>, scalar_prefetch = 0 : i64, scratch_operands = 3 : i64, tpu.core_type = #tpu.core_type<sc_vector_subcore>, window_params = [{transform_indices = #map}, {transform_indices = #map1}, {transform_indices = #map1}, {transform_indices = #map}]} {
    %mul3A = arith.constant 16 : i32
    %mul3A_0 = arith.muli %arg0, %mul3A : i32
    %add3A = arith.addi %mul3A_0, %arg1 : i32
    %mul3A_1 = arith.constant 632 : i32
    %mul3A_2 = arith.muli %arg1, %mul3A_1 : i32
    "tpu.region"() ({
      %run_scoped3A = tpu.sem_alloc : memref<!tpu.dma_semaphore, #tpu.memory_space<semaphore_mem>>
      %dma_start3A = arith.constant 0 : i32
      %dma_start3A_9 = arith.constant 0 : i32
      %dma_start3A_10 = tpu.memref_slice %arg2[%add3A, %dma_start3A, %dma_start3A_9] : memref<32x80x128xi32, #tpu.memory_space<hbm>> -> memref<1x80x128xi32, #tpu.memory_space<hbm>>
      %dma_start3A_11 = tpu.memref_squeeze %dma_start3A_10 : memref<1x80x128xi32, #tpu.memory_space<hbm>> -> memref<80x128xi32, #tpu.memory_space<hbm>>
      %dma_start3A_12 = arith.constant 0 : i32
      %dma_start3A_13 = arith.constant 0 : i32
      %dma_start3A_14 = tpu.memref_slice %arg2[%add3A, %dma_start3A_12, %dma_start3A_13] : memref<32x80x128xi32, #tpu.memory_space<hbm>> -> memref<1x80x128xi32, #tpu.memory_space<hbm>>
      %dma_start3A_15 = tpu.memref_squeeze %dma_start3A_14 : memref<1x80x128xi32, #tpu.memory_space<hbm>> -> memref<80x128xi32, #tpu.memory_space<hbm>>
      tpu.enqueue_dma source(%dma_start3A_15 : memref<80x128xi32, #tpu.memory_space<hbm>>) target(%arg6 : memref<80x128xi32, #tpu.memory_space<vmem>>) target_semaphore(%run_scoped3A : memref<!tpu.dma_semaphore, #tpu.memory_space<semaphore_mem>>)
      %dma_wait3A = arith.constant 0 : i32
      %dma_wait3A_16 = arith.constant 0 : i32
      %dma_wait3A_17 = tpu.memref_slice %arg2[%add3A, %dma_wait3A, %dma_wait3A_16] : memref<32x80x128xi32, #tpu.memory_space<hbm>> -> memref<1x80x128xi32, #tpu.memory_space<hbm>>
      %dma_wait3A_18 = tpu.memref_squeeze %dma_wait3A_17 : memref<1x80x128xi32, #tpu.memory_space<hbm>> -> memref<80x128xi32, #tpu.memory_space<hbm>>
      %dma_wait3A_19 = arith.constant 0 : i32
      %dma_wait3A_20 = arith.constant 0 : i32
      %dma_wait3A_21 = tpu.memref_slice %arg2[%add3A, %dma_wait3A_19, %dma_wait3A_20] : memref<32x80x128xi32, #tpu.memory_space<hbm>> -> memref<1x80x128xi32, #tpu.memory_space<hbm>>
      %dma_wait3A_22 = tpu.memref_squeeze %dma_wait3A_21 : memref<1x80x128xi32, #tpu.memory_space<hbm>> -> memref<80x128xi32, #tpu.memory_space<hbm>>
      tpu.wait_dma2 semaphore(%run_scoped3A : memref<!tpu.dma_semaphore, #tpu.memory_space<semaphore_mem>>) src(%dma_wait3A_22 : memref<80x128xi32, #tpu.memory_space<hbm>>) dst(%arg6 : memref<80x128xi32, #tpu.memory_space<vmem>>)
      tpu.yield
    }) : () -> ()
    "tpu.region"() ({
      %run_scoped3A = tpu.sem_alloc : memref<!tpu.dma_semaphore, #tpu.memory_space<semaphore_mem>>
      tpu.enqueue_dma source(%arg4 : memref<128x128xf32, #tpu.memory_space<hbm>>) target(%arg7 : memref<128x128xf32, #tpu.memory_space<vmem>>) target_semaphore(%run_scoped3A : memref<!tpu.dma_semaphore, #tpu.memory_space<semaphore_mem>>)
      tpu.wait_dma2 semaphore(%run_scoped3A : memref<!tpu.dma_semaphore, #tpu.memory_space<semaphore_mem>>) src(%arg4 : memref<128x128xf32, #tpu.memory_space<hbm>>) dst(%arg7 : memref<128x128xf32, #tpu.memory_space<vmem>>)
      tpu.yield
    }) : () -> ()
    "tpu.region"() ({
      %run_scoped3A = tpu.sem_alloc : memref<!tpu.dma_semaphore, #tpu.memory_space<semaphore_mem>>
      %dma_start3A = arith.constant 0 : i32
      %dma_start3A_9 = tpu.memref_slice %arg8[%mul3A_2, %dma_start3A] : memref<10112x128xf32, #tpu.memory_space<vmem_shared>> -> memref<632x128xf32, #tpu.memory_space<vmem_shared>>
      %dma_start3A_10 = arith.constant 0 : i32
      %dma_start3A_11 = tpu.memref_slice %arg3[%mul3A_2, %dma_start3A_10] : memref<10112x128xf32, #tpu.memory_space<hbm>> -> memref<632x128xf32, #tpu.memory_space<hbm>>
      tpu.enqueue_dma source(%dma_start3A_11 : memref<632x128xf32, #tpu.memory_space<hbm>>) target(%dma_start3A_9 : memref<632x128xf32, #tpu.memory_space<vmem_shared>>) target_semaphore(%run_scoped3A : memref<!tpu.dma_semaphore, #tpu.memory_space<semaphore_mem>>)
      %dma_wait3A = arith.constant 0 : i32
      %dma_wait3A_12 = tpu.memref_slice %arg8[%mul3A_2, %dma_wait3A] : memref<10112x128xf32, #tpu.memory_space<vmem_shared>> -> memref<632x128xf32, #tpu.memory_space<vmem_shared>>
      %dma_wait3A_13 = arith.constant 0 : i32
      %dma_wait3A_14 = tpu.memref_slice %arg3[%mul3A_2, %dma_wait3A_13] : memref<10112x128xf32, #tpu.memory_space<hbm>> -> memref<632x128xf32, #tpu.memory_space<hbm>>
      tpu.wait_dma2 semaphore(%run_scoped3A : memref<!tpu.dma_semaphore, #tpu.memory_space<semaphore_mem>>) src(%dma_wait3A_14 : memref<632x128xf32, #tpu.memory_space<hbm>>) dst(%dma_wait3A_12 : memref<632x128xf32, #tpu.memory_space<vmem_shared>>)
      tpu.yield
    }) : () -> ()
    %barrier3A = arith.constant 0 : index
    tpu.barrier barrier_id(%barrier3A)
    %scan3A = arith.constant 0 : i32
    %scan3A_3 = arith.constant 0 : i32
    %scan3A_4 = arith.constant 80 : i32
    %scan3A_5 = arith.addi %scan3A_3, %scan3A_4 : i32
    %scan3A_6 = arith.constant 1 : i32
    scf.for %scan3A_9 = %scan3A_3 to %scan3A_5 step %scan3A_6  : i32 {
      "tpu.region"() ({
        %run_scoped3A = tpu.sem_alloc : memref<!tpu.dma_semaphore, #tpu.memory_space<semaphore_mem>>
        %dma_start3A = arith.constant 0 : i32
        %dma_start3A_10 = tpu.memref_slice %arg6[%scan3A_9, %dma_start3A] : memref<80x128xi32, #tpu.memory_space<vmem>> -> memref<1x128xi32, #tpu.memory_space<vmem>>
        %dma_start3A_11 = tpu.memref_squeeze %dma_start3A_10 : memref<1x128xi32, #tpu.memory_space<vmem>> -> memref<128xi32, #tpu.memory_space<vmem>>
        %dma_start3A_12 = arith.constant 0 : i32
        %dma_start3A_13 = arith.constant 0 : i32
        %dma_start3A_14 = tpu.memref_slice %arg8[%dma_start3A_12, %dma_start3A_13] : memref<10112x128xf32, #tpu.memory_space<vmem_shared>> -> memref<10112x128xf32, #tpu.memory_space<vmem_shared>>
        tpu.enqueue_indirect_dma source(%arg7 : memref<128x128xf32, #tpu.memory_space<vmem>>) target(%dma_start3A_14 : memref<10112x128xf32, #tpu.memory_space<vmem_shared>>) offsets(%dma_start3A_11 : memref<128xi32, #tpu.memory_space<vmem>>) semaphore(%run_scoped3A : memref<!tpu.dma_semaphore, #tpu.memory_space<semaphore_mem>>) {add = true}
        %dma_wait3A = arith.constant 0 : i32
        %dma_wait3A_15 = tpu.memref_slice %arg6[%scan3A_9, %dma_wait3A] : memref<80x128xi32, #tpu.memory_space<vmem>> -> memref<1x128xi32, #tpu.memory_space<vmem>>
        %dma_wait3A_16 = tpu.memref_squeeze %dma_wait3A_15 : memref<1x128xi32, #tpu.memory_space<vmem>> -> memref<128xi32, #tpu.memory_space<vmem>>
        %dma_wait3A_17 = arith.constant 0 : i32
        %dma_wait3A_18 = arith.constant 0 : i32
        %dma_wait3A_19 = tpu.memref_slice %arg8[%dma_wait3A_17, %dma_wait3A_18] : memref<10112x128xf32, #tpu.memory_space<vmem_shared>> -> memref<10112x128xf32, #tpu.memory_space<vmem_shared>>
        tpu.wait_indirect_dma semaphore(%run_scoped3A : memref<!tpu.dma_semaphore, #tpu.memory_space<semaphore_mem>>) src(%arg7 : memref<128x128xf32, #tpu.memory_space<vmem>>) dst(%dma_wait3A_19 : memref<10112x128xf32, #tpu.memory_space<vmem_shared>>)
        tpu.yield
      }) : () -> ()
    }
    %scan3A_7 = arith.constant 80 : i32
    %barrier3A_8 = arith.constant 0 : index
    tpu.barrier barrier_id(%barrier3A_8)
    "tpu.region"() ({
      %run_scoped3A = tpu.sem_alloc : memref<!tpu.dma_semaphore, #tpu.memory_space<semaphore_mem>>
      %dma_start3A = arith.constant 0 : i32
      %dma_start3A_9 = tpu.memref_slice %arg5[%arg0, %mul3A_2, %dma_start3A] : memref<2x10112x128xf32, #tpu.memory_space<hbm>> -> memref<1x632x128xf32, #tpu.memory_space<hbm>>
      %dma_start3A_10 = tpu.memref_squeeze %dma_start3A_9 : memref<1x632x128xf32, #tpu.memory_space<hbm>> -> memref<632x128xf32, #tpu.memory_space<hbm>>
      %dma_start3A_11 = arith.constant 0 : i32
      %dma_start3A_12 = tpu.memref_slice %arg8[%mul3A_2, %dma_start3A_11] : memref<10112x128xf32, #tpu.memory_space<vmem_shared>> -> memref<632x128xf32, #tpu.memory_space<vmem_shared>>
      tpu.enqueue_dma source(%dma_start3A_12 : memref<632x128xf32, #tpu.memory_space<vmem_shared>>) target(%dma_start3A_10 : memref<632x128xf32, #tpu.memory_space<hbm>>) target_semaphore(%run_scoped3A : memref<!tpu.dma_semaphore, #tpu.memory_space<semaphore_mem>>)
      %dma_wait3A = arith.constant 0 : i32
      %dma_wait3A_13 = tpu.memref_slice %arg5[%arg0, %mul3A_2, %dma_wait3A] : memref<2x10112x128xf32, #tpu.memory_space<hbm>> -> memref<1x632x128xf32, #tpu.memory_space<hbm>>
      %dma_wait3A_14 = tpu.memref_squeeze %dma_wait3A_13 : memref<1x632x128xf32, #tpu.memory_space<hbm>> -> memref<632x128xf32, #tpu.memory_space<hbm>>
      %dma_wait3A_15 = arith.constant 0 : i32
      %dma_wait3A_16 = tpu.memref_slice %arg8[%mul3A_2, %dma_wait3A_15] : memref<10112x128xf32, #tpu.memory_space<vmem_shared>> -> memref<632x128xf32, #tpu.memory_space<vmem_shared>>
      tpu.wait_dma2 semaphore(%run_scoped3A : memref<!tpu.dma_semaphore, #tpu.memory_space<semaphore_mem>>) src(%dma_wait3A_16 : memref<632x128xf32, #tpu.memory_space<vmem_shared>>) dst(%dma_wait3A_14 : memref<632x128xf32, #tpu.memory_space<hbm>>)
      tpu.yield
    }) : () -> ()
    return
  }
}

#map = affine_map<(d0, d1) -> (0, 0)>
#map1 = affine_map<(d0, d1) -> (0, 0, 0)>
module attributes {stable_mosaic.version = 14 : i64} {
  func.func @_seg_body(%arg0: i32, %arg1: i32, %arg2: memref<10000x128xf32, #tpu.memory_space<hbm>>, %arg3: memref<32x80x128xi32, #tpu.memory_space<hbm>>, %arg4: memref<32x80x128xi32, #tpu.memory_space<hbm>>, %arg5: memref<10112x128xf32, #tpu.memory_space<hbm>>, %arg6: memref<2x10112x128xf32, #tpu.memory_space<hbm>>, %arg7: memref<40x128xi32, #tpu.memory_space<vmem>>, %arg8: memref<40x128xi32, #tpu.memory_space<vmem>>, %arg9: memref<128x128xf32, #tpu.memory_space<vmem>>, %arg10: memref<128x128xf32, #tpu.memory_space<vmem>>, %arg11: memref<10112x128xf32, #tpu.memory_space<vmem_shared>>, %arg12: memref<!tpu.dma_semaphore, #tpu.memory_space<semaphore_mem>>, %arg13: memref<!tpu.dma_semaphore, #tpu.memory_space<semaphore_mem>>) attributes {dimension_semantics = [#tpu.dimension_semantics<core_parallel>, #tpu.dimension_semantics<subcore_parallel>], iteration_bounds = array<i64: 2, 16>, scalar_prefetch = 0 : i64, scratch_operands = 7 : i64, tpu.core_type = #tpu.core_type<sc_vector_subcore>, window_params = [{transform_indices = #map}, {transform_indices = #map1}, {transform_indices = #map1}, {transform_indices = #map}, {transform_indices = #map1}]} {
    %mul3A = arith.constant 16 : i32
    %mul3A_0 = arith.muli %arg0, %mul3A : i32
    %add3A = arith.addi %mul3A_0, %arg1 : i32
    %mul3A_1 = arith.constant 632 : i32
    %mul3A_2 = arith.muli %arg1, %mul3A_1 : i32
    "tpu.region"() ({
      %run_scoped3A = tpu.sem_alloc : memref<!tpu.dma_semaphore, #tpu.memory_space<semaphore_mem>>
      %dma_start3A_42 = arith.constant 0 : i32
      %dma_start3A_43 = arith.constant 0 : i32
      %dma_start3A_44 = tpu.memref_slice %arg3[%add3A, %dma_start3A_42, %dma_start3A_43] : memref<32x80x128xi32, #tpu.memory_space<hbm>> -> memref<1x40x128xi32, #tpu.memory_space<hbm>>
      %dma_start3A_45 = tpu.memref_squeeze %dma_start3A_44 : memref<1x40x128xi32, #tpu.memory_space<hbm>> -> memref<40x128xi32, #tpu.memory_space<hbm>>
      %dma_start3A_46 = arith.constant 0 : i32
      %dma_start3A_47 = arith.constant 0 : i32
      %dma_start3A_48 = tpu.memref_slice %arg3[%add3A, %dma_start3A_46, %dma_start3A_47] : memref<32x80x128xi32, #tpu.memory_space<hbm>> -> memref<1x40x128xi32, #tpu.memory_space<hbm>>
      %dma_start3A_49 = tpu.memref_squeeze %dma_start3A_48 : memref<1x40x128xi32, #tpu.memory_space<hbm>> -> memref<40x128xi32, #tpu.memory_space<hbm>>
      tpu.enqueue_dma source(%dma_start3A_49 : memref<40x128xi32, #tpu.memory_space<hbm>>) target(%arg7 : memref<40x128xi32, #tpu.memory_space<vmem>>) target_semaphore(%run_scoped3A : memref<!tpu.dma_semaphore, #tpu.memory_space<semaphore_mem>>)
      %dma_wait3A = arith.constant 0 : i32
      %dma_wait3A_50 = arith.constant 0 : i32
      %dma_wait3A_51 = tpu.memref_slice %arg3[%add3A, %dma_wait3A, %dma_wait3A_50] : memref<32x80x128xi32, #tpu.memory_space<hbm>> -> memref<1x40x128xi32, #tpu.memory_space<hbm>>
      %dma_wait3A_52 = tpu.memref_squeeze %dma_wait3A_51 : memref<1x40x128xi32, #tpu.memory_space<hbm>> -> memref<40x128xi32, #tpu.memory_space<hbm>>
      %dma_wait3A_53 = arith.constant 0 : i32
      %dma_wait3A_54 = arith.constant 0 : i32
      %dma_wait3A_55 = tpu.memref_slice %arg3[%add3A, %dma_wait3A_53, %dma_wait3A_54] : memref<32x80x128xi32, #tpu.memory_space<hbm>> -> memref<1x40x128xi32, #tpu.memory_space<hbm>>
      %dma_wait3A_56 = tpu.memref_squeeze %dma_wait3A_55 : memref<1x40x128xi32, #tpu.memory_space<hbm>> -> memref<40x128xi32, #tpu.memory_space<hbm>>
      tpu.wait_dma2 semaphore(%run_scoped3A : memref<!tpu.dma_semaphore, #tpu.memory_space<semaphore_mem>>) src(%dma_wait3A_56 : memref<40x128xi32, #tpu.memory_space<hbm>>) dst(%arg7 : memref<40x128xi32, #tpu.memory_space<vmem>>)
      tpu.yield
    }) : () -> ()
    "tpu.region"() ({
      %run_scoped3A = tpu.sem_alloc : memref<!tpu.dma_semaphore, #tpu.memory_space<semaphore_mem>>
      %dma_start3A_42 = arith.constant 0 : i32
      %dma_start3A_43 = arith.constant 0 : i32
      %dma_start3A_44 = tpu.memref_slice %arg4[%add3A, %dma_start3A_42, %dma_start3A_43] : memref<32x80x128xi32, #tpu.memory_space<hbm>> -> memref<1x40x128xi32, #tpu.memory_space<hbm>>
      %dma_start3A_45 = tpu.memref_squeeze %dma_start3A_44 : memref<1x40x128xi32, #tpu.memory_space<hbm>> -> memref<40x128xi32, #tpu.memory_space<hbm>>
      %dma_start3A_46 = arith.constant 0 : i32
      %dma_start3A_47 = arith.constant 0 : i32
      %dma_start3A_48 = tpu.memref_slice %arg4[%add3A, %dma_start3A_46, %dma_start3A_47] : memref<32x80x128xi32, #tpu.memory_space<hbm>> -> memref<1x40x128xi32, #tpu.memory_space<hbm>>
      %dma_start3A_49 = tpu.memref_squeeze %dma_start3A_48 : memref<1x40x128xi32, #tpu.memory_space<hbm>> -> memref<40x128xi32, #tpu.memory_space<hbm>>
      tpu.enqueue_dma source(%dma_start3A_49 : memref<40x128xi32, #tpu.memory_space<hbm>>) target(%arg8 : memref<40x128xi32, #tpu.memory_space<vmem>>) target_semaphore(%run_scoped3A : memref<!tpu.dma_semaphore, #tpu.memory_space<semaphore_mem>>)
      %dma_wait3A = arith.constant 0 : i32
      %dma_wait3A_50 = arith.constant 0 : i32
      %dma_wait3A_51 = tpu.memref_slice %arg4[%add3A, %dma_wait3A, %dma_wait3A_50] : memref<32x80x128xi32, #tpu.memory_space<hbm>> -> memref<1x40x128xi32, #tpu.memory_space<hbm>>
      %dma_wait3A_52 = tpu.memref_squeeze %dma_wait3A_51 : memref<1x40x128xi32, #tpu.memory_space<hbm>> -> memref<40x128xi32, #tpu.memory_space<hbm>>
      %dma_wait3A_53 = arith.constant 0 : i32
      %dma_wait3A_54 = arith.constant 0 : i32
      %dma_wait3A_55 = tpu.memref_slice %arg4[%add3A, %dma_wait3A_53, %dma_wait3A_54] : memref<32x80x128xi32, #tpu.memory_space<hbm>> -> memref<1x40x128xi32, #tpu.memory_space<hbm>>
      %dma_wait3A_56 = tpu.memref_squeeze %dma_wait3A_55 : memref<1x40x128xi32, #tpu.memory_space<hbm>> -> memref<40x128xi32, #tpu.memory_space<hbm>>
      tpu.wait_dma2 semaphore(%run_scoped3A : memref<!tpu.dma_semaphore, #tpu.memory_space<semaphore_mem>>) src(%dma_wait3A_56 : memref<40x128xi32, #tpu.memory_space<hbm>>) dst(%arg8 : memref<40x128xi32, #tpu.memory_space<vmem>>)
      tpu.yield
    }) : () -> ()
    "tpu.region"() ({
      %run_scoped3A = tpu.sem_alloc : memref<!tpu.dma_semaphore, #tpu.memory_space<semaphore_mem>>
      %dma_start3A_42 = arith.constant 0 : i32
      %dma_start3A_43 = tpu.memref_slice %arg11[%mul3A_2, %dma_start3A_42] : memref<10112x128xf32, #tpu.memory_space<vmem_shared>> -> memref<632x128xf32, #tpu.memory_space<vmem_shared>>
      %dma_start3A_44 = arith.constant 0 : i32
      %dma_start3A_45 = tpu.memref_slice %arg5[%mul3A_2, %dma_start3A_44] : memref<10112x128xf32, #tpu.memory_space<hbm>> -> memref<632x128xf32, #tpu.memory_space<hbm>>
      tpu.enqueue_dma source(%dma_start3A_45 : memref<632x128xf32, #tpu.memory_space<hbm>>) target(%dma_start3A_43 : memref<632x128xf32, #tpu.memory_space<vmem_shared>>) target_semaphore(%run_scoped3A : memref<!tpu.dma_semaphore, #tpu.memory_space<semaphore_mem>>)
      %dma_wait3A = arith.constant 0 : i32
      %dma_wait3A_46 = tpu.memref_slice %arg11[%mul3A_2, %dma_wait3A] : memref<10112x128xf32, #tpu.memory_space<vmem_shared>> -> memref<632x128xf32, #tpu.memory_space<vmem_shared>>
      %dma_wait3A_47 = arith.constant 0 : i32
      %dma_wait3A_48 = tpu.memref_slice %arg5[%mul3A_2, %dma_wait3A_47] : memref<10112x128xf32, #tpu.memory_space<hbm>> -> memref<632x128xf32, #tpu.memory_space<hbm>>
      tpu.wait_dma2 semaphore(%run_scoped3A : memref<!tpu.dma_semaphore, #tpu.memory_space<semaphore_mem>>) src(%dma_wait3A_48 : memref<632x128xf32, #tpu.memory_space<hbm>>) dst(%dma_wait3A_46 : memref<632x128xf32, #tpu.memory_space<vmem_shared>>)
      tpu.yield
    }) : () -> ()
    %barrier3A = arith.constant 0 : index
    tpu.barrier barrier_id(%barrier3A)
    %dma_start3A = arith.constant 0 : i32
    %dma_start3A_3 = arith.constant 0 : i32
    %dma_start3A_4 = tpu.memref_slice %arg7[%dma_start3A, %dma_start3A_3] : memref<40x128xi32, #tpu.memory_space<vmem>> -> memref<1x128xi32, #tpu.memory_space<vmem>>
    %dma_start3A_5 = tpu.memref_squeeze %dma_start3A_4 : memref<1x128xi32, #tpu.memory_space<vmem>> -> memref<128xi32, #tpu.memory_space<vmem>>
    %dma_start3A_6 = arith.constant 0 : i32
    %dma_start3A_7 = arith.constant 0 : i32
    %dma_start3A_8 = tpu.memref_slice %arg2[%dma_start3A_6, %dma_start3A_7] : memref<10000x128xf32, #tpu.memory_space<hbm>> -> memref<10000x128xf32, #tpu.memory_space<hbm>>
    tpu.enqueue_indirect_dma source(%dma_start3A_8 : memref<10000x128xf32, #tpu.memory_space<hbm>>) target(%arg9 : memref<128x128xf32, #tpu.memory_space<vmem>>) offsets(%dma_start3A_5 : memref<128xi32, #tpu.memory_space<vmem>>) semaphore(%arg12 : memref<!tpu.dma_semaphore, #tpu.memory_space<semaphore_mem>>)
    %dma_start3A_9 = arith.constant 1 : i32
    %dma_start3A_10 = arith.constant 0 : i32
    %dma_start3A_11 = tpu.memref_slice %arg7[%dma_start3A_9, %dma_start3A_10] : memref<40x128xi32, #tpu.memory_space<vmem>> -> memref<1x128xi32, #tpu.memory_space<vmem>>
    %dma_start3A_12 = tpu.memref_squeeze %dma_start3A_11 : memref<1x128xi32, #tpu.memory_space<vmem>> -> memref<128xi32, #tpu.memory_space<vmem>>
    %dma_start3A_13 = arith.constant 0 : i32
    %dma_start3A_14 = arith.constant 0 : i32
    %dma_start3A_15 = tpu.memref_slice %arg2[%dma_start3A_13, %dma_start3A_14] : memref<10000x128xf32, #tpu.memory_space<hbm>> -> memref<10000x128xf32, #tpu.memory_space<hbm>>
    tpu.enqueue_indirect_dma source(%dma_start3A_15 : memref<10000x128xf32, #tpu.memory_space<hbm>>) target(%arg10 : memref<128x128xf32, #tpu.memory_space<vmem>>) offsets(%dma_start3A_12 : memref<128xi32, #tpu.memory_space<vmem>>) semaphore(%arg13 : memref<!tpu.dma_semaphore, #tpu.memory_space<semaphore_mem>>)
    %scan3A = arith.constant 0 : i32
    %scan3A_16 = arith.constant 0 : i32
    %scan3A_17 = arith.constant 20 : i32
    %scan3A_18 = arith.addi %scan3A_16, %scan3A_17 : i32
    %scan3A_19 = arith.constant 1 : i32
    scf.for %scan3A_42 = %scan3A_16 to %scan3A_18 step %scan3A_19  : i32 {
      %mul3A_43 = arith.constant 2 : i32
      %mul3A_44 = arith.muli %scan3A_42, %mul3A_43 : i32
      %add3A_45 = arith.constant 1 : i32
      %add3A_46 = arith.addi %mul3A_44, %add3A_45 : i32
      %dma_wait3A = arith.constant 0 : i32
      %dma_wait3A_47 = tpu.memref_slice %arg7[%mul3A_44, %dma_wait3A] : memref<40x128xi32, #tpu.memory_space<vmem>> -> memref<1x128xi32, #tpu.memory_space<vmem>>
      %dma_wait3A_48 = tpu.memref_squeeze %dma_wait3A_47 : memref<1x128xi32, #tpu.memory_space<vmem>> -> memref<128xi32, #tpu.memory_space<vmem>>
      %dma_wait3A_49 = arith.constant 0 : i32
      %dma_wait3A_50 = arith.constant 0 : i32
      %dma_wait3A_51 = tpu.memref_slice %arg2[%dma_wait3A_49, %dma_wait3A_50] : memref<10000x128xf32, #tpu.memory_space<hbm>> -> memref<10000x128xf32, #tpu.memory_space<hbm>>
      tpu.wait_indirect_dma semaphore(%arg12 : memref<!tpu.dma_semaphore, #tpu.memory_space<semaphore_mem>>) src(%dma_wait3A_51 : memref<10000x128xf32, #tpu.memory_space<hbm>>) dst(%arg9 : memref<128x128xf32, #tpu.memory_space<vmem>>)
      "tpu.region"() ({
        %run_scoped3A = tpu.sem_alloc : memref<!tpu.dma_semaphore, #tpu.memory_space<semaphore_mem>>
        %dma_start3A_69 = arith.constant 0 : i32
        %dma_start3A_70 = tpu.memref_slice %arg8[%mul3A_44, %dma_start3A_69] : memref<40x128xi32, #tpu.memory_space<vmem>> -> memref<1x128xi32, #tpu.memory_space<vmem>>
        %dma_start3A_71 = tpu.memref_squeeze %dma_start3A_70 : memref<1x128xi32, #tpu.memory_space<vmem>> -> memref<128xi32, #tpu.memory_space<vmem>>
        %dma_start3A_72 = arith.constant 0 : i32
        %dma_start3A_73 = arith.constant 0 : i32
        %dma_start3A_74 = tpu.memref_slice %arg11[%dma_start3A_72, %dma_start3A_73] : memref<10112x128xf32, #tpu.memory_space<vmem_shared>> -> memref<10112x128xf32, #tpu.memory_space<vmem_shared>>
        tpu.enqueue_indirect_dma source(%arg9 : memref<128x128xf32, #tpu.memory_space<vmem>>) target(%dma_start3A_74 : memref<10112x128xf32, #tpu.memory_space<vmem_shared>>) offsets(%dma_start3A_71 : memref<128xi32, #tpu.memory_space<vmem>>) semaphore(%run_scoped3A : memref<!tpu.dma_semaphore, #tpu.memory_space<semaphore_mem>>) {add = true}
        %dma_wait3A_75 = arith.constant 0 : i32
        %dma_wait3A_76 = tpu.memref_slice %arg8[%mul3A_44, %dma_wait3A_75] : memref<40x128xi32, #tpu.memory_space<vmem>> -> memref<1x128xi32, #tpu.memory_space<vmem>>
        %dma_wait3A_77 = tpu.memref_squeeze %dma_wait3A_76 : memref<1x128xi32, #tpu.memory_space<vmem>> -> memref<128xi32, #tpu.memory_space<vmem>>
        %dma_wait3A_78 = arith.constant 0 : i32
        %dma_wait3A_79 = arith.constant 0 : i32
        %dma_wait3A_80 = tpu.memref_slice %arg11[%dma_wait3A_78, %dma_wait3A_79] : memref<10112x128xf32, #tpu.memory_space<vmem_shared>> -> memref<10112x128xf32, #tpu.memory_space<vmem_shared>>
        tpu.wait_indirect_dma semaphore(%run_scoped3A : memref<!tpu.dma_semaphore, #tpu.memory_space<semaphore_mem>>) src(%arg9 : memref<128x128xf32, #tpu.memory_space<vmem>>) dst(%dma_wait3A_80 : memref<10112x128xf32, #tpu.memory_space<vmem_shared>>)
        tpu.yield
      }) : () -> ()
      %add3A_52 = arith.constant 2 : i32
      %add3A_53 = arith.addi %mul3A_44, %add3A_52 : i32
      %lt3A = arith.constant 40 : i32
      %lt3A_54 = arith.cmpi slt, %add3A_53, %lt3A : i32
      %convert_element_type3A = arith.extui %lt3A_54 : i1 to i32
      %cond3A = arith.constant 0 : i32
      %cond3A_55 = arith.cmpi ne, %convert_element_type3A, %cond3A : i32
      scf.if %cond3A_55 {
        %add3A_69 = arith.constant 2 : i32
        %add3A_70 = arith.addi %mul3A_44, %add3A_69 : i32
        %dma_start3A_71 = arith.constant 0 : i32
        %dma_start3A_72 = tpu.memref_slice %arg7[%add3A_70, %dma_start3A_71] : memref<40x128xi32, #tpu.memory_space<vmem>> -> memref<1x128xi32, #tpu.memory_space<vmem>>
        %dma_start3A_73 = tpu.memref_squeeze %dma_start3A_72 : memref<1x128xi32, #tpu.memory_space<vmem>> -> memref<128xi32, #tpu.memory_space<vmem>>
        %dma_start3A_74 = arith.constant 0 : i32
        %dma_start3A_75 = arith.constant 0 : i32
        %dma_start3A_76 = tpu.memref_slice %arg2[%dma_start3A_74, %dma_start3A_75] : memref<10000x128xf32, #tpu.memory_space<hbm>> -> memref<10000x128xf32, #tpu.memory_space<hbm>>
        tpu.enqueue_indirect_dma source(%dma_start3A_76 : memref<10000x128xf32, #tpu.memory_space<hbm>>) target(%arg9 : memref<128x128xf32, #tpu.memory_space<vmem>>) offsets(%dma_start3A_73 : memref<128xi32, #tpu.memory_space<vmem>>) semaphore(%arg12 : memref<!tpu.dma_semaphore, #tpu.memory_space<semaphore_mem>>)
      } else {
      }
      %dma_wait3A_56 = arith.constant 0 : i32
      %dma_wait3A_57 = tpu.memref_slice %arg7[%add3A_46, %dma_wait3A_56] : memref<40x128xi32, #tpu.memory_space<vmem>> -> memref<1x128xi32, #tpu.memory_space<vmem>>
      %dma_wait3A_58 = tpu.memref_squeeze %dma_wait3A_57 : memref<1x128xi32, #tpu.memory_space<vmem>> -> memref<128xi32, #tpu.memory_space<vmem>>
      %dma_wait3A_59 = arith.constant 0 : i32
      %dma_wait3A_60 = arith.constant 0 : i32
      %dma_wait3A_61 = tpu.memref_slice %arg2[%dma_wait3A_59, %dma_wait3A_60] : memref<10000x128xf32, #tpu.memory_space<hbm>> -> memref<10000x128xf32, #tpu.memory_space<hbm>>
      tpu.wait_indirect_dma semaphore(%arg13 : memref<!tpu.dma_semaphore, #tpu.memory_space<semaphore_mem>>) src(%dma_wait3A_61 : memref<10000x128xf32, #tpu.memory_space<hbm>>) dst(%arg10 : memref<128x128xf32, #tpu.memory_space<vmem>>)
      "tpu.region"() ({
        %run_scoped3A = tpu.sem_alloc : memref<!tpu.dma_semaphore, #tpu.memory_space<semaphore_mem>>
        %dma_start3A_69 = arith.constant 0 : i32
        %dma_start3A_70 = tpu.memref_slice %arg8[%add3A_46, %dma_start3A_69] : memref<40x128xi32, #tpu.memory_space<vmem>> -> memref<1x128xi32, #tpu.memory_space<vmem>>
        %dma_start3A_71 = tpu.memref_squeeze %dma_start3A_70 : memref<1x128xi32, #tpu.memory_space<vmem>> -> memref<128xi32, #tpu.memory_space<vmem>>
        %dma_start3A_72 = arith.constant 0 : i32
        %dma_start3A_73 = arith.constant 0 : i32
        %dma_start3A_74 = tpu.memref_slice %arg11[%dma_start3A_72, %dma_start3A_73] : memref<10112x128xf32, #tpu.memory_space<vmem_shared>> -> memref<10112x128xf32, #tpu.memory_space<vmem_shared>>
        tpu.enqueue_indirect_dma source(%arg10 : memref<128x128xf32, #tpu.memory_space<vmem>>) target(%dma_start3A_74 : memref<10112x128xf32, #tpu.memory_space<vmem_shared>>) offsets(%dma_start3A_71 : memref<128xi32, #tpu.memory_space<vmem>>) semaphore(%run_scoped3A : memref<!tpu.dma_semaphore, #tpu.memory_space<semaphore_mem>>) {add = true}
        %dma_wait3A_75 = arith.constant 0 : i32
        %dma_wait3A_76 = tpu.memref_slice %arg8[%add3A_46, %dma_wait3A_75] : memref<40x128xi32, #tpu.memory_space<vmem>> -> memref<1x128xi32, #tpu.memory_space<vmem>>
        %dma_wait3A_77 = tpu.memref_squeeze %dma_wait3A_76 : memref<1x128xi32, #tpu.memory_space<vmem>> -> memref<128xi32, #tpu.memory_space<vmem>>
        %dma_wait3A_78 = arith.constant 0 : i32
        %dma_wait3A_79 = arith.constant 0 : i32
        %dma_wait3A_80 = tpu.memref_slice %arg11[%dma_wait3A_78, %dma_wait3A_79] : memref<10112x128xf32, #tpu.memory_space<vmem_shared>> -> memref<10112x128xf32, #tpu.memory_space<vmem_shared>>
        tpu.wait_indirect_dma semaphore(%run_scoped3A : memref<!tpu.dma_semaphore, #tpu.memory_space<semaphore_mem>>) src(%arg10 : memref<128x128xf32, #tpu.memory_space<vmem>>) dst(%dma_wait3A_80 : memref<10112x128xf32, #tpu.memory_space<vmem_shared>>)
        tpu.yield
      }) : () -> ()
      %add3A_62 = arith.constant 2 : i32
      %add3A_63 = arith.addi %add3A_46, %add3A_62 : i32
      %lt3A_64 = arith.constant 40 : i32
      %lt3A_65 = arith.cmpi slt, %add3A_63, %lt3A_64 : i32
      %convert_element_type3A_66 = arith.extui %lt3A_65 : i1 to i32
      %cond3A_67 = arith.constant 0 : i32
      %cond3A_68 = arith.cmpi ne, %convert_element_type3A_66, %cond3A_67 : i32
      scf.if %cond3A_68 {
        %add3A_69 = arith.constant 2 : i32
        %add3A_70 = arith.addi %add3A_46, %add3A_69 : i32
        %dma_start3A_71 = arith.constant 0 : i32
        %dma_start3A_72 = tpu.memref_slice %arg7[%add3A_70, %dma_start3A_71] : memref<40x128xi32, #tpu.memory_space<vmem>> -> memref<1x128xi32, #tpu.memory_space<vmem>>
        %dma_start3A_73 = tpu.memref_squeeze %dma_start3A_72 : memref<1x128xi32, #tpu.memory_space<vmem>> -> memref<128xi32, #tpu.memory_space<vmem>>
        %dma_start3A_74 = arith.constant 0 : i32
        %dma_start3A_75 = arith.constant 0 : i32
        %dma_start3A_76 = tpu.memref_slice %arg2[%dma_start3A_74, %dma_start3A_75] : memref<10000x128xf32, #tpu.memory_space<hbm>> -> memref<10000x128xf32, #tpu.memory_space<hbm>>
        tpu.enqueue_indirect_dma source(%dma_start3A_76 : memref<10000x128xf32, #tpu.memory_space<hbm>>) target(%arg10 : memref<128x128xf32, #tpu.memory_space<vmem>>) offsets(%dma_start3A_73 : memref<128xi32, #tpu.memory_space<vmem>>) semaphore(%arg13 : memref<!tpu.dma_semaphore, #tpu.memory_space<semaphore_mem>>)
      } else {
      }
    }
    %scan3A_20 = arith.constant 20 : i32
    "tpu.region"() ({
      %run_scoped3A = tpu.sem_alloc : memref<!tpu.dma_semaphore, #tpu.memory_space<semaphore_mem>>
      %dma_start3A_42 = arith.constant 40 : i32
      %dma_start3A_43 = arith.constant 0 : i32
      %dma_start3A_44 = tpu.memref_slice %arg3[%add3A, %dma_start3A_42, %dma_start3A_43] : memref<32x80x128xi32, #tpu.memory_space<hbm>> -> memref<1x40x128xi32, #tpu.memory_space<hbm>>
      %dma_start3A_45 = tpu.memref_squeeze %dma_start3A_44 : memref<1x40x128xi32, #tpu.memory_space<hbm>> -> memref<40x128xi32, #tpu.memory_space<hbm>>
      %dma_start3A_46 = arith.constant 40 : i32
      %dma_start3A_47 = arith.constant 0 : i32
      %dma_start3A_48 = tpu.memref_slice %arg3[%add3A, %dma_start3A_46, %dma_start3A_47] : memref<32x80x128xi32, #tpu.memory_space<hbm>> -> memref<1x40x128xi32, #tpu.memory_space<hbm>>
      %dma_start3A_49 = tpu.memref_squeeze %dma_start3A_48 : memref<1x40x128xi32, #tpu.memory_space<hbm>> -> memref<40x128xi32, #tpu.memory_space<hbm>>
      tpu.enqueue_dma source(%dma_start3A_49 : memref<40x128xi32, #tpu.memory_space<hbm>>) target(%arg7 : memref<40x128xi32, #tpu.memory_space<vmem>>) target_semaphore(%run_scoped3A : memref<!tpu.dma_semaphore, #tpu.memory_space<semaphore_mem>>)
      %dma_wait3A = arith.constant 40 : i32
      %dma_wait3A_50 = arith.constant 0 : i32
      %dma_wait3A_51 = tpu.memref_slice %arg3[%add3A, %dma_wait3A, %dma_wait3A_50] : memref<32x80x128xi32, #tpu.memory_space<hbm>> -> memref<1x40x128xi32, #tpu.memory_space<hbm>>
      %dma_wait3A_52 = tpu.memref_squeeze %dma_wait3A_51 : memref<1x40x128xi32, #tpu.memory_space<hbm>> -> memref<40x128xi32, #tpu.memory_space<hbm>>
      %dma_wait3A_53 = arith.constant 40 : i32
      %dma_wait3A_54 = arith.constant 0 : i32
      %dma_wait3A_55 = tpu.memref_slice %arg3[%add3A, %dma_wait3A_53, %dma_wait3A_54] : memref<32x80x128xi32, #tpu.memory_space<hbm>> -> memref<1x40x128xi32, #tpu.memory_space<hbm>>
      %dma_wait3A_56 = tpu.memref_squeeze %dma_wait3A_55 : memref<1x40x128xi32, #tpu.memory_space<hbm>> -> memref<40x128xi32, #tpu.memory_space<hbm>>
      tpu.wait_dma2 semaphore(%run_scoped3A : memref<!tpu.dma_semaphore, #tpu.memory_space<semaphore_mem>>) src(%dma_wait3A_56 : memref<40x128xi32, #tpu.memory_space<hbm>>) dst(%arg7 : memref<40x128xi32, #tpu.memory_space<vmem>>)
      tpu.yield
    }) : () -> ()
    "tpu.region"() ({
      %run_scoped3A = tpu.sem_alloc : memref<!tpu.dma_semaphore, #tpu.memory_space<semaphore_mem>>
      %dma_start3A_42 = arith.constant 40 : i32
      %dma_start3A_43 = arith.constant 0 : i32
      %dma_start3A_44 = tpu.memref_slice %arg4[%add3A, %dma_start3A_42, %dma_start3A_43] : memref<32x80x128xi32, #tpu.memory_space<hbm>> -> memref<1x40x128xi32, #tpu.memory_space<hbm>>
      %dma_start3A_45 = tpu.memref_squeeze %dma_start3A_44 : memref<1x40x128xi32, #tpu.memory_space<hbm>> -> memref<40x128xi32, #tpu.memory_space<hbm>>
      %dma_start3A_46 = arith.constant 40 : i32
      %dma_start3A_47 = arith.constant 0 : i32
      %dma_start3A_48 = tpu.memref_slice %arg4[%add3A, %dma_start3A_46, %dma_start3A_47] : memref<32x80x128xi32, #tpu.memory_space<hbm>> -> memref<1x40x128xi32, #tpu.memory_space<hbm>>
      %dma_start3A_49 = tpu.memref_squeeze %dma_start3A_48 : memref<1x40x128xi32, #tpu.memory_space<hbm>> -> memref<40x128xi32, #tpu.memory_space<hbm>>
      tpu.enqueue_dma source(%dma_start3A_49 : memref<40x128xi32, #tpu.memory_space<hbm>>) target(%arg8 : memref<40x128xi32, #tpu.memory_space<vmem>>) target_semaphore(%run_scoped3A : memref<!tpu.dma_semaphore, #tpu.memory_space<semaphore_mem>>)
      %dma_wait3A = arith.constant 40 : i32
      %dma_wait3A_50 = arith.constant 0 : i32
      %dma_wait3A_51 = tpu.memref_slice %arg4[%add3A, %dma_wait3A, %dma_wait3A_50] : memref<32x80x128xi32, #tpu.memory_space<hbm>> -> memref<1x40x128xi32, #tpu.memory_space<hbm>>
      %dma_wait3A_52 = tpu.memref_squeeze %dma_wait3A_51 : memref<1x40x128xi32, #tpu.memory_space<hbm>> -> memref<40x128xi32, #tpu.memory_space<hbm>>
      %dma_wait3A_53 = arith.constant 40 : i32
      %dma_wait3A_54 = arith.constant 0 : i32
      %dma_wait3A_55 = tpu.memref_slice %arg4[%add3A, %dma_wait3A_53, %dma_wait3A_54] : memref<32x80x128xi32, #tpu.memory_space<hbm>> -> memref<1x40x128xi32, #tpu.memory_space<hbm>>
      %dma_wait3A_56 = tpu.memref_squeeze %dma_wait3A_55 : memref<1x40x128xi32, #tpu.memory_space<hbm>> -> memref<40x128xi32, #tpu.memory_space<hbm>>
      tpu.wait_dma2 semaphore(%run_scoped3A : memref<!tpu.dma_semaphore, #tpu.memory_space<semaphore_mem>>) src(%dma_wait3A_56 : memref<40x128xi32, #tpu.memory_space<hbm>>) dst(%arg8 : memref<40x128xi32, #tpu.memory_space<vmem>>)
      tpu.yield
    }) : () -> ()
    %dma_start3A_21 = arith.constant 0 : i32
    %dma_start3A_22 = arith.constant 0 : i32
    %dma_start3A_23 = tpu.memref_slice %arg7[%dma_start3A_21, %dma_start3A_22] : memref<40x128xi32, #tpu.memory_space<vmem>> -> memref<1x128xi32, #tpu.memory_space<vmem>>
    %dma_start3A_24 = tpu.memref_squeeze %dma_start3A_23 : memref<1x128xi32, #tpu.memory_space<vmem>> -> memref<128xi32, #tpu.memory_space<vmem>>
    %dma_start3A_25 = arith.constant 0 : i32
    %dma_start3A_26 = arith.constant 0 : i32
    %dma_start3A_27 = tpu.memref_slice %arg2[%dma_start3A_25, %dma_start3A_26] : memref<10000x128xf32, #tpu.memory_space<hbm>> -> memref<10000x128xf32, #tpu.memory_space<hbm>>
    tpu.enqueue_indirect_dma source(%dma_start3A_27 : memref<10000x128xf32, #tpu.memory_space<hbm>>) target(%arg9 : memref<128x128xf32, #tpu.memory_space<vmem>>) offsets(%dma_start3A_24 : memref<128xi32, #tpu.memory_space<vmem>>) semaphore(%arg12 : memref<!tpu.dma_semaphore, #tpu.memory_space<semaphore_mem>>)
    %dma_start3A_28 = arith.constant 1 : i32
    %dma_start3A_29 = arith.constant 0 : i32
    %dma_start3A_30 = tpu.memref_slice %arg7[%dma_start3A_28, %dma_start3A_29] : memref<40x128xi32, #tpu.memory_space<vmem>> -> memref<1x128xi32, #tpu.memory_space<vmem>>
    %dma_start3A_31 = tpu.memref_squeeze %dma_start3A_30 : memref<1x128xi32, #tpu.memory_space<vmem>> -> memref<128xi32, #tpu.memory_space<vmem>>
    %dma_start3A_32 = arith.constant 0 : i32
    %dma_start3A_33 = arith.constant 0 : i32
    %dma_start3A_34 = tpu.memref_slice %arg2[%dma_start3A_32, %dma_start3A_33] : memref<10000x128xf32, #tpu.memory_space<hbm>> -> memref<10000x128xf32, #tpu.memory_space<hbm>>
    tpu.enqueue_indirect_dma source(%dma_start3A_34 : memref<10000x128xf32, #tpu.memory_space<hbm>>) target(%arg10 : memref<128x128xf32, #tpu.memory_space<vmem>>) offsets(%dma_start3A_31 : memref<128xi32, #tpu.memory_space<vmem>>) semaphore(%arg13 : memref<!tpu.dma_semaphore, #tpu.memory_space<semaphore_mem>>)
    %scan3A_35 = arith.constant 0 : i32
    %scan3A_36 = arith.constant 0 : i32
    %scan3A_37 = arith.constant 20 : i32
    %scan3A_38 = arith.addi %scan3A_36, %scan3A_37 : i32
    %scan3A_39 = arith.constant 1 : i32
    scf.for %scan3A_42 = %scan3A_36 to %scan3A_38 step %scan3A_39  : i32 {
      %mul3A_43 = arith.constant 2 : i32
      %mul3A_44 = arith.muli %scan3A_42, %mul3A_43 : i32
      %add3A_45 = arith.constant 1 : i32
      %add3A_46 = arith.addi %mul3A_44, %add3A_45 : i32
      %dma_wait3A = arith.constant 0 : i32
      %dma_wait3A_47 = tpu.memref_slice %arg7[%mul3A_44, %dma_wait3A] : memref<40x128xi32, #tpu.memory_space<vmem>> -> memref<1x128xi32, #tpu.memory_space<vmem>>
      %dma_wait3A_48 = tpu.memref_squeeze %dma_wait3A_47 : memref<1x128xi32, #tpu.memory_space<vmem>> -> memref<128xi32, #tpu.memory_space<vmem>>
      %dma_wait3A_49 = arith.constant 0 : i32
      %dma_wait3A_50 = arith.constant 0 : i32
      %dma_wait3A_51 = tpu.memref_slice %arg2[%dma_wait3A_49, %dma_wait3A_50] : memref<10000x128xf32, #tpu.memory_space<hbm>> -> memref<10000x128xf32, #tpu.memory_space<hbm>>
      tpu.wait_indirect_dma semaphore(%arg12 : memref<!tpu.dma_semaphore, #tpu.memory_space<semaphore_mem>>) src(%dma_wait3A_51 : memref<10000x128xf32, #tpu.memory_space<hbm>>) dst(%arg9 : memref<128x128xf32, #tpu.memory_space<vmem>>)
      "tpu.region"() ({
        %run_scoped3A = tpu.sem_alloc : memref<!tpu.dma_semaphore, #tpu.memory_space<semaphore_mem>>
        %dma_start3A_69 = arith.constant 0 : i32
        %dma_start3A_70 = tpu.memref_slice %arg8[%mul3A_44, %dma_start3A_69] : memref<40x128xi32, #tpu.memory_space<vmem>> -> memref<1x128xi32, #tpu.memory_space<vmem>>
        %dma_start3A_71 = tpu.memref_squeeze %dma_start3A_70 : memref<1x128xi32, #tpu.memory_space<vmem>> -> memref<128xi32, #tpu.memory_space<vmem>>
        %dma_start3A_72 = arith.constant 0 : i32
        %dma_start3A_73 = arith.constant 0 : i32
        %dma_start3A_74 = tpu.memref_slice %arg11[%dma_start3A_72, %dma_start3A_73] : memref<10112x128xf32, #tpu.memory_space<vmem_shared>> -> memref<10112x128xf32, #tpu.memory_space<vmem_shared>>
        tpu.enqueue_indirect_dma source(%arg9 : memref<128x128xf32, #tpu.memory_space<vmem>>) target(%dma_start3A_74 : memref<10112x128xf32, #tpu.memory_space<vmem_shared>>) offsets(%dma_start3A_71 : memref<128xi32, #tpu.memory_space<vmem>>) semaphore(%run_scoped3A : memref<!tpu.dma_semaphore, #tpu.memory_space<semaphore_mem>>) {add = true}
        %dma_wait3A_75 = arith.constant 0 : i32
        %dma_wait3A_76 = tpu.memref_slice %arg8[%mul3A_44, %dma_wait3A_75] : memref<40x128xi32, #tpu.memory_space<vmem>> -> memref<1x128xi32, #tpu.memory_space<vmem>>
        %dma_wait3A_77 = tpu.memref_squeeze %dma_wait3A_76 : memref<1x128xi32, #tpu.memory_space<vmem>> -> memref<128xi32, #tpu.memory_space<vmem>>
        %dma_wait3A_78 = arith.constant 0 : i32
        %dma_wait3A_79 = arith.constant 0 : i32
        %dma_wait3A_80 = tpu.memref_slice %arg11[%dma_wait3A_78, %dma_wait3A_79] : memref<10112x128xf32, #tpu.memory_space<vmem_shared>> -> memref<10112x128xf32, #tpu.memory_space<vmem_shared>>
        tpu.wait_indirect_dma semaphore(%run_scoped3A : memref<!tpu.dma_semaphore, #tpu.memory_space<semaphore_mem>>) src(%arg9 : memref<128x128xf32, #tpu.memory_space<vmem>>) dst(%dma_wait3A_80 : memref<10112x128xf32, #tpu.memory_space<vmem_shared>>)
        tpu.yield
      }) : () -> ()
      %add3A_52 = arith.constant 2 : i32
      %add3A_53 = arith.addi %mul3A_44, %add3A_52 : i32
      %lt3A = arith.constant 40 : i32
      %lt3A_54 = arith.cmpi slt, %add3A_53, %lt3A : i32
      %convert_element_type3A = arith.extui %lt3A_54 : i1 to i32
      %cond3A = arith.constant 0 : i32
      %cond3A_55 = arith.cmpi ne, %convert_element_type3A, %cond3A : i32
      scf.if %cond3A_55 {
        %add3A_69 = arith.constant 2 : i32
        %add3A_70 = arith.addi %mul3A_44, %add3A_69 : i32
        %dma_start3A_71 = arith.constant 0 : i32
        %dma_start3A_72 = tpu.memref_slice %arg7[%add3A_70, %dma_start3A_71] : memref<40x128xi32, #tpu.memory_space<vmem>> -> memref<1x128xi32, #tpu.memory_space<vmem>>
        %dma_start3A_73 = tpu.memref_squeeze %dma_start3A_72 : memref<1x128xi32, #tpu.memory_space<vmem>> -> memref<128xi32, #tpu.memory_space<vmem>>
        %dma_start3A_74 = arith.constant 0 : i32
        %dma_start3A_75 = arith.constant 0 : i32
        %dma_start3A_76 = tpu.memref_slice %arg2[%dma_start3A_74, %dma_start3A_75] : memref<10000x128xf32, #tpu.memory_space<hbm>> -> memref<10000x128xf32, #tpu.memory_space<hbm>>
        tpu.enqueue_indirect_dma source(%dma_start3A_76 : memref<10000x128xf32, #tpu.memory_space<hbm>>) target(%arg9 : memref<128x128xf32, #tpu.memory_space<vmem>>) offsets(%dma_start3A_73 : memref<128xi32, #tpu.memory_space<vmem>>) semaphore(%arg12 : memref<!tpu.dma_semaphore, #tpu.memory_space<semaphore_mem>>)
      } else {
      }
      %dma_wait3A_56 = arith.constant 0 : i32
      %dma_wait3A_57 = tpu.memref_slice %arg7[%add3A_46, %dma_wait3A_56] : memref<40x128xi32, #tpu.memory_space<vmem>> -> memref<1x128xi32, #tpu.memory_space<vmem>>
      %dma_wait3A_58 = tpu.memref_squeeze %dma_wait3A_57 : memref<1x128xi32, #tpu.memory_space<vmem>> -> memref<128xi32, #tpu.memory_space<vmem>>
      %dma_wait3A_59 = arith.constant 0 : i32
      %dma_wait3A_60 = arith.constant 0 : i32
      %dma_wait3A_61 = tpu.memref_slice %arg2[%dma_wait3A_59, %dma_wait3A_60] : memref<10000x128xf32, #tpu.memory_space<hbm>> -> memref<10000x128xf32, #tpu.memory_space<hbm>>
      tpu.wait_indirect_dma semaphore(%arg13 : memref<!tpu.dma_semaphore, #tpu.memory_space<semaphore_mem>>) src(%dma_wait3A_61 : memref<10000x128xf32, #tpu.memory_space<hbm>>) dst(%arg10 : memref<128x128xf32, #tpu.memory_space<vmem>>)
      "tpu.region"() ({
        %run_scoped3A = tpu.sem_alloc : memref<!tpu.dma_semaphore, #tpu.memory_space<semaphore_mem>>
        %dma_start3A_69 = arith.constant 0 : i32
        %dma_start3A_70 = tpu.memref_slice %arg8[%add3A_46, %dma_start3A_69] : memref<40x128xi32, #tpu.memory_space<vmem>> -> memref<1x128xi32, #tpu.memory_space<vmem>>
        %dma_start3A_71 = tpu.memref_squeeze %dma_start3A_70 : memref<1x128xi32, #tpu.memory_space<vmem>> -> memref<128xi32, #tpu.memory_space<vmem>>
        %dma_start3A_72 = arith.constant 0 : i32
        %dma_start3A_73 = arith.constant 0 : i32
        %dma_start3A_74 = tpu.memref_slice %arg11[%dma_start3A_72, %dma_start3A_73] : memref<10112x128xf32, #tpu.memory_space<vmem_shared>> -> memref<10112x128xf32, #tpu.memory_space<vmem_shared>>
        tpu.enqueue_indirect_dma source(%arg10 : memref<128x128xf32, #tpu.memory_space<vmem>>) target(%dma_start3A_74 : memref<10112x128xf32, #tpu.memory_space<vmem_shared>>) offsets(%dma_start3A_71 : memref<128xi32, #tpu.memory_space<vmem>>) semaphore(%run_scoped3A : memref<!tpu.dma_semaphore, #tpu.memory_space<semaphore_mem>>) {add = true}
        %dma_wait3A_75 = arith.constant 0 : i32
        %dma_wait3A_76 = tpu.memref_slice %arg8[%add3A_46, %dma_wait3A_75] : memref<40x128xi32, #tpu.memory_space<vmem>> -> memref<1x128xi32, #tpu.memory_space<vmem>>
        %dma_wait3A_77 = tpu.memref_squeeze %dma_wait3A_76 : memref<1x128xi32, #tpu.memory_space<vmem>> -> memref<128xi32, #tpu.memory_space<vmem>>
        %dma_wait3A_78 = arith.constant 0 : i32
        %dma_wait3A_79 = arith.constant 0 : i32
        %dma_wait3A_80 = tpu.memref_slice %arg11[%dma_wait3A_78, %dma_wait3A_79] : memref<10112x128xf32, #tpu.memory_space<vmem_shared>> -> memref<10112x128xf32, #tpu.memory_space<vmem_shared>>
        tpu.wait_indirect_dma semaphore(%run_scoped3A : memref<!tpu.dma_semaphore, #tpu.memory_space<semaphore_mem>>) src(%arg10 : memref<128x128xf32, #tpu.memory_space<vmem>>) dst(%dma_wait3A_80 : memref<10112x128xf32, #tpu.memory_space<vmem_shared>>)
        tpu.yield
      }) : () -> ()
      %add3A_62 = arith.constant 2 : i32
      %add3A_63 = arith.addi %add3A_46, %add3A_62 : i32
      %lt3A_64 = arith.constant 40 : i32
      %lt3A_65 = arith.cmpi slt, %add3A_63, %lt3A_64 : i32
      %convert_element_type3A_66 = arith.extui %lt3A_65 : i1 to i32
      %cond3A_67 = arith.constant 0 : i32
      %cond3A_68 = arith.cmpi ne, %convert_element_type3A_66, %cond3A_67 : i32
      scf.if %cond3A_68 {
        %add3A_69 = arith.constant 2 : i32
        %add3A_70 = arith.addi %add3A_46, %add3A_69 : i32
        %dma_start3A_71 = arith.constant 0 : i32
        %dma_start3A_72 = tpu.memref_slice %arg7[%add3A_70, %dma_start3A_71] : memref<40x128xi32, #tpu.memory_space<vmem>> -> memref<1x128xi32, #tpu.memory_space<vmem>>
        %dma_start3A_73 = tpu.memref_squeeze %dma_start3A_72 : memref<1x128xi32, #tpu.memory_space<vmem>> -> memref<128xi32, #tpu.memory_space<vmem>>
        %dma_start3A_74 = arith.constant 0 : i32
        %dma_start3A_75 = arith.constant 0 : i32
        %dma_start3A_76 = tpu.memref_slice %arg2[%dma_start3A_74, %dma_start3A_75] : memref<10000x128xf32, #tpu.memory_space<hbm>> -> memref<10000x128xf32, #tpu.memory_space<hbm>>
        tpu.enqueue_indirect_dma source(%dma_start3A_76 : memref<10000x128xf32, #tpu.memory_space<hbm>>) target(%arg10 : memref<128x128xf32, #tpu.memory_space<vmem>>) offsets(%dma_start3A_73 : memref<128xi32, #tpu.memory_space<vmem>>) semaphore(%arg13 : memref<!tpu.dma_semaphore, #tpu.memory_space<semaphore_mem>>)
      } else {
      }
    }
    %scan3A_40 = arith.constant 20 : i32
    %barrier3A_41 = arith.constant 0 : index
    tpu.barrier barrier_id(%barrier3A_41)
    "tpu.region"() ({
      %run_scoped3A = tpu.sem_alloc : memref<!tpu.dma_semaphore, #tpu.memory_space<semaphore_mem>>
      %dma_start3A_42 = arith.constant 0 : i32
      %dma_start3A_43 = tpu.memref_slice %arg6[%arg0, %mul3A_2, %dma_start3A_42] : memref<2x10112x128xf32, #tpu.memory_space<hbm>> -> memref<1x632x128xf32, #tpu.memory_space<hbm>>
      %dma_start3A_44 = tpu.memref_squeeze %dma_start3A_43 : memref<1x632x128xf32, #tpu.memory_space<hbm>> -> memref<632x128xf32, #tpu.memory_space<hbm>>
      %dma_start3A_45 = arith.constant 0 : i32
      %dma_start3A_46 = tpu.memref_slice %arg11[%mul3A_2, %dma_start3A_45] : memref<10112x128xf32, #tpu.memory_space<vmem_shared>> -> memref<632x128xf32, #tpu.memory_space<vmem_shared>>
      tpu.enqueue_dma source(%dma_start3A_46 : memref<632x128xf32, #tpu.memory_space<vmem_shared>>) target(%dma_start3A_44 : memref<632x128xf32, #tpu.memory_space<hbm>>) target_semaphore(%run_scoped3A : memref<!tpu.dma_semaphore, #tpu.memory_space<semaphore_mem>>)
      %dma_wait3A = arith.constant 0 : i32
      %dma_wait3A_47 = tpu.memref_slice %arg6[%arg0, %mul3A_2, %dma_wait3A] : memref<2x10112x128xf32, #tpu.memory_space<hbm>> -> memref<1x632x128xf32, #tpu.memory_space<hbm>>
      %dma_wait3A_48 = tpu.memref_squeeze %dma_wait3A_47 : memref<1x632x128xf32, #tpu.memory_space<hbm>> -> memref<632x128xf32, #tpu.memory_space<hbm>>
      %dma_wait3A_49 = arith.constant 0 : i32
      %dma_wait3A_50 = tpu.memref_slice %arg11[%mul3A_2, %dma_wait3A_49] : memref<10112x128xf32, #tpu.memory_space<vmem_shared>> -> memref<632x128xf32, #tpu.memory_space<vmem_shared>>
      tpu.wait_dma2 semaphore(%run_scoped3A : memref<!tpu.dma_semaphore, #tpu.memory_space<semaphore_mem>>) src(%dma_wait3A_50 : memref<632x128xf32, #tpu.memory_space<vmem_shared>>) dst(%dma_wait3A_48 : memref<632x128xf32, #tpu.memory_space<hbm>>)
      tpu.yield
    }) : () -> ()
    return
  }
}

module attributes {stable_mosaic.version = 14 : i64} {
  func.func @_tc0_body(%arg0: i32, %arg1: memref<1000x128xf32, #tpu.memory_space<vmem>>, %arg2: memref<128x128xf32, #tpu.memory_space<vmem>>, %arg3: memref<1x128xf32, #tpu.memory_space<vmem>>, %arg4: memref<128x128xf32, #tpu.memory_space<vmem>>, %arg5: memref<1000x128xf32, #tpu.memory_space<vmem>>) attributes {dimension_semantics = [#tpu.dimension_semantics<arbitrary>], iteration_bounds = array<i64: 10>, scalar_prefetch = 0 : i64, scratch_operands = 0 : i64, tpu.core_type = #tpu.core_type<tc>, window_params = [{transform_indices = @transform_0, window_bounds = array<i64: 1000, 128>}, {pipeline_mode = #tpu.pipeline_mode<synchronous>, transform_indices = @transform_1, window_bounds = array<i64: 128, 128>}, {pipeline_mode = #tpu.pipeline_mode<synchronous>, transform_indices = @transform_2, window_bounds = array<i64: 1, 128>}, {pipeline_mode = #tpu.pipeline_mode<synchronous>, transform_indices = @transform_3, window_bounds = array<i64: 128, 128>}, {transform_indices = @transform_4, window_bounds = array<i64: 1000, 128>}]} {
    %get3A = arith.constant 0 : index
    %get3A_0 = arith.constant 0 : index
    %get3A_1 = vector.load %arg1[%get3A, %get3A_0] : memref<1000x128xf32, #tpu.memory_space<vmem>>, vector<1000x128xf32>
    %get3A_2 = arith.constant 0 : index
    %get3A_3 = arith.constant 0 : index
    %get3A_4 = vector.load %arg2[%get3A_2, %get3A_3] : memref<128x128xf32, #tpu.memory_space<vmem>>, vector<128x128xf32>
    %dot_general3A = arith.constant dense<0.000000e+00> : vector<1000x128xf32>
    %dot_general3A_5 = tpu.matmul %get3A_1, %get3A_4, %dot_general3A {dimension_numbers = #tpu.dot_dimension_numbers<[1], [0], [0], [1], [0, 0, 1, 1], [], []>, transpose_lhs_hint = false} : vector<1000x128xf32>, vector<128x128xf32>, vector<1000x128xf32> -> vector<1000x128xf32>
    %get3A_6 = arith.constant 0 : index
    %get3A_7 = arith.constant 0 : index
    %get3A_8 = vector.load %arg3[%get3A_6, %get3A_7] : memref<1x128xf32, #tpu.memory_space<vmem>>, vector<1x128xf32>
    %add3A = vector.broadcast %get3A_8 : vector<1x128xf32> to vector<1000x128xf32>
    %add3A_9 = arith.addf %dot_general3A_5, %add3A : vector<1000x128xf32>
    %get3A_10 = arith.constant 0 : index
    %get3A_11 = arith.constant 0 : index
    %get3A_12 = vector.load %arg4[%get3A_10, %get3A_11] : memref<128x128xf32, #tpu.memory_space<vmem>>, vector<128x128xf32>
    %dot_general3A_13 = arith.constant dense<0.000000e+00> : vector<1000x128xf32>
    %dot_general3A_14 = tpu.matmul %add3A_9, %get3A_12, %dot_general3A_13 {dimension_numbers = #tpu.dot_dimension_numbers<[1], [0], [0], [1], [0, 0, 1, 1], [], []>, transpose_lhs_hint = false} : vector<1000x128xf32>, vector<128x128xf32>, vector<1000x128xf32> -> vector<1000x128xf32>
    %swap3A = arith.constant 0 : index
    %swap3A_15 = arith.constant 0 : index
    %swap3A_16 = vector.load %arg5[%swap3A, %swap3A_15] : memref<1000x128xf32, #tpu.memory_space<vmem>>, vector<1000x128xf32>
    tpu.vector_store %arg5[%swap3A, %swap3A_15], %dot_general3A_14 {strides = array<i32>} : memref<1000x128xf32, #tpu.memory_space<vmem>>, vector<1000x128xf32>,
    return
  }
  func.func @transform_0(%arg0: i32) -> (i32, i32) {
    %c0_i32 = arith.constant 0 : i32
    %c0_i32_0 = arith.constant 0 : i32
    return %arg0, %c0_i32 : i32, i32
  }
  func.func @transform_1(%arg0: i32) -> (i32, i32) {
    %c0_i32 = arith.constant 0 : i32
    %c0_i32_0 = arith.constant 0 : i32
    %c0_i32_1 = arith.constant 0 : i32
    return %c0_i32, %c0_i32_0 : i32, i32
  }
  func.func @transform_2(%arg0: i32) -> (i32, i32) {
    %c0_i32 = arith.constant 0 : i32
    %c0_i32_0 = arith.constant 0 : i32
    %c0_i32_1 = arith.constant 0 : i32
    return %c0_i32, %c0_i32_0 : i32, i32
  }
  func.func @transform_3(%arg0: i32) -> (i32, i32) {
    %c0_i32 = arith.constant 0 : i32
    %c0_i32_0 = arith.constant 0 : i32
    %c0_i32_1 = arith.constant 0 : i32
    return %c0_i32, %c0_i32_0 : i32, i32
  }
  func.func @transform_4(%arg0: i32) -> (i32, i32) {
    %c0_i32 = arith.constant 0 : i32
    %c0_i32_0 = arith.constant 0 : i32
    return %arg0, %c0_i32 : i32, i32
  }
}

module attributes {stable_mosaic.version = 14 : i64} {
  func.func @_tc1_body(%arg0: i32, %arg1: memref<2x1000x128xf32, #tpu.memory_space<vmem>>, %arg2: memref<1000x128xf32, #tpu.memory_space<vmem>>, %arg3: memref<1000x1xf32, #tpu.memory_space<vmem>>, %arg4: memref<1000x128xf32, #tpu.memory_space<vmem>>) attributes {dimension_semantics = [#tpu.dimension_semantics<arbitrary>], iteration_bounds = array<i64: 10>, scalar_prefetch = 0 : i64, scratch_operands = 0 : i64, tpu.core_type = #tpu.core_type<tc>, window_params = [{transform_indices = @transform_0, window_bounds = array<i64: 2, 1000, 128>}, {transform_indices = @transform_1, window_bounds = array<i64: 1000, 128>}, {transform_indices = @transform_2, window_bounds = array<i64: 1000, 1>}, {transform_indices = @transform_3, window_bounds = array<i64: 1000, 128>}]} {
    %get3A = arith.constant 0 : index
    %get3A_0 = arith.constant 0 : index
    %get3A_1 = arith.constant 0 : index
    %get3A_2 = vector.load %arg1[%get3A, %get3A_0, %get3A_1] : memref<2x1000x128xf32, #tpu.memory_space<vmem>>, vector<1x1000x128xf32>
    %get3A_3 = vector.shape_cast %get3A_2 : vector<1x1000x128xf32> to vector<1000x128xf32>
    %slice3A = vector.extract_strided_slice %get3A_3 {offsets = [0, 0], sizes = [1000, 1], strides = [1, 1]} : vector<1000x128xf32> to vector<1000x1xf32>
    %add3A = arith.constant 1.000000e+00 : f32
    %add3A_4 = vector.broadcast %add3A : f32 to vector<1000x1xf32>
    %add3A_5 = arith.addf %add3A_4, %slice3A : vector<1000x1xf32>
    %get3A_6 = arith.constant 1 : index
    %get3A_7 = arith.constant 0 : index
    %get3A_8 = arith.constant 0 : index
    %get3A_9 = vector.load %arg1[%get3A_6, %get3A_7, %get3A_8] : memref<2x1000x128xf32, #tpu.memory_space<vmem>>, vector<1x1000x128xf32>
    %get3A_10 = vector.shape_cast %get3A_9 : vector<1x1000x128xf32> to vector<1000x128xf32>
    %slice3A_11 = vector.extract_strided_slice %get3A_10 {offsets = [0, 0], sizes = [1000, 1], strides = [1, 1]} : vector<1000x128xf32> to vector<1000x1xf32>
    %add3A_12 = arith.addf %add3A_5, %slice3A_11 : vector<1000x1xf32>
    %rsqrt3A = math.rsqrt %add3A_12 : vector<1000x1xf32>
    %get3A_13 = arith.constant 0 : index
    %get3A_14 = arith.constant 0 : index
    %get3A_15 = vector.load %arg2[%get3A_13, %get3A_14] : memref<1000x128xf32, #tpu.memory_space<vmem>>, vector<1000x128xf32>
    %mul3A = vector.broadcast %rsqrt3A : vector<1000x1xf32> to vector<1000x128xf32>
    %mul3A_16 = arith.mulf %get3A_15, %mul3A : vector<1000x128xf32>
    %swap3A = arith.constant 0 : index
    %swap3A_17 = arith.constant 0 : index
    %swap3A_18 = vector.load %arg4[%swap3A, %swap3A_17] : memref<1000x128xf32, #tpu.memory_space<vmem>>, vector<1000x128xf32>
    tpu.vector_store %arg4[%swap3A, %swap3A_17], %mul3A_16 {strides = array<i32>} : memref<1000x128xf32, #tpu.memory_space<vmem>>, vector<1000x128xf32>,
    %swap3A_19 = arith.constant 0 : index
    %swap3A_20 = arith.constant 0 : index
    %swap3A_21 = vector.load %arg3[%swap3A_19, %swap3A_20] : memref<1000x1xf32, #tpu.memory_space<vmem>>, vector<1000x1xf32>
    tpu.vector_store %arg3[%swap3A_19, %swap3A_20], %rsqrt3A {strides = array<i32>} : memref<1000x1xf32, #tpu.memory_space<vmem>>, vector<1000x1xf32>,
    return
  }
  func.func @transform_0(%arg0: i32) -> (i32, i32, i32) {
    %c0_i32 = arith.constant 0 : i32
    %c0_i32_0 = arith.constant 0 : i32
    %c0_i32_1 = arith.constant 0 : i32
    return %c0_i32, %arg0, %c0_i32_0 : i32, i32, i32
  }
  func.func @transform_1(%arg0: i32) -> (i32, i32) {
    %c0_i32 = arith.constant 0 : i32
    %c0_i32_0 = arith.constant 0 : i32
    return %arg0, %c0_i32 : i32, i32
  }
  func.func @transform_2(%arg0: i32) -> (i32, i32) {
    %c0_i32 = arith.constant 0 : i32
    %c0_i32_0 = arith.constant 0 : i32
    return %arg0, %c0_i32 : i32, i32
  }
  func.func @transform_3(%arg0: i32) -> (i32, i32) {
    %c0_i32 = arith.constant 0 : i32
    %c0_i32_0 = arith.constant 0 : i32
    return %arg0, %c0_i32 : i32, i32
  }
}

module attributes {stable_mosaic.version = 14 : i64} {
  func.func @_tcm_body(%arg0: i32, %arg1: memref<2x1000x128xf32, #tpu.memory_space<vmem>>, %arg2: memref<1000x128xf32, #tpu.memory_space<vmem>>, %arg3: memref<1000x1xf32, #tpu.memory_space<vmem>>, %arg4: memref<1x128xf32, #tpu.memory_space<vmem>>, %arg5: memref<128x128xf32, #tpu.memory_space<vmem>>, %arg6: memref<1000x128xf32, #tpu.memory_space<vmem>>, %arg7: memref<1000x128xf32, #tpu.memory_space<vmem>>) attributes {dimension_semantics = [#tpu.dimension_semantics<arbitrary>], iteration_bounds = array<i64: 10>, scalar_prefetch = 0 : i64, scratch_operands = 0 : i64, tpu.core_type = #tpu.core_type<tc>, window_params = [{transform_indices = @transform_0, window_bounds = array<i64: 2, 1000, 128>}, {transform_indices = @transform_1, window_bounds = array<i64: 1000, 128>}, {transform_indices = @transform_2, window_bounds = array<i64: 1000, 1>}, {pipeline_mode = #tpu.pipeline_mode<synchronous>, transform_indices = @transform_3, window_bounds = array<i64: 1, 128>}, {pipeline_mode = #tpu.pipeline_mode<synchronous>, transform_indices = @transform_4, window_bounds = array<i64: 128, 128>}, {transform_indices = @transform_5, window_bounds = array<i64: 1000, 128>}, {transform_indices = @transform_6, window_bounds = array<i64: 1000, 128>}]} {
    %get3A = arith.constant 0 : index
    %get3A_0 = arith.constant 0 : index
    %get3A_1 = vector.load %arg3[%get3A, %get3A_0] : memref<1000x1xf32, #tpu.memory_space<vmem>>, vector<1000x1xf32>
    %get3A_2 = arith.constant 0 : index
    %get3A_3 = arith.constant 0 : index
    %get3A_4 = arith.constant 0 : index
    %get3A_5 = vector.load %arg1[%get3A_2, %get3A_3, %get3A_4] : memref<2x1000x128xf32, #tpu.memory_space<vmem>>, vector<1x1000x128xf32>
    %get3A_6 = vector.shape_cast %get3A_5 : vector<1x1000x128xf32> to vector<1000x128xf32>
    %get3A_7 = arith.constant 1 : index
    %get3A_8 = arith.constant 0 : index
    %get3A_9 = arith.constant 0 : index
    %get3A_10 = vector.load %arg1[%get3A_7, %get3A_8, %get3A_9] : memref<2x1000x128xf32, #tpu.memory_space<vmem>>, vector<1x1000x128xf32>
    %get3A_11 = vector.shape_cast %get3A_10 : vector<1x1000x128xf32> to vector<1000x128xf32>
    %add3A = arith.addf %get3A_6, %get3A_11 : vector<1000x128xf32>
    %get3A_12 = arith.constant 0 : index
    %get3A_13 = arith.constant 0 : index
    %get3A_14 = vector.load %arg2[%get3A_12, %get3A_13] : memref<1000x128xf32, #tpu.memory_space<vmem>>, vector<1000x128xf32>
    %add3A_15 = arith.addf %add3A, %get3A_14 : vector<1000x128xf32>
    %mul3A = vector.broadcast %get3A_1 : vector<1000x1xf32> to vector<1000x128xf32>
    %mul3A_16 = arith.mulf %mul3A, %add3A_15 : vector<1000x128xf32>
    %get3A_17 = arith.constant 0 : index
    %get3A_18 = arith.constant 0 : index
    %get3A_19 = vector.load %arg4[%get3A_17, %get3A_18] : memref<1x128xf32, #tpu.memory_space<vmem>>, vector<1x128xf32>
    %add3A_20 = vector.broadcast %get3A_19 : vector<1x128xf32> to vector<1000x128xf32>
    %add3A_21 = arith.addf %mul3A_16, %add3A_20 : vector<1000x128xf32>
    %max3A = arith.constant 0.000000e+00 : f32
    %max3A_22 = vector.broadcast %max3A : f32 to vector<1000x128xf32>
    %max3A_23 = arith.maximumf %add3A_21, %max3A_22 : vector<1000x128xf32>
    %swap3A = arith.constant 0 : index
    %swap3A_24 = arith.constant 0 : index
    %swap3A_25 = vector.load %arg6[%swap3A, %swap3A_24] : memref<1000x128xf32, #tpu.memory_space<vmem>>, vector<1000x128xf32>
    tpu.vector_store %arg6[%swap3A, %swap3A_24], %max3A_23 {strides = array<i32>} : memref<1000x128xf32, #tpu.memory_space<vmem>>, vector<1000x128xf32>,
    %get3A_26 = arith.constant 0 : index
    %get3A_27 = arith.constant 0 : index
    %get3A_28 = vector.load %arg5[%get3A_26, %get3A_27] : memref<128x128xf32, #tpu.memory_space<vmem>>, vector<128x128xf32>
    %dot_general3A = arith.constant dense<0.000000e+00> : vector<1000x128xf32>
    %dot_general3A_29 = tpu.matmul %max3A_23, %get3A_28, %dot_general3A {dimension_numbers = #tpu.dot_dimension_numbers<[1], [0], [0], [1], [0, 0, 1, 1], [], []>, transpose_lhs_hint = false} : vector<1000x128xf32>, vector<128x128xf32>, vector<1000x128xf32> -> vector<1000x128xf32>
    %mul3A_30 = vector.broadcast %get3A_1 : vector<1000x1xf32> to vector<1000x128xf32>
    %mul3A_31 = arith.mulf %dot_general3A_29, %mul3A_30 : vector<1000x128xf32>
    %swap3A_32 = arith.constant 0 : index
    %swap3A_33 = arith.constant 0 : index
    %swap3A_34 = vector.load %arg7[%swap3A_32, %swap3A_33] : memref<1000x128xf32, #tpu.memory_space<vmem>>, vector<1000x128xf32>
    tpu.vector_store %arg7[%swap3A_32, %swap3A_33], %mul3A_31 {strides = array<i32>} : memref<1000x128xf32, #tpu.memory_space<vmem>>, vector<1000x128xf32>,
    return
  }
  func.func @transform_0(%arg0: i32) -> (i32, i32, i32) {
    %c0_i32 = arith.constant 0 : i32
    %c0_i32_0 = arith.constant 0 : i32
    %c0_i32_1 = arith.constant 0 : i32
    return %c0_i32, %arg0, %c0_i32_0 : i32, i32, i32
  }
  func.func @transform_1(%arg0: i32) -> (i32, i32) {
    %c0_i32 = arith.constant 0 : i32
    %c0_i32_0 = arith.constant 0 : i32
    return %arg0, %c0_i32 : i32, i32
  }
  func.func @transform_2(%arg0: i32) -> (i32, i32) {
    %c0_i32 = arith.constant 0 : i32
    %c0_i32_0 = arith.constant 0 : i32
    return %arg0, %c0_i32 : i32, i32
  }
  func.func @transform_3(%arg0: i32) -> (i32, i32) {
    %c0_i32 = arith.constant 0 : i32
    %c0_i32_0 = arith.constant 0 : i32
    %c0_i32_1 = arith.constant 0 : i32
    return %c0_i32, %c0_i32_0 : i32, i32
  }
  func.func @transform_4(%arg0: i32) -> (i32, i32) {
    %c0_i32 = arith.constant 0 : i32
    %c0_i32_0 = arith.constant 0 : i32
    %c0_i32_1 = arith.constant 0 : i32
    return %c0_i32, %c0_i32_0 : i32, i32
  }
  func.func @transform_5(%arg0: i32) -> (i32, i32) {
    %c0_i32 = arith.constant 0 : i32
    %c0_i32_0 = arith.constant 0 : i32
    return %arg0, %c0_i32 : i32, i32
  }
  func.func @transform_6(%arg0: i32) -> (i32, i32) {
    %c0_i32 = arith.constant 0 : i32
    %c0_i32_0 = arith.constant 0 : i32
    return %arg0, %c0_i32 : i32, i32
  }
}

module attributes {stable_mosaic.version = 14 : i64} {
  func.func @_tcm2_body(%arg0: i32, %arg1: memref<2x1000x128xf32, #tpu.memory_space<vmem>>, %arg2: memref<1000x128xf32, #tpu.memory_space<vmem>>, %arg3: memref<1000x1xf32, #tpu.memory_space<vmem>>, %arg4: memref<1x128xf32, #tpu.memory_space<vmem>>, %arg5: memref<128x128xf32, #tpu.memory_space<vmem>>, %arg6: memref<1000x128xf32, #tpu.memory_space<vmem>>, %arg7: memref<1000x128xf32, #tpu.memory_space<vmem>>, %arg8: memref<1000x128xf32, #tpu.memory_space<vmem>>) attributes {dimension_semantics = [#tpu.dimension_semantics<arbitrary>], iteration_bounds = array<i64: 10>, scalar_prefetch = 0 : i64, scratch_operands = 0 : i64, tpu.core_type = #tpu.core_type<tc>, window_params = [{transform_indices = @transform_0, window_bounds = array<i64: 2, 1000, 128>}, {transform_indices = @transform_1, window_bounds = array<i64: 1000, 128>}, {transform_indices = @transform_2, window_bounds = array<i64: 1000, 1>}, {pipeline_mode = #tpu.pipeline_mode<synchronous>, transform_indices = @transform_3, window_bounds = array<i64: 1, 128>}, {pipeline_mode = #tpu.pipeline_mode<synchronous>, transform_indices = @transform_4, window_bounds = array<i64: 128, 128>}, {transform_indices = @transform_5, window_bounds = array<i64: 1000, 128>}, {transform_indices = @transform_6, window_bounds = array<i64: 1000, 128>}, {transform_indices = @transform_7, window_bounds = array<i64: 1000, 128>}]} {
    %get3A = arith.constant 0 : index
    %get3A_0 = arith.constant 0 : index
    %get3A_1 = vector.load %arg3[%get3A, %get3A_0] : memref<1000x1xf32, #tpu.memory_space<vmem>>, vector<1000x1xf32>
    %get3A_2 = arith.constant 0 : index
    %get3A_3 = arith.constant 0 : index
    %get3A_4 = arith.constant 0 : index
    %get3A_5 = vector.load %arg1[%get3A_2, %get3A_3, %get3A_4] : memref<2x1000x128xf32, #tpu.memory_space<vmem>>, vector<1x1000x128xf32>
    %get3A_6 = vector.shape_cast %get3A_5 : vector<1x1000x128xf32> to vector<1000x128xf32>
    %get3A_7 = arith.constant 1 : index
    %get3A_8 = arith.constant 0 : index
    %get3A_9 = arith.constant 0 : index
    %get3A_10 = vector.load %arg1[%get3A_7, %get3A_8, %get3A_9] : memref<2x1000x128xf32, #tpu.memory_space<vmem>>, vector<1x1000x128xf32>
    %get3A_11 = vector.shape_cast %get3A_10 : vector<1x1000x128xf32> to vector<1000x128xf32>
    %add3A = arith.addf %get3A_6, %get3A_11 : vector<1000x128xf32>
    %get3A_12 = arith.constant 0 : index
    %get3A_13 = arith.constant 0 : index
    %get3A_14 = vector.load %arg2[%get3A_12, %get3A_13] : memref<1000x128xf32, #tpu.memory_space<vmem>>, vector<1000x128xf32>
    %add3A_15 = arith.addf %add3A, %get3A_14 : vector<1000x128xf32>
    %mul3A = vector.broadcast %get3A_1 : vector<1000x1xf32> to vector<1000x128xf32>
    %mul3A_16 = arith.mulf %mul3A, %add3A_15 : vector<1000x128xf32>
    %get3A_17 = arith.constant 0 : index
    %get3A_18 = arith.constant 0 : index
    %get3A_19 = vector.load %arg4[%get3A_17, %get3A_18] : memref<1x128xf32, #tpu.memory_space<vmem>>, vector<1x128xf32>
    %add3A_20 = vector.broadcast %get3A_19 : vector<1x128xf32> to vector<1000x128xf32>
    %add3A_21 = arith.addf %mul3A_16, %add3A_20 : vector<1000x128xf32>
    %max3A = arith.constant 0.000000e+00 : f32
    %max3A_22 = vector.broadcast %max3A : f32 to vector<1000x128xf32>
    %max3A_23 = arith.maximumf %add3A_21, %max3A_22 : vector<1000x128xf32>
    %get3A_24 = arith.constant 0 : index
    %get3A_25 = arith.constant 0 : index
    %get3A_26 = vector.load %arg6[%get3A_24, %get3A_25] : memref<1000x128xf32, #tpu.memory_space<vmem>>, vector<1000x128xf32>
    %add3A_27 = arith.addf %get3A_26, %max3A_23 : vector<1000x128xf32>
    %swap3A = arith.constant 0 : index
    %swap3A_28 = arith.constant 0 : index
    %swap3A_29 = vector.load %arg7[%swap3A, %swap3A_28] : memref<1000x128xf32, #tpu.memory_space<vmem>>, vector<1000x128xf32>
    tpu.vector_store %arg7[%swap3A, %swap3A_28], %add3A_27 {strides = array<i32>} : memref<1000x128xf32, #tpu.memory_space<vmem>>, vector<1000x128xf32>,
    %get3A_30 = arith.constant 0 : index
    %get3A_31 = arith.constant 0 : index
    %get3A_32 = vector.load %arg5[%get3A_30, %get3A_31] : memref<128x128xf32, #tpu.memory_space<vmem>>, vector<128x128xf32>
    %dot_general3A = arith.constant dense<0.000000e+00> : vector<1000x128xf32>
    %dot_general3A_33 = tpu.matmul %max3A_23, %get3A_32, %dot_general3A {dimension_numbers = #tpu.dot_dimension_numbers<[1], [0], [0], [1], [0, 0, 1, 1], [], []>, transpose_lhs_hint = false} : vector<1000x128xf32>, vector<128x128xf32>, vector<1000x128xf32> -> vector<1000x128xf32>
    %mul3A_34 = vector.broadcast %get3A_1 : vector<1000x1xf32> to vector<1000x128xf32>
    %mul3A_35 = arith.mulf %dot_general3A_33, %mul3A_34 : vector<1000x128xf32>
    %swap3A_36 = arith.constant 0 : index
    %swap3A_37 = arith.constant 0 : index
    %swap3A_38 = vector.load %arg8[%swap3A_36, %swap3A_37] : memref<1000x128xf32, #tpu.memory_space<vmem>>, vector<1000x128xf32>
    tpu.vector_store %arg8[%swap3A_36, %swap3A_37], %mul3A_35 {strides = array<i32>} : memref<1000x128xf32, #tpu.memory_space<vmem>>, vector<1000x128xf32>,
    return
  }
  func.func @transform_0(%arg0: i32) -> (i32, i32, i32) {
    %c0_i32 = arith.constant 0 : i32
    %c0_i32_0 = arith.constant 0 : i32
    %c0_i32_1 = arith.constant 0 : i32
    return %c0_i32, %arg0, %c0_i32_0 : i32, i32, i32
  }
  func.func @transform_1(%arg0: i32) -> (i32, i32) {
    %c0_i32 = arith.constant 0 : i32
    %c0_i32_0 = arith.constant 0 : i32
    return %arg0, %c0_i32 : i32, i32
  }
  func.func @transform_2(%arg0: i32) -> (i32, i32) {
    %c0_i32 = arith.constant 0 : i32
    %c0_i32_0 = arith.constant 0 : i32
    return %arg0, %c0_i32 : i32, i32
  }
  func.func @transform_3(%arg0: i32) -> (i32, i32) {
    %c0_i32 = arith.constant 0 : i32
    %c0_i32_0 = arith.constant 0 : i32
    %c0_i32_1 = arith.constant 0 : i32
    return %c0_i32, %c0_i32_0 : i32, i32
  }
  func.func @transform_4(%arg0: i32) -> (i32, i32) {
    %c0_i32 = arith.constant 0 : i32
    %c0_i32_0 = arith.constant 0 : i32
    %c0_i32_1 = arith.constant 0 : i32
    return %c0_i32, %c0_i32_0 : i32, i32
  }
  func.func @transform_5(%arg0: i32) -> (i32, i32) {
    %c0_i32 = arith.constant 0 : i32
    %c0_i32_0 = arith.constant 0 : i32
    return %arg0, %c0_i32 : i32, i32
  }
  func.func @transform_6(%arg0: i32) -> (i32, i32) {
    %c0_i32 = arith.constant 0 : i32
    %c0_i32_0 = arith.constant 0 : i32
    return %arg0, %c0_i32 : i32, i32
  }
  func.func @transform_7(%arg0: i32) -> (i32, i32) {
    %c0_i32 = arith.constant 0 : i32
    %c0_i32_0 = arith.constant 0 : i32
    return %arg0, %c0_i32 : i32, i32
  }
}

module attributes {stable_mosaic.version = 14 : i64} {
  func.func @_tcf_body(%arg0: i32, %arg1: memref<2x1000x128xf32, #tpu.memory_space<vmem>>, %arg2: memref<1000x128xf32, #tpu.memory_space<vmem>>, %arg3: memref<1000x1xf32, #tpu.memory_space<vmem>>, %arg4: memref<1x128xf32, #tpu.memory_space<vmem>>, %arg5: memref<1000x128xf32, #tpu.memory_space<vmem>>, %arg6: memref<128x64xf32, #tpu.memory_space<vmem>>, %arg7: memref<1x64xf32, #tpu.memory_space<vmem>>, %arg8: memref<1000x64xf32, #tpu.memory_space<vmem>>) attributes {dimension_semantics = [#tpu.dimension_semantics<arbitrary>], iteration_bounds = array<i64: 10>, scalar_prefetch = 0 : i64, scratch_operands = 0 : i64, tpu.core_type = #tpu.core_type<tc>, window_params = [{transform_indices = @transform_0, window_bounds = array<i64: 2, 1000, 128>}, {transform_indices = @transform_1, window_bounds = array<i64: 1000, 128>}, {transform_indices = @transform_2, window_bounds = array<i64: 1000, 1>}, {pipeline_mode = #tpu.pipeline_mode<synchronous>, transform_indices = @transform_3, window_bounds = array<i64: 1, 128>}, {transform_indices = @transform_4, window_bounds = array<i64: 1000, 128>}, {pipeline_mode = #tpu.pipeline_mode<synchronous>, transform_indices = @transform_5, window_bounds = array<i64: 128, 64>}, {pipeline_mode = #tpu.pipeline_mode<synchronous>, transform_indices = @transform_6, window_bounds = array<i64: 1, 64>}, {transform_indices = @transform_7, window_bounds = array<i64: 1000, 64>}]} {
    %get3A = arith.constant 0 : index
    %get3A_0 = arith.constant 0 : index
    %get3A_1 = vector.load %arg3[%get3A, %get3A_0] : memref<1000x1xf32, #tpu.memory_space<vmem>>, vector<1000x1xf32>
    %get3A_2 = arith.constant 0 : index
    %get3A_3 = arith.constant 0 : index
    %get3A_4 = arith.constant 0 : index
    %get3A_5 = vector.load %arg1[%get3A_2, %get3A_3, %get3A_4] : memref<2x1000x128xf32, #tpu.memory_space<vmem>>, vector<1x1000x128xf32>
    %get3A_6 = vector.shape_cast %get3A_5 : vector<1x1000x128xf32> to vector<1000x128xf32>
    %get3A_7 = arith.constant 1 : index
    %get3A_8 = arith.constant 0 : index
    %get3A_9 = arith.constant 0 : index
    %get3A_10 = vector.load %arg1[%get3A_7, %get3A_8, %get3A_9] : memref<2x1000x128xf32, #tpu.memory_space<vmem>>, vector<1x1000x128xf32>
    %get3A_11 = vector.shape_cast %get3A_10 : vector<1x1000x128xf32> to vector<1000x128xf32>
    %add3A = arith.addf %get3A_6, %get3A_11 : vector<1000x128xf32>
    %get3A_12 = arith.constant 0 : index
    %get3A_13 = arith.constant 0 : index
    %get3A_14 = vector.load %arg2[%get3A_12, %get3A_13] : memref<1000x128xf32, #tpu.memory_space<vmem>>, vector<1000x128xf32>
    %add3A_15 = arith.addf %add3A, %get3A_14 : vector<1000x128xf32>
    %mul3A = vector.broadcast %get3A_1 : vector<1000x1xf32> to vector<1000x128xf32>
    %mul3A_16 = arith.mulf %mul3A, %add3A_15 : vector<1000x128xf32>
    %get3A_17 = arith.constant 0 : index
    %get3A_18 = arith.constant 0 : index
    %get3A_19 = vector.load %arg4[%get3A_17, %get3A_18] : memref<1x128xf32, #tpu.memory_space<vmem>>, vector<1x128xf32>
    %add3A_20 = vector.broadcast %get3A_19 : vector<1x128xf32> to vector<1000x128xf32>
    %add3A_21 = arith.addf %mul3A_16, %add3A_20 : vector<1000x128xf32>
    %max3A = arith.constant 0.000000e+00 : f32
    %max3A_22 = vector.broadcast %max3A : f32 to vector<1000x128xf32>
    %max3A_23 = arith.maximumf %add3A_21, %max3A_22 : vector<1000x128xf32>
    %get3A_24 = arith.constant 0 : index
    %get3A_25 = arith.constant 0 : index
    %get3A_26 = vector.load %arg5[%get3A_24, %get3A_25] : memref<1000x128xf32, #tpu.memory_space<vmem>>, vector<1000x128xf32>
    %add3A_27 = arith.addf %get3A_26, %max3A_23 : vector<1000x128xf32>
    %get3A_28 = arith.constant 0 : index
    %get3A_29 = arith.constant 0 : index
    %get3A_30 = vector.load %arg6[%get3A_28, %get3A_29] : memref<128x64xf32, #tpu.memory_space<vmem>>, vector<128x64xf32>
    %dot_general3A = arith.constant dense<0.000000e+00> : vector<1000x64xf32>
    %dot_general3A_31 = tpu.matmul %add3A_27, %get3A_30, %dot_general3A {dimension_numbers = #tpu.dot_dimension_numbers<[1], [0], [0], [1], [0, 0, 1, 1], [], []>, transpose_lhs_hint = false} : vector<1000x128xf32>, vector<128x64xf32>, vector<1000x64xf32> -> vector<1000x64xf32>
    %get3A_32 = arith.constant 0 : index
    %get3A_33 = arith.constant 0 : index
    %get3A_34 = vector.load %arg7[%get3A_32, %get3A_33] : memref<1x64xf32, #tpu.memory_space<vmem>>, vector<1x64xf32>
    %add3A_35 = vector.broadcast %get3A_34 : vector<1x64xf32> to vector<1000x64xf32>
    %add3A_36 = arith.addf %dot_general3A_31, %add3A_35 : vector<1000x64xf32>
    %swap3A = arith.constant 0 : index
    %swap3A_37 = arith.constant 0 : index
    %swap3A_38 = vector.load %arg8[%swap3A, %swap3A_37] : memref<1000x64xf32, #tpu.memory_space<vmem>>, vector<1000x64xf32>
    tpu.vector_store %arg8[%swap3A, %swap3A_37], %add3A_36 {strides = array<i32>} : memref<1000x64xf32, #tpu.memory_space<vmem>>, vector<1000x64xf32>,
    return
  }
  func.func @transform_0(%arg0: i32) -> (i32, i32, i32) {
    %c0_i32 = arith.constant 0 : i32
    %c0_i32_0 = arith.constant 0 : i32
    %c0_i32_1 = arith.constant 0 : i32
    return %c0_i32, %arg0, %c0_i32_0 : i32, i32, i32
  }
  func.func @transform_1(%arg0: i32) -> (i32, i32) {
    %c0_i32 = arith.constant 0 : i32
    %c0_i32_0 = arith.constant 0 : i32
    return %arg0, %c0_i32 : i32, i32
  }
  func.func @transform_2(%arg0: i32) -> (i32, i32) {
    %c0_i32 = arith.constant 0 : i32
    %c0_i32_0 = arith.constant 0 : i32
    return %arg0, %c0_i32 : i32, i32
  }
  func.func @transform_3(%arg0: i32) -> (i32, i32) {
    %c0_i32 = arith.constant 0 : i32
    %c0_i32_0 = arith.constant 0 : i32
    %c0_i32_1 = arith.constant 0 : i32
    return %c0_i32, %c0_i32_0 : i32, i32
  }
  func.func @transform_4(%arg0: i32) -> (i32, i32) {
    %c0_i32 = arith.constant 0 : i32
    %c0_i32_0 = arith.constant 0 : i32
    return %arg0, %c0_i32 : i32, i32
  }
  func.func @transform_5(%arg0: i32) -> (i32, i32) {
    %c0_i32 = arith.constant 0 : i32
    %c0_i32_0 = arith.constant 0 : i32
    %c0_i32_1 = arith.constant 0 : i32
    return %c0_i32, %c0_i32_0 : i32, i32
  }
  func.func @transform_6(%arg0: i32) -> (i32, i32) {
    %c0_i32 = arith.constant 0 : i32
    %c0_i32_0 = arith.constant 0 : i32
    %c0_i32_1 = arith.constant 0 : i32
    return %c0_i32, %c0_i32_0 : i32, i32
  }
  func.func @transform_7(%arg0: i32) -> (i32, i32) {
    %c0_i32 = arith.constant 0 : i32
    %c0_i32_0 = arith.constant 0 : i32
    return %arg0, %c0_i32 : i32, i32
  }
}

</mosaic_0001>

<sc_bundles>
// kernel: kernel.11.cloned.1.call-start
scs
__scs_entry_jumppad:
0x0: {  	(pc) =	sbr.rel $0x88, $3  }
0x1: {  	(tag) =	ssettag $0x0;
	lr =	simm.s32 $0x1  }
0x2: {  	[smem:$0x3F95] =	sst lr;
	_ =	strace $0xD0000000  }
0x3: {  	_ = 	snop  }
0x4: {  	_ = 	snop  }
0x5: {  	_ = 	snop  }
0x6: {  	_ = 	snop  }
0x7: {  	_ = 	snop  }
__scs_overlays_trampoline_lowered:
0x8: {  	[smem:$0x3FA4] =	sst s0  }
0x9: {  	[smem:$0x3FA5] =	sst s1  }
0xa: {  	[smem:$0x3FA6] =	sst s2  }
0xb: {  	[smem:$0x3FA7] =	sst s3  }
0xc: {  	[smem:$0x3FA8] =	sst s4  }
0xd: {  	[smem:$0x3FA9] =	sst s5  }
0xe: {  	[smem:$0x3FAA] =	sst s6  }
0xf: {  	[smem:$0x3FAB] =	sst s7  }
0x10: {  	[smem:$0x3FAC] =	sst s8  }
0x11: {  	[smem:$0x3FAD] =	sst s9;
	s0 =	simm.s32 @!p0 $0x0  }
0x12: {  	s1 =	sld [smem:$0x3F93];
	s0 =	simm.s32 @p0 $0x1  }
0x13: {  	[smem:$0x3FAE] =	sst s0;
	s0 =	simm.s32 @!p1 $0x0  }
0x14: {  	s2 =	sld [smem:$0x3F92];
	s0 =	simm.s32 @p1 $0x1  }
0x15: {  	[smem:$0x3FAF] =	sst s0;
	s0 =	simm.s32 @!p2 $0x0  }
0x16: {  	s3 =	sld [smem:$0x3FDB];
	s0 =	simm.s32 @p2 $0x1  }
0x17: {  	s4 =	simm.s32 $0x1BF5;
	[smem:$0x3FB1] =	sst s0  }
0x18: {  	s0 =	sld [smem:$0x3F94];
	_ =	swait.ge [sflag:s4], $0x0  }
0x19: {  	s7 =	sld [smem:$0x3F95]  }
0x1a: {  	s8 =	sadd.s32 $0xFFFFE003, lr  }
0x1b: {  	s9 =	sadd.s32 $0xFFFFFEF7, lr;
	s5 =	simm.s32 $0xFFFFFFFF;
	p2 =	slt.u32 s8, $0xFFFFF086  }
0x1c: {  	p1 =	slt.u32 s9, $0xF7A;
	s5 =	simm.s32 @!p2 $0x0  }
0x1d: {  	s5 =	simm.s32 @p1 $0x1;
	p0 =	seq.s32 s7, s2  }
0x1e: {  	s7 =	smul.u32 @!p0 $0xF7A, s2;
	p2 =	seq.s32 @!p0 s5, $0x0  }
0x1f: {  	s9 =	smul.u32 $0xF7A, s1;
	s8 =	simm.s32 @!p0 $0x1BF5;
	p2 =	por !p2, p0  }
0x20: {  	[sflag:s8] =	ssyncset.s32 @!p0 $0xFFFFF086;
	s6 =	sadd.s32 @!p0 s3, s7;
	s7 =	simm.s32 @!p0 $0x108  }
0x21: {  	s3 =	sadd.s32 s3, s9;
	s6 =	sadd.s32 @!p0 $0x88, s6;
	s7 =	simm.s32 @p2 $0x1082  }
0x22: {  	[simem:s7], [sflag:s8] =	dma.local @!p0 [hbm:s6], $0xF7A  }
0x23: {  	s9 =	sor.u32 $0xD0000000, s2;
	s6 =	simm.s32 $0x108;
	_ =	swait.ge @!p0 [sflag:s8], $0x0  }
0x24: {  	s3 =	sadd.s32 $0x88, s3;
	s6 =	simm.s32 @!p1 $0x1082;
	[sflag:s4] =	ssyncset.s32 $0xFFFFF086  }
0x25: {  	[simem:s6], [sflag:s4] =	dma.local [hbm:s3], $0xF7A  }
0x26: {  	[smem:$0x3F95] =	sst s1;
	(tag) =	ssettag s2;
	_ =	strace s9  }
0x27: {  	s1 =	sld [smem:$0x3FA5]  }
0x28: {  	s2 =	sld [smem:$0x3FA6]  }
0x29: {  	s4 =	sld [smem:$0x3FA8]  }
0x2a: {  	p0 =	seq.s32 s5, $0x0;
	s5 =	sld [smem:$0x3FA9]  }
0x2b: {  	s6 =	sld [smem:$0x3FAA]  }
0x2c: {  	s7 =	sld [smem:$0x3FAB]  }
0x2d: {  	s3 =	simm.s32 $0x108;
	s8 =	sld [smem:$0x3FAC]  }
0x2e: {  	s3 =	simm.s32 @!p0 $0x1082;
	s9 =	sld [smem:$0x3FAD]  }
0x2f: {  	lr =	sadd.s32 s0, s3;
	s0 =	sld [smem:$0x3FA4]  }
0x30: {  	s3 =	sld [smem:$0x3FA7]  }
0x31: {  	[smem:$0x3FB0] =	sst s10  }
0x32: {  	s10 =	sld [smem:$0x3FAE];
	_ =	sdelay $0x3  }
0x33: {  	p0 =	seq.s32 s10, $0x1;
	s10 =	sld [smem:$0x3FB0];
	_ =	sdelay $0x3  }
0x34: {  	[smem:$0x3FB0] =	sst s10  }
0x35: {  	s10 =	sld [smem:$0x3FAF];
	_ =	sdelay $0x3  }
0x36: {  	p1 =	seq.s32 s10, $0x1;
	s10 =	sld [smem:$0x3FB0];
	_ =	sdelay $0x3  }
0x37: {  	[smem:$0x3FB0] =	sst s10  }
0x38: {  	s10 =	sld [smem:$0x3FB1]  }
0x39: {  	_ = 	snop;
	(pc) =	sbr.ind lr, $3  }
0x3a: {  	_ = 	snop  }
0x3b: {  	_ = 	snop  }
0x3c: {  	p2 =	seq.s32 s10, $0x1;
	s10 =	sld [smem:$0x3FB0]  }
0x3d: {  	_ =	shalt  }
0x3e: {  	_ =	shalt  }
0x3f: {  	_ =	shalt  }
0x40: {  	_ =	shalt  }
0x41: {  	_ =	shalt  }
0x42: {  	_ =	shalt  }
0x43: {  	_ =	shalt  }
0x44: {  	_ =	shalt  }
0x45: {  	_ =	shalt  }
0x46: {  	_ =	shalt  }
0x47: {  	_ =	shalt  }
0x48: {  	_ =	shalt  }
0x49: {  	_ =	shalt  }
0x4a: {  	_ =	shalt  }
0x4b: {  	_ =	shalt  }
0x4c: {  	_ =	shalt  }
0x4d: {  	_ =	shalt  }
0x4e: {  	_ =	shalt  }
0x4f: {  	_ =	shalt  }
0x50: {  	_ =	shalt  }
0x51: {  	_ =	shalt  }
0x52: {  	_ =	shalt  }
0x53: {  	_ =	shalt  }
0x54: {  	_ =	shalt  }
0x55: {  	_ =	shalt  }
0x56: {  	_ =	shalt  }
0x57: {  	_ =	shalt  }
0x58: {  	_ =	shalt  }
0x59: {  	_ =	shalt  }
0x5a: {  	_ =	shalt  }
0x5b: {  	_ =	shalt  }
0x5c: {  	_ =	shalt  }
0x5d: {  	_ =	shalt  }
0x5e: {  	_ =	shalt  }
0x5f: {  	_ =	shalt  }
0x60: {  	_ =	shalt  }
0x61: {  	_ =	shalt  }
0x62: {  	_ =	shalt  }
0x63: {  	_ =	shalt  }
0x64: {  	_ =	shalt  }
0x65: {  	_ =	shalt  }
0x66: {  	_ =	shalt  }
0x67: {  	_ =	shalt  }
0x68: {  	_ =	shalt  }
0x69: {  	_ =	shalt  }
0x6a: {  	_ =	shalt  }
0x6b: {  	_ =	shalt  }
0x6c: {  	_ =	shalt  }
0x6d: {  	_ =	shalt  }
0x6e: {  	_ =	shalt  }
0x6f: {  	_ =	shalt  }
0x70: {  	_ =	shalt  }
0x71: {  	_ =	shalt  }
0x72: {  	_ =	shalt  }
0x73: {  	_ =	shalt  }
0x74: {  	_ =	shalt  }
0x75: {  	_ =	shalt  }
0x76: {  	_ =	shalt  }
0x77: {  	_ =	shalt  }
0x78: {  	_ =	shalt  }
0x79: {  	_ =	shalt  }
0x7a: {  	_ =	shalt  }
0x7b: {  	_ =	shalt  }
0x7c: {  	_ =	shalt  }
0x7d: {  	_ =	shalt  }
0x7e: {  	_ =	shalt  }
0x7f: {  	_ =	shalt  }
0x80: {  	_ =	shalt  }
0x81: {  	_ =	shalt  }
0x82: {  	_ =	shalt  }
0x83: {  	_ =	shalt  }
0x84: {  	_ =	shalt  }
0x85: {  	_ =	shalt  }
0x86: {  	_ =	shalt  }
0x87: {  	_ =	shalt  }
.Lfunc_end0:
.L_simem_size_0:
called_computation_lowered:
.L_overlay_start_0:
0x88: {  	s2 =	sld [smem:$0x3FD9]  }
0x89: {  	s3 =	sld [smem:$0x3FFE];
	_ =	sdelay $0x1  }
0x8a: {  	s1 =	srdreg.scid  }
0x8b: {  	s0 =	sand.u32 $0x1, s1  }
0x8c: {  	s17 =	sshll.u32 s0, $0xA;
	s2 =	sadd.s32 s3, s2  }
0x8d: {  	s2 =	sadd.s32 s2, s17  }
0x8e: {  	[smem:$0x3FBC] =	sst s2  }
0x8f: {  	_ = 	snop  }
0x90: {  	s2 =	sld [smem:$0x3FD0];
	(tm) =	ssettm $0x1  }
0x91: {  	s18 =	sld [smem:$0x3FFB];
	_ =	sdelay $0x3  }
0x92: {  	_ =	strace s18  }
0x93: {  	s3 =	sld [smem:$0x3FFC];
	_ =	sdelay $0x3  }
0x94: {  	_ =	strace s3  }
0x95: {  	s3 =	sld [smem:$0x3FFD];
	_ =	sdelay $0x3  }
0x96: {  	_ =	strace s3  }
0x97: {  	_ =	strace $0x8FFFFFFF  }
0x98: {  	s19 =	sld [smem:$0x3FDB];
	_ =	sdelay $0x1  }
0x99: {  	s4 =	simm.s32 $_scs_section_size  }
0x9a: {  	s5 =	simm.s32 $_size__tile_overlayer_lowered;
	s6 =	simm.s32 $_tile_overlayer_lowered  }
0x9b: {  	s22 =	simm.s32 $0x1BFF;
	s21 =	sshll.u32 s6, $0x1;
	s3 =	sadd.s32 s4, s19  }
0x9c: {  	s7 =	simm.s32 $0x0;
	s20 =	sshll.u32 s5, $0x1;
	s5 =	sadd.s32 s21, s3  }
0x9d: {  	[timem:s7], [sflag:s22] =	dma.local [hbm:s5], s20  }
0x9e: {  	_ =	swait.ge [sflag:s22], s20  }
0x9f: {  	s4 =	ssub.s32 $0x0, s20;
	[sflag:s22] =	ssyncset.done $0x0  }
0xa0: {  	[sflag:s22] =	ssyncadd.s32 s4;
	_ =	sdelay $0x1  }
0xa1: {  	s23 =	simm.s32 $0x1B8B  }
0xa2: {  	_ =	swait.ge [sflag:s23], $0x1  }
0xa3: {  	[sflag:s23] =	ssyncset.done $0x0  }
0xa4: {  	s25 =	simm.s32 $0x1B8E;
	s24 =	sld [smem:$0x3FFE];
	[sflag:s23] =	ssyncadd.s32 $0xFFFFFFFF  }
0xa5: {  	s26 =	simm.s32 $execute0_lowered;
	[smem:$0x3FD2] =	sst s25  }
0xa6: {  	s5 =	sshll.u32 s26, $0x1;
	_ =	strace $0x80000046;
	[dreg:$0x1] =	wrdreg $0xFFFFFFFF  }
0xa7: {  	s28 =	simm.s32 $_size_execute0_lowered;
	s3 =	sadd.s32 s3, s5;
	[dreg:$0x0] =	wrdreg $0x0  }
0xa8: {  	s5 =	sshll.u32 s28, $0x1;
	[dreg:$0x2] =	wrdreg s3  }
0xa9: {  	[dreg:$0x3] =	wrdreg s5  }
0xaa: {  	[dreg:$0x4] =	wrdreg $0xC0  }
0xab: {  	_ =	task [dreg:s7], $0x5FFFF  }
0xac: {  	[dreg:$0x1] =	wrdreg $0xFFFFFFFF  }
0xad: {  	[dreg:$0x0] =	wrdreg $0x60  }
0xae: {  	[dreg:$0x2] =	wrdreg s2  }
0xaf: {  	[dreg:$0x3] =	wrdreg s24  }
0xb0: {  	[dreg:$0x4] =	wrdreg $0x68000  }
0xb1: {  	[dreg:$0x5] =	wrdreg $0x9  }
0xb2: {  	_ =	task.clear_ibuf [dreg:s7], $0x6FFFF;
	_ =	strace $0x90000046  }
0xb3: {  	s29 =	simm.s32 $0x9;
	_ =	strace $0x80000048  }
0xb4: {  	_ =	swait.ge [sflag:s29], $0x1  }
0xb5: {  	[sflag:s29] =	ssyncadd.s32 $0xFFFFFFFF  }
0xb6: {  	_ =	strace $0x90000048  }
0xb7: {  	_ =	sfence  }
0xb8: {  	s30 =	sld [smem:$0x0];
	_ =	sdelay $0x2  }
0xb9: {  	s31 =	sshll.u32 s1, $0xD;
	s1 =	sshrl.u32 s1, $0x2  }
0xba: {  	s3 =	sand.u32 $0x4000, s31;
	s1 =	sadd.s32 s1, s30  }
0xbb: {  	s0 =	sor.u32 s3, s0;
	s1 =	sshll.u32 s1, $0x11  }
0xbc: {  	s0 =	sor.u32 s1, s0  }
0xbd: {  	s0 =	sadd.s32 $0x8F2B, s0  }
0xbe: {  	[sflag:s0] =	ssyncadd.remote.s32 $0x1  }
0xbf: {  	_ =	sfence.sel $0xFFFF  }
0xc0: {  	[dreg:$0x0] =	wrdreg $0xFFFFFFFF;
	(pc) =	sbr.abs _section_cstart, $3  }
0xc1: {  	[dreg:$0x1] =	wrdreg $0xFFFFFFFF  }
0xc2: {  	_ =	task.clear_ibuf [dreg:s7], $0x2FFFF;
	_ =	strace $0x9FFFFFFF  }
0xc3: {  	(tm) =	ssettm $0x7FFFFFFF  }
tec
execute0_lowered:
.L_overlay_start_1:
0x0: {  	(tag) =	ssettag $0x1  }
0x1: {  	s5 =	rddreg [dreg:$0x0]  }
0x2: {  	s6 =	rddreg [dreg:$0x1]  }
0x3: {  	s2 =	rddreg [dreg:$0x2]  }
0x4: {  	s0 =	stileid.u32;
	s4 =	srdreg.scid  }
0x5: {  	s1 =	rddreg [dreg:$0x3];
	s3 =	simm.s32 $0x0;
	s13 =	simm.s32 $0x80  }
0x6: {  	s14 =	simm.s32 $0x0;
	s7 =	smul.u32 $0x13C00, s0;
	s8 =	sand.u32 $0x1, s4  }
0x7: {  	[smem:$0x7FF] =	sst s3;
	s4 =	sadd.s32 $0x36400, s6;
	s11 =	smul.u32 $0x4F000, s0  }
0x8: {  	s31 =	sshll.u32 s0, $0x6;
	s9 =	smul.u32 $0x13C000, s8;
	_ =	strace $0x80000047  }
0x9: {  	s28 =	sshll.u32 s8, $0x4;
	s8 =	ssub.s32 $0x2, s8;
	s26 =	sshrl.u32 s7, $0x3  }
0xa: {  	s12 =	sshrl.u32 s8, $0x1;
	s29 =	sshrl.u32 s11, $0x2;
	s11 =	sor.u32 $0x1C01, s31  }
0xb: {  	s10 =	sadd.s32 s26, s6;
	s7 =	sadd.s32 s7, s9;
	s9 =	sor.u32 s0, s28  }
0xc: {  	s8 =	ssub.s32 s8, s12;
	s30 =	sadd.s32 s29, s2;
	s7 =	sshrl.u32 s7, $0x3  }
0xd: {  	s9 =	smul.u32 $0x500, s9;
	s8 =	smax.u32 s8, $0x1;
	s12 =	sshrl.u32 s30, $0x3  }
0xe: {  	s7 =	sadd.s32 s7, s6;
	s6 =	sadd.s32 $0xEC00, s10;
	s10 =	simm.s32 $0x2800  }
0xf: {  	s5 =	sadd.s32 s5, s9;
	s7 =	sadd.s32 $0x36C00, s7;
	s9 =	simm.s32 $0x1  }
.LBB2_1:
0x10: {  	[tilespmem:s3], [sflag:$0x1] =	stream.linear.gather [hbm4b:s5+s3], $0x2800, $0x38;
	[tilespmem:$0x1A400] =	vst v63  }
0x11: {  	_ =	swait.ge [sflag:s9], $0x2800  }
0x12: {  	[sflag:s9] =	ssyncset.done $0x0  }
0x13: {  	[sflag:s9] =	ssyncadd.s32 $0xFFFFD800  }
0x14: {  	[tilespmem:s10], [sflag:$0x1] =	stream.linear.gather [hbm4b:s4+s3], $0x4000, $0x38;
	[tilespmem:$0x1A400] =	vst v63  }
0x15: {  	_ =	swait.ge [sflag:s9], $0x4000  }
0x16: {  	[sflag:s9] =	ssyncset.done $0x0  }
0x17: {  	[sflag:s9] =	ssyncadd.s32 $0xFFFFC000  }
0x18: {  	[spmem:s12], [sflag:s11] =	dma.local [hbm:s6], $0x2780  }
0x19: {  	_ =	swait.ge [sflag:s9], $0x2780  }
0x1a: {  	[sflag:s9] =	ssyncset.done $0x0  }
0x1b: {  	[sflag:s9] =	ssyncadd.s32 $0xFFFFD880  }
0x1c: {  	s15 =	simm.s32 $0x0;
	[bflag:$0x0] =	sbarrier.arrive $0xFFFF  }
0x1d: {  	[spmem:s2] =	stream.indirect.scatter.add.f32 [tilespmem:s10], [sflag:$0x1], $0x80, s15, s13, $0xb8;
	[tilespmem:$0x1A400] =	vst v63  }
0x1e: {  	_ =	swait.ge [sflag:s9], $0x4000  }
0x1f: {  	s15 =	simm.s32 $0x200;
	[sflag:s9] =	ssyncset.done $0x0  }
.LBB2_2:
0x20: {  	s16 =	sshra.s32 s15, $0x2;
	[sflag:s9] =	ssyncadd.s32 $0xFFFFC000;
	p0 =	sne.s32 s15, $0x9E00  }
0x21: {  	[spmem:s2] =	stream.indirect.scatter.add.f32 [tilespmem:s10], [sflag:$0x1], $0x80, s16, s13, $0xb8;
	[tilespmem:$0x1A400] =	vst v63  }
.Ltmp0:
0x22: {  	_ = 	snop;
	(pc) =	sbr.rel @p0 .LBB2_2-.Ltmp0, $4  }
0x23: {  	_ = 	snop  }
0x24: {  	s15 =	sadd.s32 $0x200, s15  }
0x25: {  	_ =	swait.ge [sflag:s9], $0x4000  }
0x26: {  	[sflag:s9] =	ssyncset.done $0x0  }
0x27: {  	s14 =	sadd.s32 $0x1, s14  }
0x28: {  	[sflag:s9] =	ssyncadd.s32 $0xFFFFC000;
	p0 =	sne.s32 s14, s8  }
.Ltmp1:
0x29: {  	[bflag:$0x0] =	sbarrier.arrive $0xFFFF;
	(pc) =	sbr.rel @p0 .LBB2_1-.Ltmp1, $4  }
0x2a: {  	[hbm:s7], [sflag:s11] =	dma.local [spmem:s12], $0x2780  }
0x2b: {  	_ =	swait.ge [sflag:s9], $0x2780  }
0x2c: {  	[sflag:s9] =	ssyncset.done $0x0  }
0x2d: {  	[sflag:s9] =	ssyncadd.s32 $0xFFFFD880  }
0x2e: {  	_ =	sfence.sel $0x180000  }
0x2f: {  	[bflag:$0x0] =	sbarrier.arrive $0xFFFF  }
0x30: {  	p0 =	sne.s32 s0, $0x0;
	_ =	strace $0x90000047  }
0x31: {  	s0 =	sadd.s32 @!p0 $0x100000, s1;
	[bflag:$0x2] =	sbarrier.arrive $0xFFFF  }
0x32: {  	[sflag:s0] =	ssyncadd.tile.s32 @!p0 $0x1;
	_ =	shalt  }
.Lfunc_end2:
_tile_overlayer_lowered:
.L_overlay_start_2:
0x33: {  	(tag) =	ssettag $0x2  }
0x34: {  	s0 =	rddreg [dreg:$0x0];
	s2 =	stileid.u32  }
0x35: {  	s1 =	rddreg [dreg:$0x1];
	p0 =	sne.s32 s2, $0x0  }
0x36: {  	s3 =	rddreg [dreg:$0x2];
	[bflag:$0x3] =	sbarrier.arrive $0xFFFF;
	s2 =	simm.s32 @!p0 $0x1C01  }
0x37: {  	[timem:s3], [sflag:s2] =	dma.local @!p0 [hbm:s0], s1  }
0x38: {  	s0 =	simm.s32 @!p0 $0x1  }
0x39: {  	_ =	swait.ge @!p0 [sflag:s0], s1  }
0x3a: {  	s1 =	ssub.s32 @!p0 $0x0, s1;
	[sflag:s0] =	ssyncset.done @!p0 $0x0  }
0x3b: {  	[sflag:s0] =	ssyncadd.s32 @!p0 s1  }
0x3c: {  	[bflag:$0x3] =	sbarrier.arrive $0xFFFF  }
0x3d: {  	_ =	shalt  }

// kernel: kernel.14.cloned.1.call-start
scs
__scs_entry_jumppad:
0x0: {  	(pc) =	sbr.rel $0x88, $3  }
0x1: {  	(tag) =	ssettag $0x0;
	lr =	simm.s32 $0x1  }
0x2: {  	[smem:$0x3F95] =	sst lr;
	_ =	strace $0xD0000000  }
0x3: {  	_ = 	snop  }
0x4: {  	_ = 	snop  }
0x5: {  	_ = 	snop  }
0x6: {  	_ = 	snop  }
0x7: {  	_ = 	snop  }
__scs_overlays_trampoline_lowered:
0x8: {  	[smem:$0x3FA4] =	sst s0  }
0x9: {  	[smem:$0x3FA5] =	sst s1  }
0xa: {  	[smem:$0x3FA6] =	sst s2  }
0xb: {  	[smem:$0x3FA7] =	sst s3  }
0xc: {  	[smem:$0x3FA8] =	sst s4  }
0xd: {  	[smem:$0x3FA9] =	sst s5  }
0xe: {  	[smem:$0x3FAA] =	sst s6  }
0xf: {  	[smem:$0x3FAB] =	sst s7  }
0x10: {  	[smem:$0x3FAC] =	sst s8  }
0x11: {  	[smem:$0x3FAD] =	sst s9;
	s0 =	simm.s32 @!p0 $0x0  }
0x12: {  	s1 =	sld [smem:$0x3F93];
	s0 =	simm.s32 @p0 $0x1  }
0x13: {  	[smem:$0x3FAE] =	sst s0;
	s0 =	simm.s32 @!p1 $0x0  }
0x14: {  	s2 =	sld [smem:$0x3F92];
	s0 =	simm.s32 @p1 $0x1  }
0x15: {  	[smem:$0x3FAF] =	sst s0;
	s0 =	simm.s32 @!p2 $0x0  }
0x16: {  	s3 =	sld [smem:$0x3FDB];
	s0 =	simm.s32 @p2 $0x1  }
0x17: {  	s4 =	simm.s32 $0x1BF5;
	[smem:$0x3FB1] =	sst s0  }
0x18: {  	s0 =	sld [smem:$0x3F94];
	_ =	swait.ge [sflag:s4], $0x0  }
0x19: {  	s7 =	sld [smem:$0x3F95]  }
0x1a: {  	s8 =	sadd.s32 $0xFFFFE003, lr  }
0x1b: {  	s9 =	sadd.s32 $0xFFFFFEF7, lr;
	s5 =	simm.s32 $0xFFFFFFFF;
	p2 =	slt.u32 s8, $0xFFFFF086  }
0x1c: {  	p1 =	slt.u32 s9, $0xF7A;
	s5 =	simm.s32 @!p2 $0x0  }
0x1d: {  	s5 =	simm.s32 @p1 $0x1;
	p0 =	seq.s32 s7, s2  }
0x1e: {  	s7 =	smul.u32 @!p0 $0xF7A, s2;
	p2 =	seq.s32 @!p0 s5, $0x0  }
0x1f: {  	s9 =	smul.u32 $0xF7A, s1;
	s8 =	simm.s32 @!p0 $0x1BF5;
	p2 =	por !p2, p0  }
0x20: {  	[sflag:s8] =	ssyncset.s32 @!p0 $0xFFFFF086;
	s6 =	sadd.s32 @!p0 s3, s7;
	s7 =	simm.s32 @!p0 $0x108  }
0x21: {  	s3 =	sadd.s32 s3, s9;
	s6 =	sadd.s32 @!p0 $0x88, s6;
	s7 =	simm.s32 @p2 $0x1082  }
0x22: {  	[simem:s7], [sflag:s8] =	dma.local @!p0 [hbm:s6], $0xF7A  }
0x23: {  	s9 =	sor.u32 $0xD0000000, s2;
	s6 =	simm.s32 $0x108;
	_ =	swait.ge @!p0 [sflag:s8], $0x0  }
0x24: {  	s3 =	sadd.s32 $0x88, s3;
	s6 =	simm.s32 @!p1 $0x1082;
	[sflag:s4] =	ssyncset.s32 $0xFFFFF086  }
0x25: {  	[simem:s6], [sflag:s4] =	dma.local [hbm:s3], $0xF7A  }
0x26: {  	[smem:$0x3F95] =	sst s1;
	(tag) =	ssettag s2;
	_ =	strace s9  }
0x27: {  	s1 =	sld [smem:$0x3FA5]  }
0x28: {  	s2 =	sld [smem:$0x3FA6]  }
0x29: {  	s4 =	sld [smem:$0x3FA8]  }
0x2a: {  	p0 =	seq.s32 s5, $0x0;
	s5 =	sld [smem:$0x3FA9]  }
0x2b: {  	s6 =	sld [smem:$0x3FAA]  }
0x2c: {  	s7 =	sld [smem:$0x3FAB]  }
0x2d: {  	s3 =	simm.s32 $0x108;
	s8 =	sld [smem:$0x3FAC]  }
0x2e: {  	s3 =	simm.s32 @!p0 $0x1082;
	s9 =	sld [smem:$0x3FAD]  }
0x2f: {  	lr =	sadd.s32 s0, s3;
	s0 =	sld [smem:$0x3FA4]  }
0x30: {  	s3 =	sld [smem:$0x3FA7]  }
0x31: {  	[smem:$0x3FB0] =	sst s10  }
0x32: {  	s10 =	sld [smem:$0x3FAE];
	_ =	sdelay $0x3  }
0x33: {  	p0 =	seq.s32 s10, $0x1;
	s10 =	sld [smem:$0x3FB0];
	_ =	sdelay $0x3  }
0x34: {  	[smem:$0x3FB0] =	sst s10  }
0x35: {  	s10 =	sld [smem:$0x3FAF];
	_ =	sdelay $0x3  }
0x36: {  	p1 =	seq.s32 s10, $0x1;
	s10 =	sld [smem:$0x3FB0];
	_ =	sdelay $0x3  }
0x37: {  	[smem:$0x3FB0] =	sst s10  }
0x38: {  	s10 =	sld [smem:$0x3FB1]  }
0x39: {  	_ = 	snop;
	(pc) =	sbr.ind lr, $3  }
0x3a: {  	_ = 	snop  }
0x3b: {  	_ = 	snop  }
0x3c: {  	p2 =	seq.s32 s10, $0x1;
	s10 =	sld [smem:$0x3FB0]  }
0x3d: {  	_ =	shalt  }
0x3e: {  	_ =	shalt  }
0x3f: {  	_ =	shalt  }
0x40: {  	_ =	shalt  }
0x41: {  	_ =	shalt  }
0x42: {  	_ =	shalt  }
0x43: {  	_ =	shalt  }
0x44: {  	_ =	shalt  }
0x45: {  	_ =	shalt  }
0x46: {  	_ =	shalt  }
0x47: {  	_ =	shalt  }
0x48: {  	_ =	shalt  }
0x49: {  	_ =	shalt  }
0x4a: {  	_ =	shalt  }
0x4b: {  	_ =	shalt  }
0x4c: {  	_ =	shalt  }
0x4d: {  	_ =	shalt  }
0x4e: {  	_ =	shalt  }
0x4f: {  	_ =	shalt  }
0x50: {  	_ =	shalt  }
0x51: {  	_ =	shalt  }
0x52: {  	_ =	shalt  }
0x53: {  	_ =	shalt  }
0x54: {  	_ =	shalt  }
0x55: {  	_ =	shalt  }
0x56: {  	_ =	shalt  }
0x57: {  	_ =	shalt  }
0x58: {  	_ =	shalt  }
0x59: {  	_ =	shalt  }
0x5a: {  	_ =	shalt  }
0x5b: {  	_ =	shalt  }
0x5c: {  	_ =	shalt  }
0x5d: {  	_ =	shalt  }
0x5e: {  	_ =	shalt  }
0x5f: {  	_ =	shalt  }
0x60: {  	_ =	shalt  }
0x61: {  	_ =	shalt  }
0x62: {  	_ =	shalt  }
0x63: {  	_ =	shalt  }
0x64: {  	_ =	shalt  }
0x65: {  	_ =	shalt  }
0x66: {  	_ =	shalt  }
0x67: {  	_ =	shalt  }
0x68: {  	_ =	shalt  }
0x69: {  	_ =	shalt  }
0x6a: {  	_ =	shalt  }
0x6b: {  	_ =	shalt  }
0x6c: {  	_ =	shalt  }
0x6d: {  	_ =	shalt  }
0x6e: {  	_ =	shalt  }
0x6f: {  	_ =	shalt  }
0x70: {  	_ =	shalt  }
0x71: {  	_ =	shalt  }
0x72: {  	_ =	shalt  }
0x73: {  	_ =	shalt  }
0x74: {  	_ =	shalt  }
0x75: {  	_ =	shalt  }
0x76: {  	_ =	shalt  }
0x77: {  	_ =	shalt  }
0x78: {  	_ =	shalt  }
0x79: {  	_ =	shalt  }
0x7a: {  	_ =	shalt  }
0x7b: {  	_ =	shalt  }
0x7c: {  	_ =	shalt  }
0x7d: {  	_ =	shalt  }
0x7e: {  	_ =	shalt  }
0x7f: {  	_ =	shalt  }
0x80: {  	_ =	shalt  }
0x81: {  	_ =	shalt  }
0x82: {  	_ =	shalt  }
0x83: {  	_ =	shalt  }
0x84: {  	_ =	shalt  }
0x85: {  	_ =	shalt  }
0x86: {  	_ =	shalt  }
0x87: {  	_ =	shalt  }
.Lfunc_end0:
.L_simem_size_0:
called_computation.1_lowered:
.L_overlay_start_0:
0x88: {  	s2 =	sld [smem:$0x3FD9]  }
0x89: {  	s3 =	sld [smem:$0x3FFE];
	_ =	sdelay $0x1  }
0x8a: {  	s1 =	srdreg.scid  }
0x8b: {  	s0 =	sand.u32 $0x1, s1  }
0x8c: {  	s17 =	sshll.u32 s0, $0xA;
	s2 =	sadd.s32 s3, s2  }
0x8d: {  	s2 =	sadd.s32 s2, s17  }
0x8e: {  	[smem:$0x3FBC] =	sst s2  }
0x8f: {  	_ = 	snop  }
0x90: {  	s2 =	sld [smem:$0x3FD0];
	(tm) =	ssettm $0x1  }
0x91: {  	s18 =	sld [smem:$0x3FFB];
	_ =	sdelay $0x3  }
0x92: {  	_ =	strace s18  }
0x93: {  	s3 =	sld [smem:$0x3FFC];
	_ =	sdelay $0x3  }
0x94: {  	_ =	strace s3  }
0x95: {  	s3 =	sld [smem:$0x3FFD];
	_ =	sdelay $0x3  }
0x96: {  	_ =	strace s3  }
0x97: {  	_ =	strace $0x8FFFFFFF  }
0x98: {  	s19 =	sld [smem:$0x3FDB];
	_ =	sdelay $0x1  }
0x99: {  	s4 =	simm.s32 $_scs_section_size  }
0x9a: {  	s5 =	simm.s32 $_size__tile_overlayer_lowered;
	s6 =	simm.s32 $_tile_overlayer_lowered  }
0x9b: {  	s22 =	simm.s32 $0x1BFF;
	s21 =	sshll.u32 s6, $0x1;
	s3 =	sadd.s32 s4, s19  }
0x9c: {  	s7 =	simm.s32 $0x0;
	s20 =	sshll.u32 s5, $0x1;
	s5 =	sadd.s32 s21, s3  }
0x9d: {  	[timem:s7], [sflag:s22] =	dma.local [hbm:s5], s20  }
0x9e: {  	_ =	swait.ge [sflag:s22], s20  }
0x9f: {  	s4 =	ssub.s32 $0x0, s20;
	[sflag:s22] =	ssyncset.done $0x0  }
0xa0: {  	[sflag:s22] =	ssyncadd.s32 s4;
	_ =	sdelay $0x1  }
0xa1: {  	s23 =	simm.s32 $0x1B8B  }
0xa2: {  	_ =	swait.ge [sflag:s23], $0x1  }
0xa3: {  	[sflag:s23] =	ssyncset.done $0x0  }
0xa4: {  	s25 =	simm.s32 $0x1B8E;
	s24 =	sld [smem:$0x3FFE];
	[sflag:s23] =	ssyncadd.s32 $0xFFFFFFFF  }
0xa5: {  	s26 =	simm.s32 $execute0_lowered;
	[smem:$0x3FD2] =	sst s25  }
0xa6: {  	s5 =	sshll.u32 s26, $0x1;
	_ =	strace $0x80000049;
	[dreg:$0x1] =	wrdreg $0xFFFFFFFF  }
0xa7: {  	s28 =	simm.s32 $_size_execute0_lowered;
	s3 =	sadd.s32 s3, s5;
	[dreg:$0x0] =	wrdreg $0x0  }
0xa8: {  	s5 =	sshll.u32 s28, $0x1;
	[dreg:$0x2] =	wrdreg s3  }
0xa9: {  	[dreg:$0x3] =	wrdreg s5  }
0xaa: {  	[dreg:$0x4] =	wrdreg $0xC0  }
0xab: {  	_ =	task [dreg:s7], $0x5FFFF  }
0xac: {  	[dreg:$0x1] =	wrdreg $0xFFFFFFFF  }
0xad: {  	[dreg:$0x0] =	wrdreg $0x60  }
0xae: {  	[dreg:$0x2] =	wrdreg s24  }
0xaf: {  	[dreg:$0x3] =	wrdreg s2  }
0xb0: {  	[dreg:$0x4] =	wrdreg $0xA8000  }
0xb1: {  	[dreg:$0x5] =	wrdreg $0x9  }
0xb2: {  	_ =	task.clear_ibuf [dreg:s7], $0x6FFFF;
	_ =	strace $0x90000049  }
0xb3: {  	s29 =	simm.s32 $0x9;
	_ =	strace $0x8000004B  }
0xb4: {  	_ =	swait.ge [sflag:s29], $0x1  }
0xb5: {  	[sflag:s29] =	ssyncadd.s32 $0xFFFFFFFF  }
0xb6: {  	_ =	strace $0x9000004B  }
0xb7: {  	_ =	sfence  }
0xb8: {  	s30 =	sld [smem:$0x0];
	_ =	sdelay $0x2  }
0xb9: {  	s31 =	sshll.u32 s1, $0xD;
	s1 =	sshrl.u32 s1, $0x2  }
0xba: {  	s3 =	sand.u32 $0x4000, s31;
	s1 =	sadd.s32 s1, s30  }
0xbb: {  	s0 =	sor.u32 s3, s0;
	s1 =	sshll.u32 s1, $0x11  }
0xbc: {  	s0 =	sor.u32 s1, s0  }
0xbd: {  	s0 =	sadd.s32 $0x8F2B, s0  }
0xbe: {  	[sflag:s0] =	ssyncadd.remote.s32 $0x1  }
0xbf: {  	_ =	sfence.sel $0xFFFF  }
0xc0: {  	[dreg:$0x0] =	wrdreg $0xFFFFFFFF;
	(pc) =	sbr.abs _section_cstart, $3  }
0xc1: {  	[dreg:$0x1] =	wrdreg $0xFFFFFFFF  }
0xc2: {  	_ =	task.clear_ibuf [dreg:s7], $0x2FFFF;
	_ =	strace $0x9FFFFFFF  }
0xc3: {  	(tm) =	ssettm $0x7FFFFFFF  }
tec
execute0_lowered:
.L_overlay_start_1:
0x0: {  	(tag) =	ssettag $0x1  }
0x1: {  	s5 =	rddreg [dreg:$0x0]  }
0x2: {  	s9 =	rddreg [dreg:$0x1]  }
0x3: {  	s2 =	rddreg [dreg:$0x2]  }
0x4: {  	s0 =	rddreg [dreg:$0x3];
	s3 =	simm.s32 $0x0  }
0x5: {  	s1 =	stileid.u32;
	s4 =	srdreg.scid;
	s16 =	simm.s32 $0x80  }
0x6: {  	s17 =	simm.s32 $0x2800;
	s18 =	simm.s32 $0x6800;
	s19 =	simm.s32 $0x1  }
0x7: {  	s20 =	simm.s32 $0x2;
	s21 =	simm.s32 $0x2700;
	s22 =	simm.s32 $0x2780  }
0x8: {  	s23 =	simm.s32 $0x0;
	[smem:$0x7FF] =	sst s3;
	s6 =	smul.u32 $0x13C00, s1  }
0x9: {  	s7 =	sand.u32 $0x1, s4;
	s4 =	sadd.s32 $0x36400, s5;
	s11 =	sadd.s32 $0x4C00, s5  }
0xa: {  	s26 =	smul.u32 $0x4F000, s1;
	s31 =	sshll.u32 s1, $0x6;
	_ =	strace $0x8000004A  }
0xb: {  	s8 =	smul.u32 $0x13C000, s7;
	s10 =	sshll.u32 s7, $0x4;
	s7 =	ssub.s32 $0x2, s7  }
0xc: {  	s12 =	sshrl.u32 s6, $0x3;
	s10 =	sor.u32 s1, s10;
	s28 =	sshrl.u32 s7, $0x1  }
0xd: {  	s29 =	sshrl.u32 s26, $0x2;
	s12 =	sadd.s32 s12, s5;
	s6 =	sadd.s32 s6, s8  }
0xe: {  	s25 =	smul.u32 $0x2800, s10;
	s14 =	ssub.s32 s7, s28;
	s15 =	sadd.s32 s29, s2  }
0xf: {  	s6 =	sshrl.u32 s6, $0x3;
	s7 =	sadd.s32 $0xEC00, s12;
	s12 =	simm.s32 $0x3  }
0x10: {  	s15 =	sshrl.u32 s15, $0x3;
	s13 =	sadd.s32 s6, s5;
	s8 =	sshrl.u32 s25, $0x3  }
0x11: {  	s5 =	sadd.s32 s11, s8;
	s6 =	sadd.s32 s9, s8;
	s30 =	sadd.s32 $0x280, s8  }
0x12: {  	s10 =	sadd.s32 $0x5D600, s13;
	s13 =	simm.s32 $0x1400;
	s8 =	sadd.s32 s11, s30  }
0x13: {  	s9 =	sadd.s32 s9, s30;
	s11 =	smax.u32 s14, $0x1;
	s14 =	sor.u32 $0x1C03, s31  }
.LBB2_1:
0x14: {  	[tilespmem:s3], [sflag:$0x3] =	stream.linear.gather [hbm4b:s5+s3], $0x1400, $0x38;
	[tilespmem:$0x1E400] =	vst v63  }
0x15: {  	_ =	swait.ge [sflag:s12], $0x1400  }
0x16: {  	[sflag:s12] =	ssyncset.done $0x0  }
0x17: {  	[sflag:s12] =	ssyncadd.s32 $0xFFFFEC00  }
0x18: {  	[tilespmem:s13], [sflag:$0x3] =	stream.linear.gather [hbm4b:s6+s3], $0x1400, $0x38;
	[tilespmem:$0x1E400] =	vst v63  }
0x19: {  	_ =	swait.ge [sflag:s12], $0x1400  }
0x1a: {  	[sflag:s12] =	ssyncset.done $0x0  }
0x1b: {  	[sflag:s12] =	ssyncadd.s32 $0xFFFFEC00  }
0x1c: {  	[spmem:s15], [sflag:s14] =	dma.local [hbm:s7], $0x2780  }
0x1d: {  	_ =	swait.ge [sflag:s12], $0x2780  }
0x1e: {  	[sflag:s12] =	ssyncset.done $0x0  }
0x1f: {  	[sflag:s12] =	ssyncadd.s32 $0xFFFFD880  }
0x20: {  	[bflag:$0x0] =	sbarrier.arrive $0xFFFF  }
0x21: {  	[tilespmem:s17], [sflag:$0x1] =	stream.indirect.gather [hbm4b:s4+s16], $0x80, s3, s16, $0xb8;
	[tilespmem:$0x1E400] =	vst v63  }
0x22: {  	_ = 	snop  }
0x23: {  	[tilespmem:s18], [sflag:$0x2] =	stream.indirect.gather [hbm4b:s4+s16], $0x80, s16, s16, $0xb8;
	[tilespmem:$0x1E400] =	vst v63  }
0x24: {  	_ =	swait.ge [sflag:s19], $0x4000  }
0x25: {  	[sflag:s19] =	ssyncset.done $0x0  }
0x26: {  	s24 =	simm.s32 $0x1400;
	[sflag:s19] =	ssyncadd.s32 $0xFFFFC000  }
0x27: {  	[spmem:s2] =	stream.indirect.scatter.add.f32 [tilespmem:s17], [sflag:$0x3], $0x80, s24, s16, $0xb8;
	[tilespmem:$0x1E400] =	vst v63  }
0x28: {  	_ =	swait.ge [sflag:s12], $0x4000  }
0x29: {  	[sflag:s12] =	ssyncset.done $0x0  }
0x2a: {  	s30 =	simm.s32 $0x100;
	[sflag:s12] =	ssyncadd.s32 $0xFFFFC000  }
0x2b: {  	[tilespmem:s17], [sflag:$0x1] =	stream.indirect.gather [hbm4b:s4+s16], $0x80, s30, s16, $0xb8;
	[tilespmem:$0x1E400] =	vst v63  }
0x2c: {  	_ =	swait.ge [sflag:s20], $0x4000  }
0x2d: {  	[sflag:s20] =	ssyncset.done $0x0  }
0x2e: {  	s31 =	simm.s32 $0x1480;
	[sflag:s20] =	ssyncadd.s32 $0xFFFFC000  }
0x2f: {  	[spmem:s2] =	stream.indirect.scatter.add.f32 [tilespmem:s18], [sflag:$0x3], $0x80, s31, s16, $0xb8;
	[tilespmem:$0x1E400] =	vst v63  }
0x30: {  	_ =	swait.ge [sflag:s12], $0x4000  }
0x31: {  	[sflag:s12] =	ssyncset.done $0x0  }
0x32: {  	s25 =	simm.s32 $0x180;
	s24 =	simm.s32 $0x400;
	[sflag:s12] =	ssyncadd.s32 $0xFFFFC000  }
.LBB2_2:
0x33: {  	[tilespmem:s18], [sflag:$0x2] =	stream.indirect.gather [hbm4b:s4+s16], $0x80, s25, s16, $0xb8;
	[tilespmem:$0x1E400] =	vst v63  }
0x34: {  	s25 =	smov.u32 s24  }
0x35: {  	p0 =	sne.s32 s24, $0x4800;
	s24 =	sadd.s32 $0x400, s24;
	_ =	swait.ge [sflag:s19], $0x4000  }
0x36: {  	s25 =	sshra.s32 s25, $0x2;
	[sflag:s19] =	ssyncset.done $0x0  }
0x37: {  	s26 =	sadd.s32 $0x1400, s25;
	[sflag:s19] =	ssyncadd.s32 $0xFFFFC000  }
0x38: {  	[spmem:s2] =	stream.indirect.scatter.add.f32 [tilespmem:s17], [sflag:$0x3], $0x80, s26, s16, $0xb8;
	[tilespmem:$0x1E400] =	vst v63  }
0x39: {  	_ =	swait.ge [sflag:s12], $0x4000  }
0x3a: {  	[sflag:s12] =	ssyncset.done $0x0  }
0x3b: {  	s26 =	sadd.s32 $0x100, s25;
	[sflag:s12] =	ssyncadd.s32 $0xFFFFC000  }
0x3c: {  	[tilespmem:s17], [sflag:$0x1] =	stream.indirect.gather [hbm4b:s4+s16], $0x80, s26, s16, $0xb8;
	[tilespmem:$0x1E400] =	vst v63  }
0x3d: {  	_ =	swait.ge [sflag:s20], $0x4000  }
0x3e: {  	[sflag:s20] =	ssyncset.done $0x0  }
.Ltmp0:
0x3f: {  	s26 =	sadd.s32 $0x1480, s25;
	[sflag:s20] =	ssyncadd.s32 $0xFFFFC000;
	(pc) =	sbr.rel @p0 .LBB2_2-.Ltmp0, $4  }
0x40: {  	[spmem:s2] =	stream.indirect.scatter.add.f32 [tilespmem:s18], [sflag:$0x3], $0x80, s26, s16, $0xb8;
	[tilespmem:$0x1E400] =	vst v63  }
0x41: {  	_ =	swait.ge [sflag:s12], $0x4000  }
0x42: {  	[sflag:s12] =	ssyncset.done $0x0  }
0x43: {  	s25 =	sadd.s32 $0x180, s25;
	[sflag:s12] =	ssyncadd.s32 $0xFFFFC000  }
0x44: {  	[tilespmem:s18], [sflag:$0x2] =	stream.indirect.gather [hbm4b:s4+s16], $0x80, s25, s16, $0xb8;
	[tilespmem:$0x1E400] =	vst v63  }
0x45: {  	_ =	swait.ge [sflag:s19], $0x4000  }
0x46: {  	[sflag:s19] =	ssyncset.done $0x0  }
0x47: {  	[sflag:s19] =	ssyncadd.s32 $0xFFFFC000  }
0x48: {  	[spmem:s2] =	stream.indirect.scatter.add.f32 [tilespmem:s17], [sflag:$0x3], $0x80, s21, s16, $0xb8;
	[tilespmem:$0x1E400] =	vst v63  }
0x49: {  	_ =	swait.ge [sflag:s12], $0x4000  }
0x4a: {  	[sflag:s12] =	ssyncset.done $0x0  }
0x4b: {  	[sflag:s12] =	ssyncadd.s32 $0xFFFFC000  }
0x4c: {  	_ =	swait.ge [sflag:s20], $0x4000  }
0x4d: {  	[sflag:s20] =	ssyncset.done $0x0  }
0x4e: {  	[sflag:s20] =	ssyncadd.s32 $0xFFFFC000  }
0x4f: {  	[spmem:s2] =	stream.indirect.scatter.add.f32 [tilespmem:s18], [sflag:$0x3], $0x80, s22, s16, $0xb8;
	[tilespmem:$0x1E400] =	vst v63  }
0x50: {  	_ =	swait.ge [sflag:s12], $0x4000  }
0x51: {  	[sflag:s12] =	ssyncset.done $0x0  }
0x52: {  	s24 =	simm.s32 $0x0;
	[sflag:s12] =	ssyncadd.s32 $0xFFFFC000  }
0x53: {  	[tilespmem:s24], [sflag:$0x3] =	stream.linear.gather [hbm4b:s8+s24], $0x1400, $0x38;
	[tilespmem:$0x1E400] =	vst v63  }
0x54: {  	_ =	swait.ge [sflag:s12], $0x1400  }
0x55: {  	[sflag:s12] =	ssyncset.done $0x0  }
0x56: {  	[sflag:s12] =	ssyncadd.s32 $0xFFFFEC00  }
0x57: {  	[tilespmem:s13], [sflag:$0x3] =	stream.linear.gather [hbm4b:s9+s24], $0x1400, $0x38;
	[tilespmem:$0x1E400] =	vst v63  }
0x58: {  	_ =	swait.ge [sflag:s12], $0x1400  }
0x59: {  	[sflag:s12] =	ssyncset.done $0x0  }
0x5a: {  	[sflag:s12] =	ssyncadd.s32 $0xFFFFEC00  }
0x5b: {  	[tilespmem:s17], [sflag:$0x1] =	stream.indirect.gather [hbm4b:s4+s16], $0x80, s24, s16, $0xb8;
	[tilespmem:$0x1E400] =	vst v63  }
0x5c: {  	_ = 	snop  }
0x5d: {  	[tilespmem:s18], [sflag:$0x2] =	stream.indirect.gather [hbm4b:s4+s16], $0x80, s16, s16, $0xb8;
	[tilespmem:$0x1E400] =	vst v63  }
0x5e: {  	_ =	swait.ge [sflag:s19], $0x4000  }
0x5f: {  	[sflag:s19] =	ssyncset.done $0x0  }
0x60: {  	s29 =	simm.s32 $0x1400;
	[sflag:s19] =	ssyncadd.s32 $0xFFFFC000  }
0x61: {  	[spmem:s2] =	stream.indirect.scatter.add.f32 [tilespmem:s17], [sflag:$0x3], $0x80, s29, s16, $0xb8;
	[tilespmem:$0x1E400] =	vst v63  }
0x62: {  	_ =	swait.ge [sflag:s12], $0x4000  }
0x63: {  	[sflag:s12] =	ssyncset.done $0x0  }
0x64: {  	s30 =	simm.s32 $0x100;
	[sflag:s12] =	ssyncadd.s32 $0xFFFFC000  }
0x65: {  	[tilespmem:s17], [sflag:$0x1] =	stream.indirect.gather [hbm4b:s4+s16], $0x80, s30, s16, $0xb8;
	[tilespmem:$0x1E400] =	vst v63  }
0x66: {  	_ =	swait.ge [sflag:s20], $0x4000  }
0x67: {  	[sflag:s20] =	ssyncset.done $0x0  }
0x68: {  	s31 =	simm.s32 $0x1480;
	[sflag:s20] =	ssyncadd.s32 $0xFFFFC000  }
0x69: {  	[spmem:s2] =	stream.indirect.scatter.add.f32 [tilespmem:s18], [sflag:$0x3], $0x80, s31, s16, $0xb8;
	[tilespmem:$0x1E400] =	vst v63  }
0x6a: {  	_ =	swait.ge [sflag:s12], $0x4000  }
0x6b: {  	[sflag:s12] =	ssyncset.done $0x0  }
0x6c: {  	s25 =	simm.s32 $0x180;
	s24 =	simm.s32 $0x400;
	[sflag:s12] =	ssyncadd.s32 $0xFFFFC000  }
.LBB2_4:
0x6d: {  	[tilespmem:s18], [sflag:$0x2] =	stream.indirect.gather [hbm4b:s4+s16], $0x80, s25, s16, $0xb8;
	[tilespmem:$0x1E400] =	vst v63  }
0x6e: {  	s25 =	smov.u32 s24  }
0x6f: {  	p0 =	sne.s32 s24, $0x4800;
	s24 =	sadd.s32 $0x400, s24;
	_ =	swait.ge [sflag:s19], $0x4000  }
0x70: {  	s25 =	sshra.s32 s25, $0x2;
	[sflag:s19] =	ssyncset.done $0x0  }
0x71: {  	s26 =	sadd.s32 $0x1400, s25;
	[sflag:s19] =	ssyncadd.s32 $0xFFFFC000  }
0x72: {  	[spmem:s2] =	stream.indirect.scatter.add.f32 [tilespmem:s17], [sflag:$0x3], $0x80, s26, s16, $0xb8;
	[tilespmem:$0x1E400] =	vst v63  }
0x73: {  	_ =	swait.ge [sflag:s12], $0x4000  }
0x74: {  	[sflag:s12] =	ssyncset.done $0x0  }
0x75: {  	s26 =	sadd.s32 $0x100, s25;
	[sflag:s12] =	ssyncadd.s32 $0xFFFFC000  }
0x76: {  	[tilespmem:s17], [sflag:$0x1] =	stream.indirect.gather [hbm4b:s4+s16], $0x80, s26, s16, $0xb8;
	[tilespmem:$0x1E400] =	vst v63  }
0x77: {  	_ =	swait.ge [sflag:s20], $0x4000  }
0x78: {  	[sflag:s20] =	ssyncset.done $0x0  }
.Ltmp1:
0x79: {  	s26 =	sadd.s32 $0x1480, s25;
	[sflag:s20] =	ssyncadd.s32 $0xFFFFC000;
	(pc) =	sbr.rel @p0 .LBB2_4-.Ltmp1, $4  }
0x7a: {  	[spmem:s2] =	stream.indirect.scatter.add.f32 [tilespmem:s18], [sflag:$0x3], $0x80, s26, s16, $0xb8;
	[tilespmem:$0x1E400] =	vst v63  }
0x7b: {  	_ =	swait.ge [sflag:s12], $0x4000  }
0x7c: {  	[sflag:s12] =	ssyncset.done $0x0  }
0x7d: {  	s25 =	sadd.s32 $0x180, s25;
	[sflag:s12] =	ssyncadd.s32 $0xFFFFC000  }
0x7e: {  	[tilespmem:s18], [sflag:$0x2] =	stream.indirect.gather [hbm4b:s4+s16], $0x80, s25, s16, $0xb8;
	[tilespmem:$0x1E400] =	vst v63  }
0x7f: {  	_ =	swait.ge [sflag:s19], $0x4000  }
0x80: {  	[sflag:s19] =	ssyncset.done $0x0  }
0x81: {  	[sflag:s19] =	ssyncadd.s32 $0xFFFFC000  }
0x82: {  	[spmem:s2] =	stream.indirect.scatter.add.f32 [tilespmem:s17], [sflag:$0x3], $0x80, s21, s16, $0xb8;
	[tilespmem:$0x1E400] =	vst v63  }
0x83: {  	_ =	swait.ge [sflag:s12], $0x4000  }
0x84: {  	[sflag:s12] =	ssyncset.done $0x0  }
0x85: {  	[sflag:s12] =	ssyncadd.s32 $0xFFFFC000  }
0x86: {  	_ =	swait.ge [sflag:s20], $0x4000  }
0x87: {  	[sflag:s20] =	ssyncset.done $0x0  }
0x88: {  	[sflag:s20] =	ssyncadd.s32 $0xFFFFC000  }
0x89: {  	[spmem:s2] =	stream.indirect.scatter.add.f32 [tilespmem:s18], [sflag:$0x3], $0x80, s22, s16, $0xb8;
	[tilespmem:$0x1E400] =	vst v63  }
0x8a: {  	_ =	swait.ge [sflag:s12], $0x4000  }
0x8b: {  	s23 =	sadd.s32 $0x1, s23;
	[sflag:s12] =	ssyncset.done $0x0  }
0x8c: {  	p0 =	sne.s32 s23, s11;
	[sflag:s12] =	ssyncadd.s32 $0xFFFFC000  }
.Ltmp2:
0x8d: {  	[bflag:$0x0] =	sbarrier.arrive $0xFFFF;
	(pc) =	sbr.rel @p0 .LBB2_1-.Ltmp2, $4  }
0x8e: {  	[hbm:s10], [sflag:s14] =	dma.local [spmem:s15], $0x2780  }
0x8f: {  	_ =	swait.ge [sflag:s12], $0x2780  }
0x90: {  	[sflag:s12] =	ssyncset.done $0x0  }
0x91: {  	[sflag:s12] =	ssyncadd.s32 $0xFFFFD880  }
0x92: {  	_ =	sfence.sel $0x180000  }
0x93: {  	[bflag:$0x0] =	sbarrier.arrive $0xFFFF  }
0x94: {  	p0 =	sne.s32 s1, $0x0;
	_ =	strace $0x9000004A  }
0x95: {  	s0 =	sadd.s32 @!p0 $0x100000, s0;
	[bflag:$0x2] =	sbarrier.arrive $0xFFFF  }
0x96: {  	[sflag:s0] =	ssyncadd.tile.s32 @!p0 $0x1;
	_ =	shalt  }
.Lfunc_end2:
_tile_overlayer_lowered:
.L_overlay_start_2:
0x97: {  	(tag) =	ssettag $0x2  }
0x98: {  	s0 =	rddreg [dreg:$0x0];
	s2 =	stileid.u32  }
0x99: {  	s1 =	rddreg [dreg:$0x1];
	p0 =	sne.s32 s2, $0x0  }
0x9a: {  	s3 =	rddreg [dreg:$0x2];
	[bflag:$0x3] =	sbarrier.arrive $0xFFFF;
	s2 =	simm.s32 @!p0 $0x1C03  }
0x9b: {  	[timem:s3], [sflag:s2] =	dma.local @!p0 [hbm:s0], s1  }
0x9c: {  	s0 =	simm.s32 @!p0 $0x3  }
0x9d: {  	_ =	swait.ge @!p0 [sflag:s0], s1  }
0x9e: {  	s1 =	ssub.s32 @!p0 $0x0, s1;
	[sflag:s0] =	ssyncset.done @!p0 $0x0  }
0x9f: {  	[sflag:s0] =	ssyncadd.s32 @!p0 s1  }
0xa0: {  	[bflag:$0x3] =	sbarrier.arrive $0xFFFF  }
0xa1: {  	_ =	shalt  }

// kernel: kernel.17.cloned.1.call-start
scs
__scs_entry_jumppad:
0x0: {  	(pc) =	sbr.rel $0x88, $3  }
0x1: {  	(tag) =	ssettag $0x0;
	lr =	simm.s32 $0x1  }
0x2: {  	[smem:$0x3F95] =	sst lr;
	_ =	strace $0xD0000000  }
0x3: {  	_ = 	snop  }
0x4: {  	_ = 	snop  }
0x5: {  	_ = 	snop  }
0x6: {  	_ = 	snop  }
0x7: {  	_ = 	snop  }
__scs_overlays_trampoline_lowered:
0x8: {  	[smem:$0x3FA4] =	sst s0  }
0x9: {  	[smem:$0x3FA5] =	sst s1  }
0xa: {  	[smem:$0x3FA6] =	sst s2  }
0xb: {  	[smem:$0x3FA7] =	sst s3  }
0xc: {  	[smem:$0x3FA8] =	sst s4  }
0xd: {  	[smem:$0x3FA9] =	sst s5  }
0xe: {  	[smem:$0x3FAA] =	sst s6  }
0xf: {  	[smem:$0x3FAB] =	sst s7  }
0x10: {  	[smem:$0x3FAC] =	sst s8  }
0x11: {  	[smem:$0x3FAD] =	sst s9;
	s0 =	simm.s32 @!p0 $0x0  }
0x12: {  	s1 =	sld [smem:$0x3F93];
	s0 =	simm.s32 @p0 $0x1  }
0x13: {  	[smem:$0x3FAE] =	sst s0;
	s0 =	simm.s32 @!p1 $0x0  }
0x14: {  	s2 =	sld [smem:$0x3F92];
	s0 =	simm.s32 @p1 $0x1  }
0x15: {  	[smem:$0x3FAF] =	sst s0;
	s0 =	simm.s32 @!p2 $0x0  }
0x16: {  	s3 =	sld [smem:$0x3FDB];
	s0 =	simm.s32 @p2 $0x1  }
0x17: {  	s4 =	simm.s32 $0x1BF5;
	[smem:$0x3FB1] =	sst s0  }
0x18: {  	s0 =	sld [smem:$0x3F94];
	_ =	swait.ge [sflag:s4], $0x0  }
0x19: {  	s7 =	sld [smem:$0x3F95]  }
0x1a: {  	s8 =	sadd.s32 $0xFFFFE003, lr  }
0x1b: {  	s9 =	sadd.s32 $0xFFFFFEF7, lr;
	s5 =	simm.s32 $0xFFFFFFFF;
	p2 =	slt.u32 s8, $0xFFFFF086  }
0x1c: {  	p1 =	slt.u32 s9, $0xF7A;
	s5 =	simm.s32 @!p2 $0x0  }
0x1d: {  	s5 =	simm.s32 @p1 $0x1;
	p0 =	seq.s32 s7, s2  }
0x1e: {  	s7 =	smul.u32 @!p0 $0xF7A, s2;
	p2 =	seq.s32 @!p0 s5, $0x0  }
0x1f: {  	s9 =	smul.u32 $0xF7A, s1;
	s8 =	simm.s32 @!p0 $0x1BF5;
	p2 =	por !p2, p0  }
0x20: {  	[sflag:s8] =	ssyncset.s32 @!p0 $0xFFFFF086;
	s6 =	sadd.s32 @!p0 s3, s7;
	s7 =	simm.s32 @!p0 $0x108  }
0x21: {  	s3 =	sadd.s32 s3, s9;
	s6 =	sadd.s32 @!p0 $0x88, s6;
	s7 =	simm.s32 @p2 $0x1082  }
0x22: {  	[simem:s7], [sflag:s8] =	dma.local @!p0 [hbm:s6], $0xF7A  }
0x23: {  	s9 =	sor.u32 $0xD0000000, s2;
	s6 =	simm.s32 $0x108;
	_ =	swait.ge @!p0 [sflag:s8], $0x0  }
0x24: {  	s3 =	sadd.s32 $0x88, s3;
	s6 =	simm.s32 @!p1 $0x1082;
	[sflag:s4] =	ssyncset.s32 $0xFFFFF086  }
0x25: {  	[simem:s6], [sflag:s4] =	dma.local [hbm:s3], $0xF7A  }
0x26: {  	[smem:$0x3F95] =	sst s1;
	(tag) =	ssettag s2;
	_ =	strace s9  }
0x27: {  	s1 =	sld [smem:$0x3FA5]  }
0x28: {  	s2 =	sld [smem:$0x3FA6]  }
0x29: {  	s4 =	sld [smem:$0x3FA8]  }
0x2a: {  	p0 =	seq.s32 s5, $0x0;
	s5 =	sld [smem:$0x3FA9]  }
0x2b: {  	s6 =	sld [smem:$0x3FAA]  }
0x2c: {  	s7 =	sld [smem:$0x3FAB]  }
0x2d: {  	s3 =	simm.s32 $0x108;
	s8 =	sld [smem:$0x3FAC]  }
0x2e: {  	s3 =	simm.s32 @!p0 $0x1082;
	s9 =	sld [smem:$0x3FAD]  }
0x2f: {  	lr =	sadd.s32 s0, s3;
	s0 =	sld [smem:$0x3FA4]  }
0x30: {  	s3 =	sld [smem:$0x3FA7]  }
0x31: {  	[smem:$0x3FB0] =	sst s10  }
0x32: {  	s10 =	sld [smem:$0x3FAE];
	_ =	sdelay $0x3  }
0x33: {  	p0 =	seq.s32 s10, $0x1;
	s10 =	sld [smem:$0x3FB0];
	_ =	sdelay $0x3  }
0x34: {  	[smem:$0x3FB0] =	sst s10  }
0x35: {  	s10 =	sld [smem:$0x3FAF];
	_ =	sdelay $0x3  }
0x36: {  	p1 =	seq.s32 s10, $0x1;
	s10 =	sld [smem:$0x3FB0];
	_ =	sdelay $0x3  }
0x37: {  	[smem:$0x3FB0] =	sst s10  }
0x38: {  	s10 =	sld [smem:$0x3FB1]  }
0x39: {  	_ = 	snop;
	(pc) =	sbr.ind lr, $3  }
0x3a: {  	_ = 	snop  }
0x3b: {  	_ = 	snop  }
0x3c: {  	p2 =	seq.s32 s10, $0x1;
	s10 =	sld [smem:$0x3FB0]  }
0x3d: {  	_ =	shalt  }
0x3e: {  	_ =	shalt  }
0x3f: {  	_ =	shalt  }
0x40: {  	_ =	shalt  }
0x41: {  	_ =	shalt  }
0x42: {  	_ =	shalt  }
0x43: {  	_ =	shalt  }
0x44: {  	_ =	shalt  }
0x45: {  	_ =	shalt  }
0x46: {  	_ =	shalt  }
0x47: {  	_ =	shalt  }
0x48: {  	_ =	shalt  }
0x49: {  	_ =	shalt  }
0x4a: {  	_ =	shalt  }
0x4b: {  	_ =	shalt  }
0x4c: {  	_ =	shalt  }
0x4d: {  	_ =	shalt  }
0x4e: {  	_ =	shalt  }
0x4f: {  	_ =	shalt  }
0x50: {  	_ =	shalt  }
0x51: {  	_ =	shalt  }
0x52: {  	_ =	shalt  }
0x53: {  	_ =	shalt  }
0x54: {  	_ =	shalt  }
0x55: {  	_ =	shalt  }
0x56: {  	_ =	shalt  }
0x57: {  	_ =	shalt  }
0x58: {  	_ =	shalt  }
0x59: {  	_ =	shalt  }
0x5a: {  	_ =	shalt  }
0x5b: {  	_ =	shalt  }
0x5c: {  	_ =	shalt  }
0x5d: {  	_ =	shalt  }
0x5e: {  	_ =	shalt  }
0x5f: {  	_ =	shalt  }
0x60: {  	_ =	shalt  }
0x61: {  	_ =	shalt  }
0x62: {  	_ =	shalt  }
0x63: {  	_ =	shalt  }
0x64: {  	_ =	shalt  }
0x65: {  	_ =	shalt  }
0x66: {  	_ =	shalt  }
0x67: {  	_ =	shalt  }
0x68: {  	_ =	shalt  }
0x69: {  	_ =	shalt  }
0x6a: {  	_ =	shalt  }
0x6b: {  	_ =	shalt  }
0x6c: {  	_ =	shalt  }
0x6d: {  	_ =	shalt  }
0x6e: {  	_ =	shalt  }
0x6f: {  	_ =	shalt  }
0x70: {  	_ =	shalt  }
0x71: {  	_ =	shalt  }
0x72: {  	_ =	shalt  }
0x73: {  	_ =	shalt  }
0x74: {  	_ =	shalt  }
0x75: {  	_ =	shalt  }
0x76: {  	_ =	shalt  }
0x77: {  	_ =	shalt  }
0x78: {  	_ =	shalt  }
0x79: {  	_ =	shalt  }
0x7a: {  	_ =	shalt  }
0x7b: {  	_ =	shalt  }
0x7c: {  	_ =	shalt  }
0x7d: {  	_ =	shalt  }
0x7e: {  	_ =	shalt  }
0x7f: {  	_ =	shalt  }
0x80: {  	_ =	shalt  }
0x81: {  	_ =	shalt  }
0x82: {  	_ =	shalt  }
0x83: {  	_ =	shalt  }
0x84: {  	_ =	shalt  }
0x85: {  	_ =	shalt  }
0x86: {  	_ =	shalt  }
0x87: {  	_ =	shalt  }
.Lfunc_end0:
.L_simem_size_0:
called_computation.2_lowered:
.L_overlay_start_0:
0x88: {  	s2 =	sld [smem:$0x3FD9]  }
0x89: {  	s3 =	sld [smem:$0x3FFE];
	_ =	sdelay $0x1  }
0x8a: {  	s1 =	srdreg.scid  }
0x8b: {  	s0 =	sand.u32 $0x1, s1  }
0x8c: {  	s17 =	sshll.u32 s0, $0xA;
	s2 =	sadd.s32 s3, s2  }
0x8d: {  	s2 =	sadd.s32 s2, s17  }
0x8e: {  	[smem:$0x3FBC] =	sst s2  }
0x8f: {  	_ = 	snop  }
0x90: {  	s2 =	sld [smem:$0x3FD0];
	(tm) =	ssettm $0x1  }
0x91: {  	s18 =	sld [smem:$0x3FFB];
	_ =	sdelay $0x3  }
0x92: {  	_ =	strace s18  }
0x93: {  	s3 =	sld [smem:$0x3FFC];
	_ =	sdelay $0x3  }
0x94: {  	_ =	strace s3  }
0x95: {  	s3 =	sld [smem:$0x3FFD];
	_ =	sdelay $0x3  }
0x96: {  	_ =	strace s3  }
0x97: {  	_ =	strace $0x8FFFFFFF  }
0x98: {  	s19 =	sld [smem:$0x3FDB];
	_ =	sdelay $0x1  }
0x99: {  	s4 =	simm.s32 $_scs_section_size  }
0x9a: {  	s5 =	simm.s32 $_size__tile_overlayer_lowered;
	s6 =	simm.s32 $_tile_overlayer_lowered  }
0x9b: {  	s22 =	simm.s32 $0x1BFF;
	s21 =	sshll.u32 s6, $0x1;
	s3 =	sadd.s32 s4, s19  }
0x9c: {  	s7 =	simm.s32 $0x0;
	s20 =	sshll.u32 s5, $0x1;
	s5 =	sadd.s32 s21, s3  }
0x9d: {  	[timem:s7], [sflag:s22] =	dma.local [hbm:s5], s20  }
0x9e: {  	_ =	swait.ge [sflag:s22], s20  }
0x9f: {  	s4 =	ssub.s32 $0x0, s20;
	[sflag:s22] =	ssyncset.done $0x0  }
0xa0: {  	[sflag:s22] =	ssyncadd.s32 s4;
	_ =	sdelay $0x1  }
0xa1: {  	s23 =	simm.s32 $0x1B8B  }
0xa2: {  	_ =	swait.ge [sflag:s23], $0x1  }
0xa3: {  	[sflag:s23] =	ssyncset.done $0x0  }
0xa4: {  	s25 =	simm.s32 $0x1B8E;
	s24 =	sld [smem:$0x3FFE];
	[sflag:s23] =	ssyncadd.s32 $0xFFFFFFFF  }
0xa5: {  	s26 =	simm.s32 $execute0_lowered;
	[smem:$0x3FD2] =	sst s25  }
0xa6: {  	s5 =	sshll.u32 s26, $0x1;
	_ =	strace $0x8000004C;
	[dreg:$0x1] =	wrdreg $0xFFFFFFFF  }
0xa7: {  	s28 =	simm.s32 $_size_execute0_lowered;
	s3 =	sadd.s32 s3, s5;
	[dreg:$0x0] =	wrdreg $0x0  }
0xa8: {  	s5 =	sshll.u32 s28, $0x1;
	[dreg:$0x2] =	wrdreg s3  }
0xa9: {  	[dreg:$0x3] =	wrdreg s5  }
0xaa: {  	[dreg:$0x4] =	wrdreg $0xC0  }
0xab: {  	_ =	task [dreg:s7], $0x5FFFF  }
0xac: {  	[dreg:$0x1] =	wrdreg $0xFFFFFFFF  }
0xad: {  	[dreg:$0x0] =	wrdreg $0x60  }
0xae: {  	[dreg:$0x2] =	wrdreg s24  }
0xaf: {  	[dreg:$0x3] =	wrdreg s2  }
0xb0: {  	[dreg:$0x4] =	wrdreg $0xA8000  }
0xb1: {  	[dreg:$0x5] =	wrdreg $0x9  }
0xb2: {  	_ =	task.clear_ibuf [dreg:s7], $0x6FFFF;
	_ =	strace $0x9000004C  }
0xb3: {  	s29 =	simm.s32 $0x9;
	_ =	strace $0x8000004E  }
0xb4: {  	_ =	swait.ge [sflag:s29], $0x1  }
0xb5: {  	[sflag:s29] =	ssyncadd.s32 $0xFFFFFFFF  }
0xb6: {  	_ =	strace $0x9000004E  }
0xb7: {  	_ =	sfence  }
0xb8: {  	s30 =	sld [smem:$0x0];
	_ =	sdelay $0x2  }
0xb9: {  	s31 =	sshll.u32 s1, $0xD;
	s1 =	sshrl.u32 s1, $0x2  }
0xba: {  	s3 =	sand.u32 $0x4000, s31;
	s1 =	sadd.s32 s1, s30  }
0xbb: {  	s0 =	sor.u32 s3, s0;
	s1 =	sshll.u32 s1, $0x11  }
0xbc: {  	s0 =	sor.u32 s1, s0  }
0xbd: {  	s0 =	sadd.s32 $0x8F2B, s0  }
0xbe: {  	[sflag:s0] =	ssyncadd.remote.s32 $0x1  }
0xbf: {  	_ =	sfence.sel $0xFFFF  }
0xc0: {  	[dreg:$0x0] =	wrdreg $0xFFFFFFFF;
	(pc) =	sbr.abs _section_cstart, $3  }
0xc1: {  	[dreg:$0x1] =	wrdreg $0xFFFFFFFF  }
0xc2: {  	_ =	task.clear_ibuf [dreg:s7], $0x2FFFF;
	_ =	strace $0x9FFFFFFF  }
0xc3: {  	(tm) =	ssettm $0x7FFFFFFF  }
tec
execute0_lowered:
.L_overlay_start_1:
0x0: {  	(tag) =	ssettag $0x1  }
0x1: {  	s5 =	rddreg [dreg:$0x0]  }
0x2: {  	s9 =	rddreg [dreg:$0x1]  }
0x3: {  	s2 =	rddreg [dreg:$0x2]  }
0x4: {  	s0 =	rddreg [dreg:$0x3];
	s3 =	simm.s32 $0x0  }
0x5: {  	s1 =	stileid.u32;
	s4 =	srdreg.scid;
	s16 =	simm.s32 $0x80  }
0x6: {  	s17 =	simm.s32 $0x2800;
	s18 =	simm.s32 $0x6800;
	s19 =	simm.s32 $0x1  }
0x7: {  	s20 =	simm.s32 $0x2;
	s21 =	simm.s32 $0x2700;
	s22 =	simm.s32 $0x2780  }
0x8: {  	s23 =	simm.s32 $0x0;
	[smem:$0x7FF] =	sst s3;
	s6 =	smul.u32 $0x13C00, s1  }
0x9: {  	s7 =	sand.u32 $0x1, s4;
	s4 =	sadd.s32 $0x36400, s5;
	s11 =	sadd.s32 $0x4C00, s5  }
0xa: {  	s26 =	smul.u32 $0x4F000, s1;
	s31 =	sshll.u32 s1, $0x6;
	_ =	strace $0x8000004D  }
0xb: {  	s8 =	smul.u32 $0x13C000, s7;
	s10 =	sshll.u32 s7, $0x4;
	s7 =	ssub.s32 $0x2, s7  }
0xc: {  	s12 =	sshrl.u32 s6, $0x3;
	s10 =	sor.u32 s1, s10;
	s28 =	sshrl.u32 s7, $0x1  }
0xd: {  	s29 =	sshrl.u32 s26, $0x2;
	s12 =	sadd.s32 s12, s5;
	s6 =	sadd.s32 s6, s8  }
0xe: {  	s25 =	smul.u32 $0x2800, s10;
	s14 =	ssub.s32 s7, s28;
	s15 =	sadd.s32 s29, s2  }
0xf: {  	s6 =	sshrl.u32 s6, $0x3;
	s7 =	sadd.s32 $0xEC00, s12;
	s12 =	simm.s32 $0x3  }
0x10: {  	s15 =	sshrl.u32 s15, $0x3;
	s13 =	sadd.s32 s6, s5;
	s8 =	sshrl.u32 s25, $0x3  }
0x11: {  	s5 =	sadd.s32 s11, s8;
	s6 =	sadd.s32 s9, s8;
	s30 =	sadd.s32 $0x280, s8  }
0x12: {  	s10 =	sadd.s32 $0x84800, s13;
	s13 =	simm.s32 $0x1400;
	s8 =	sadd.s32 s11, s30  }
0x13: {  	s9 =	sadd.s32 s9, s30;
	s11 =	smax.u32 s14, $0x1;
	s14 =	sor.u32 $0x1C03, s31  }
.LBB2_1:
0x14: {  	[tilespmem:s3], [sflag:$0x3] =	stream.linear.gather [hbm4b:s5+s3], $0x1400, $0x38;
	[tilespmem:$0x1E400] =	vst v63  }
0x15: {  	_ =	swait.ge [sflag:s12], $0x1400  }
0x16: {  	[sflag:s12] =	ssyncset.done $0x0  }
0x17: {  	[sflag:s12] =	ssyncadd.s32 $0xFFFFEC00  }
0x18: {  	[tilespmem:s13], [sflag:$0x3] =	stream.linear.gather [hbm4b:s6+s3], $0x1400, $0x38;
	[tilespmem:$0x1E400] =	vst v63  }
0x19: {  	_ =	swait.ge [sflag:s12], $0x1400  }
0x1a: {  	[sflag:s12] =	ssyncset.done $0x0  }
0x1b: {  	[sflag:s12] =	ssyncadd.s32 $0xFFFFEC00  }
0x1c: {  	[spmem:s15], [sflag:s14] =	dma.local [hbm:s7], $0x2780  }
0x1d: {  	_ =	swait.ge [sflag:s12], $0x2780  }
0x1e: {  	[sflag:s12] =	ssyncset.done $0x0  }
0x1f: {  	[sflag:s12] =	ssyncadd.s32 $0xFFFFD880  }
0x20: {  	[bflag:$0x0] =	sbarrier.arrive $0xFFFF  }
0x21: {  	[tilespmem:s17], [sflag:$0x1] =	stream.indirect.gather [hbm4b:s4+s16], $0x80, s3, s16, $0xb8;
	[tilespmem:$0x1E400] =	vst v63  }
0x22: {  	_ = 	snop  }
0x23: {  	[tilespmem:s18], [sflag:$0x2] =	stream.indirect.gather [hbm4b:s4+s16], $0x80, s16, s16, $0xb8;
	[tilespmem:$0x1E400] =	vst v63  }
0x24: {  	_ =	swait.ge [sflag:s19], $0x4000  }
0x25: {  	[sflag:s19] =	ssyncset.done $0x0  }
0x26: {  	s24 =	simm.s32 $0x1400;
	[sflag:s19] =	ssyncadd.s32 $0xFFFFC000  }
0x27: {  	[spmem:s2] =	stream.indirect.scatter.add.f32 [tilespmem:s17], [sflag:$0x3], $0x80, s24, s16, $0xb8;
	[tilespmem:$0x1E400] =	vst v63  }
0x28: {  	_ =	swait.ge [sflag:s12], $0x4000  }
0x29: {  	[sflag:s12] =	ssyncset.done $0x0  }
0x2a: {  	s30 =	simm.s32 $0x100;
	[sflag:s12] =	ssyncadd.s32 $0xFFFFC000  }
0x2b: {  	[tilespmem:s17], [sflag:$0x1] =	stream.indirect.gather [hbm4b:s4+s16], $0x80, s30, s16, $0xb8;
	[tilespmem:$0x1E400] =	vst v63  }
0x2c: {  	_ =	swait.ge [sflag:s20], $0x4000  }
0x2d: {  	[sflag:s20] =	ssyncset.done $0x0  }
0x2e: {  	s31 =	simm.s32 $0x1480;
	[sflag:s20] =	ssyncadd.s32 $0xFFFFC000  }
0x2f: {  	[spmem:s2] =	stream.indirect.scatter.add.f32 [tilespmem:s18], [sflag:$0x3], $0x80, s31, s16, $0xb8;
	[tilespmem:$0x1E400] =	vst v63  }
0x30: {  	_ =	swait.ge [sflag:s12], $0x4000  }
0x31: {  	[sflag:s12] =	ssyncset.done $0x0  }
0x32: {  	s25 =	simm.s32 $0x180;
	s24 =	simm.s32 $0x400;
	[sflag:s12] =	ssyncadd.s32 $0xFFFFC000  }
.LBB2_2:
0x33: {  	[tilespmem:s18], [sflag:$0x2] =	stream.indirect.gather [hbm4b:s4+s16], $0x80, s25, s16, $0xb8;
	[tilespmem:$0x1E400] =	vst v63  }
0x34: {  	s25 =	smov.u32 s24  }
0x35: {  	p0 =	sne.s32 s24, $0x4800;
	s24 =	sadd.s32 $0x400, s24;
	_ =	swait.ge [sflag:s19], $0x4000  }
0x36: {  	s25 =	sshra.s32 s25, $0x2;
	[sflag:s19] =	ssyncset.done $0x0  }
0x37: {  	s26 =	sadd.s32 $0x1400, s25;
	[sflag:s19] =	ssyncadd.s32 $0xFFFFC000  }
0x38: {  	[spmem:s2] =	stream.indirect.scatter.add.f32 [tilespmem:s17], [sflag:$0x3], $0x80, s26, s16, $0xb8;
	[tilespmem:$0x1E400] =	vst v63  }
0x39: {  	_ =	swait.ge [sflag:s12], $0x4000  }
0x3a: {  	[sflag:s12] =	ssyncset.done $0x0  }
0x3b: {  	s26 =	sadd.s32 $0x100, s25;
	[sflag:s12] =	ssyncadd.s32 $0xFFFFC000  }
0x3c: {  	[tilespmem:s17], [sflag:$0x1] =	stream.indirect.gather [hbm4b:s4+s16], $0x80, s26, s16, $0xb8;
	[tilespmem:$0x1E400] =	vst v63  }
0x3d: {  	_ =	swait.ge [sflag:s20], $0x4000  }
0x3e: {  	[sflag:s20] =	ssyncset.done $0x0  }
.Ltmp0:
0x3f: {  	s26 =	sadd.s32 $0x1480, s25;
	[sflag:s20] =	ssyncadd.s32 $0xFFFFC000;
	(pc) =	sbr.rel @p0 .LBB2_2-.Ltmp0, $4  }
0x40: {  	[spmem:s2] =	stream.indirect.scatter.add.f32 [tilespmem:s18], [sflag:$0x3], $0x80, s26, s16, $0xb8;
	[tilespmem:$0x1E400] =	vst v63  }
0x41: {  	_ =	swait.ge [sflag:s12], $0x4000  }
0x42: {  	[sflag:s12] =	ssyncset.done $0x0  }
0x43: {  	s25 =	sadd.s32 $0x180, s25;
	[sflag:s12] =	ssyncadd.s32 $0xFFFFC000  }
0x44: {  	[tilespmem:s18], [sflag:$0x2] =	stream.indirect.gather [hbm4b:s4+s16], $0x80, s25, s16, $0xb8;
	[tilespmem:$0x1E400] =	vst v63  }
0x45: {  	_ =	swait.ge [sflag:s19], $0x4000  }
0x46: {  	[sflag:s19] =	ssyncset.done $0x0  }
0x47: {  	[sflag:s19] =	ssyncadd.s32 $0xFFFFC000  }
0x48: {  	[spmem:s2] =	stream.indirect.scatter.add.f32 [tilespmem:s17], [sflag:$0x3], $0x80, s21, s16, $0xb8;
	[tilespmem:$0x1E400] =	vst v63  }
0x49: {  	_ =	swait.ge [sflag:s12], $0x4000  }
0x4a: {  	[sflag:s12] =	ssyncset.done $0x0  }
0x4b: {  	[sflag:s12] =	ssyncadd.s32 $0xFFFFC000  }
0x4c: {  	_ =	swait.ge [sflag:s20], $0x4000  }
0x4d: {  	[sflag:s20] =	ssyncset.done $0x0  }
0x4e: {  	[sflag:s20] =	ssyncadd.s32 $0xFFFFC000  }
0x4f: {  	[spmem:s2] =	stream.indirect.scatter.add.f32 [tilespmem:s18], [sflag:$0x3], $0x80, s22, s16, $0xb8;
	[tilespmem:$0x1E400] =	vst v63  }
0x50: {  	_ =	swait.ge [sflag:s12], $0x4000  }
0x51: {  	[sflag:s12] =	ssyncset.done $0x0  }
0x52: {  	s24 =	simm.s32 $0x0;
	[sflag:s12] =	ssyncadd.s32 $0xFFFFC000  }
0x53: {  	[tilespmem:s24], [sflag:$0x3] =	stream.linear.gather [hbm4b:s8+s24], $0x1400, $0x38;
	[tilespmem:$0x1E400] =	vst v63  }
0x54: {  	_ =	swait.ge [sflag:s12], $0x1400  }
0x55: {  	[sflag:s12] =	ssyncset.done $0x0  }
0x56: {  	[sflag:s12] =	ssyncadd.s32 $0xFFFFEC00  }
0x57: {  	[tilespmem:s13], [sflag:$0x3] =	stream.linear.gather [hbm4b:s9+s24], $0x1400, $0x38;
	[tilespmem:$0x1E400] =	vst v63  }
0x58: {  	_ =	swait.ge [sflag:s12], $0x1400  }
0x59: {  	[sflag:s12] =	ssyncset.done $0x0  }
0x5a: {  	[sflag:s12] =	ssyncadd.s32 $0xFFFFEC00  }
0x5b: {  	[tilespmem:s17], [sflag:$0x1] =	stream.indirect.gather [hbm4b:s4+s16], $0x80, s24, s16, $0xb8;
	[tilespmem:$0x1E400] =	vst v63  }
0x5c: {  	_ = 	snop  }
0x5d: {  	[tilespmem:s18], [sflag:$0x2] =	stream.indirect.gather [hbm4b:s4+s16], $0x80, s16, s16, $0xb8;
	[tilespmem:$0x1E400] =	vst v63  }
0x5e: {  	_ =	swait.ge [sflag:s19], $0x4000  }
0x5f: {  	[sflag:s19] =	ssyncset.done $0x0  }
0x60: {  	s29 =	simm.s32 $0x1400;
	[sflag:s19] =	ssyncadd.s32 $0xFFFFC000  }
0x61: {  	[spmem:s2] =	stream.indirect.scatter.add.f32 [tilespmem:s17], [sflag:$0x3], $0x80, s29, s16, $0xb8;
	[tilespmem:$0x1E400] =	vst v63  }
0x62: {  	_ =	swait.ge [sflag:s12], $0x4000  }
0x63: {  	[sflag:s12] =	ssyncset.done $0x0  }
0x64: {  	s30 =	simm.s32 $0x100;
	[sflag:s12] =	ssyncadd.s32 $0xFFFFC000  }
0x65: {  	[tilespmem:s17], [sflag:$0x1] =	stream.indirect.gather [hbm4b:s4+s16], $0x80, s30, s16, $0xb8;
	[tilespmem:$0x1E400] =	vst v63  }
0x66: {  	_ =	swait.ge [sflag:s20], $0x4000  }
0x67: {  	[sflag:s20] =	ssyncset.done $0x0  }
0x68: {  	s31 =	simm.s32 $0x1480;
	[sflag:s20] =	ssyncadd.s32 $0xFFFFC000  }
0x69: {  	[spmem:s2] =	stream.indirect.scatter.add.f32 [tilespmem:s18], [sflag:$0x3], $0x80, s31, s16, $0xb8;
	[tilespmem:$0x1E400] =	vst v63  }
0x6a: {  	_ =	swait.ge [sflag:s12], $0x4000  }
0x6b: {  	[sflag:s12] =	ssyncset.done $0x0  }
0x6c: {  	s25 =	simm.s32 $0x180;
	s24 =	simm.s32 $0x400;
	[sflag:s12] =	ssyncadd.s32 $0xFFFFC000  }
.LBB2_4:
0x6d: {  	[tilespmem:s18], [sflag:$0x2] =	stream.indirect.gather [hbm4b:s4+s16], $0x80, s25, s16, $0xb8;
	[tilespmem:$0x1E400] =	vst v63  }
0x6e: {  	s25 =	smov.u32 s24  }
0x6f: {  	p0 =	sne.s32 s24, $0x4800;
	s24 =	sadd.s32 $0x400, s24;
	_ =	swait.ge [sflag:s19], $0x4000  }
0x70: {  	s25 =	sshra.s32 s25, $0x2;
	[sflag:s19] =	ssyncset.done $0x0  }
0x71: {  	s26 =	sadd.s32 $0x1400, s25;
	[sflag:s19] =	ssyncadd.s32 $0xFFFFC000  }
0x72: {  	[spmem:s2] =	stream.indirect.scatter.add.f32 [tilespmem:s17], [sflag:$0x3], $0x80, s26, s16, $0xb8;
	[tilespmem:$0x1E400] =	vst v63  }
0x73: {  	_ =	swait.ge [sflag:s12], $0x4000  }
0x74: {  	[sflag:s12] =	ssyncset.done $0x0  }
0x75: {  	s26 =	sadd.s32 $0x100, s25;
	[sflag:s12] =	ssyncadd.s32 $0xFFFFC000  }
0x76: {  	[tilespmem:s17], [sflag:$0x1] =	stream.indirect.gather [hbm4b:s4+s16], $0x80, s26, s16, $0xb8;
	[tilespmem:$0x1E400] =	vst v63  }
0x77: {  	_ =	swait.ge [sflag:s20], $0x4000  }
0x78: {  	[sflag:s20] =	ssyncset.done $0x0  }
.Ltmp1:
0x79: {  	s26 =	sadd.s32 $0x1480, s25;
	[sflag:s20] =	ssyncadd.s32 $0xFFFFC000;
	(pc) =	sbr.rel @p0 .LBB2_4-.Ltmp1, $4  }
0x7a: {  	[spmem:s2] =	stream.indirect.scatter.add.f32 [tilespmem:s18], [sflag:$0x3], $0x80, s26, s16, $0xb8;
	[tilespmem:$0x1E400] =	vst v63  }
0x7b: {  	_ =	swait.ge [sflag:s12], $0x4000  }
0x7c: {  	[sflag:s12] =	ssyncset.done $0x0  }
0x7d: {  	s25 =	sadd.s32 $0x180, s25;
	[sflag:s12] =	ssyncadd.s32 $0xFFFFC000  }
0x7e: {  	[tilespmem:s18], [sflag:$0x2] =	stream.indirect.gather [hbm4b:s4+s16], $0x80, s25, s16, $0xb8;
	[tilespmem:$0x1E400] =	vst v63  }
0x7f: {  	_ =	swait.ge [sflag:s19], $0x4000  }
0x80: {  	[sflag:s19] =	ssyncset.done $0x0  }
0x81: {  	[sflag:s19] =	ssyncadd.s32 $0xFFFFC000  }
0x82: {  	[spmem:s2] =	stream.indirect.scatter.add.f32 [tilespmem:s17], [sflag:$0x3], $0x80, s21, s16, $0xb8;
	[tilespmem:$0x1E400] =	vst v63  }
0x83: {  	_ =	swait.ge [sflag:s12], $0x4000  }
0x84: {  	[sflag:s12] =	ssyncset.done $0x0  }
0x85: {  	[sflag:s12] =	ssyncadd.s32 $0xFFFFC000  }
0x86: {  	_ =	swait.ge [sflag:s20], $0x4000  }
0x87: {  	[sflag:s20] =	ssyncset.done $0x0  }
0x88: {  	[sflag:s20] =	ssyncadd.s32 $0xFFFFC000  }
0x89: {  	[spmem:s2] =	stream.indirect.scatter.add.f32 [tilespmem:s18], [sflag:$0x3], $0x80, s22, s16, $0xb8;
	[tilespmem:$0x1E400] =	vst v63  }
0x8a: {  	_ =	swait.ge [sflag:s12], $0x4000  }
0x8b: {  	s23 =	sadd.s32 $0x1, s23;
	[sflag:s12] =	ssyncset.done $0x0  }
0x8c: {  	p0 =	sne.s32 s23, s11;
	[sflag:s12] =	ssyncadd.s32 $0xFFFFC000  }
.Ltmp2:
0x8d: {  	[bflag:$0x0] =	sbarrier.arrive $0xFFFF;
	(pc) =	sbr.rel @p0 .LBB2_1-.Ltmp2, $4  }
0x8e: {  	[hbm:s10], [sflag:s14] =	dma.local [spmem:s15], $0x2780  }
0x8f: {  	_ =	swait.ge [sflag:s12], $0x2780  }
0x90: {  	[sflag:s12] =	ssyncset.done $0x0  }
0x91: {  	[sflag:s12] =	ssyncadd.s32 $0xFFFFD880  }
0x92: {  	_ =	sfence.sel $0x180000  }
0x93: {  	[bflag:$0x0] =	sbarrier.arrive $0xFFFF  }
0x94: {  	p0 =	sne.s32 s1, $0x0;
	_ =	strace $0x9000004D  }
0x95: {  	s0 =	sadd.s32 @!p0 $0x100000, s0;
	[bflag:$0x2] =	sbarrier.arrive $0xFFFF  }
0x96: {  	[sflag:s0] =	ssyncadd.tile.s32 @!p0 $0x1;
	_ =	shalt  }
.Lfunc_end2:
_tile_overlayer_lowered:
.L_overlay_start_2:
0x97: {  	(tag) =	ssettag $0x2  }
0x98: {  	s0 =	rddreg [dreg:$0x0];
	s2 =	stileid.u32  }
0x99: {  	s1 =	rddreg [dreg:$0x1];
	p0 =	sne.s32 s2, $0x0  }
0x9a: {  	s3 =	rddreg [dreg:$0x2];
	[bflag:$0x3] =	sbarrier.arrive $0xFFFF;
	s2 =	simm.s32 @!p0 $0x1C03  }
0x9b: {  	[timem:s3], [sflag:s2] =	dma.local @!p0 [hbm:s0], s1  }
0x9c: {  	s0 =	simm.s32 @!p0 $0x3  }
0x9d: {  	_ =	swait.ge @!p0 [sflag:s0], s1  }
0x9e: {  	s1 =	ssub.s32 @!p0 $0x0, s1;
	[sflag:s0] =	ssyncset.done @!p0 $0x0  }
0x9f: {  	[sflag:s0] =	ssyncadd.s32 @!p0 s1  }
0xa0: {  	[bflag:$0x3] =	sbarrier.arrive $0xFFFF  }
0xa1: {  	_ =	shalt  }

// kernel: kernel.20.cloned.1.call-start
scs
__scs_entry_jumppad:
0x0: {  	(pc) =	sbr.rel $0x88, $3  }
0x1: {  	(tag) =	ssettag $0x0;
	lr =	simm.s32 $0x1  }
0x2: {  	[smem:$0x3F95] =	sst lr;
	_ =	strace $0xD0000000  }
0x3: {  	_ = 	snop  }
0x4: {  	_ = 	snop  }
0x5: {  	_ = 	snop  }
0x6: {  	_ = 	snop  }
0x7: {  	_ = 	snop  }
__scs_overlays_trampoline_lowered:
0x8: {  	[smem:$0x3FA4] =	sst s0  }
0x9: {  	[smem:$0x3FA5] =	sst s1  }
0xa: {  	[smem:$0x3FA6] =	sst s2  }
0xb: {  	[smem:$0x3FA7] =	sst s3  }
0xc: {  	[smem:$0x3FA8] =	sst s4  }
0xd: {  	[smem:$0x3FA9] =	sst s5  }
0xe: {  	[smem:$0x3FAA] =	sst s6  }
0xf: {  	[smem:$0x3FAB] =	sst s7  }
0x10: {  	[smem:$0x3FAC] =	sst s8  }
0x11: {  	[smem:$0x3FAD] =	sst s9;
	s0 =	simm.s32 @!p0 $0x0  }
0x12: {  	s1 =	sld [smem:$0x3F93];
	s0 =	simm.s32 @p0 $0x1  }
0x13: {  	[smem:$0x3FAE] =	sst s0;
	s0 =	simm.s32 @!p1 $0x0  }
0x14: {  	s2 =	sld [smem:$0x3F92];
	s0 =	simm.s32 @p1 $0x1  }
0x15: {  	[smem:$0x3FAF] =	sst s0;
	s0 =	simm.s32 @!p2 $0x0  }
0x16: {  	s3 =	sld [smem:$0x3FDB];
	s0 =	simm.s32 @p2 $0x1  }
0x17: {  	s4 =	simm.s32 $0x1BF5;
	[smem:$0x3FB1] =	sst s0  }
0x18: {  	s0 =	sld [smem:$0x3F94];
	_ =	swait.ge [sflag:s4], $0x0  }
0x19: {  	s7 =	sld [smem:$0x3F95]  }
0x1a: {  	s8 =	sadd.s32 $0xFFFFE003, lr  }
0x1b: {  	s9 =	sadd.s32 $0xFFFFFEF7, lr;
	s5 =	simm.s32 $0xFFFFFFFF;
	p2 =	slt.u32 s8, $0xFFFFF086  }
0x1c: {  	p1 =	slt.u32 s9, $0xF7A;
	s5 =	simm.s32 @!p2 $0x0  }
0x1d: {  	s5 =	simm.s32 @p1 $0x1;
	p0 =	seq.s32 s7, s2  }
0x1e: {  	s7 =	smul.u32 @!p0 $0xF7A, s2;
	p2 =	seq.s32 @!p0 s5, $0x0  }
0x1f: {  	s9 =	smul.u32 $0xF7A, s1;
	s8 =	simm.s32 @!p0 $0x1BF5;
	p2 =	por !p2, p0  }
0x20: {  	[sflag:s8] =	ssyncset.s32 @!p0 $0xFFFFF086;
	s6 =	sadd.s32 @!p0 s3, s7;
	s7 =	simm.s32 @!p0 $0x108  }
0x21: {  	s3 =	sadd.s32 s3, s9;
	s6 =	sadd.s32 @!p0 $0x88, s6;
	s7 =	simm.s32 @p2 $0x1082  }
0x22: {  	[simem:s7], [sflag:s8] =	dma.local @!p0 [hbm:s6], $0xF7A  }
0x23: {  	s9 =	sor.u32 $0xD0000000, s2;
	s6 =	simm.s32 $0x108;
	_ =	swait.ge @!p0 [sflag:s8], $0x0  }
0x24: {  	s3 =	sadd.s32 $0x88, s3;
	s6 =	simm.s32 @!p1 $0x1082;
	[sflag:s4] =	ssyncset.s32 $0xFFFFF086  }
0x25: {  	[simem:s6], [sflag:s4] =	dma.local [hbm:s3], $0xF7A  }
0x26: {  	[smem:$0x3F95] =	sst s1;
	(tag) =	ssettag s2;
	_ =	strace s9  }
0x27: {  	s1 =	sld [smem:$0x3FA5]  }
0x28: {  	s2 =	sld [smem:$0x3FA6]  }
0x29: {  	s4 =	sld [smem:$0x3FA8]  }
0x2a: {  	p0 =	seq.s32 s5, $0x0;
	s5 =	sld [smem:$0x3FA9]  }
0x2b: {  	s6 =	sld [smem:$0x3FAA]  }
0x2c: {  	s7 =	sld [smem:$0x3FAB]  }
0x2d: {  	s3 =	simm.s32 $0x108;
	s8 =	sld [smem:$0x3FAC]  }
0x2e: {  	s3 =	simm.s32 @!p0 $0x1082;
	s9 =	sld [smem:$0x3FAD]  }
0x2f: {  	lr =	sadd.s32 s0, s3;
	s0 =	sld [smem:$0x3FA4]  }
0x30: {  	s3 =	sld [smem:$0x3FA7]  }
0x31: {  	[smem:$0x3FB0] =	sst s10  }
0x32: {  	s10 =	sld [smem:$0x3FAE];
	_ =	sdelay $0x3  }
0x33: {  	p0 =	seq.s32 s10, $0x1;
	s10 =	sld [smem:$0x3FB0];
	_ =	sdelay $0x3  }
0x34: {  	[smem:$0x3FB0] =	sst s10  }
0x35: {  	s10 =	sld [smem:$0x3FAF];
	_ =	sdelay $0x3  }
0x36: {  	p1 =	seq.s32 s10, $0x1;
	s10 =	sld [smem:$0x3FB0];
	_ =	sdelay $0x3  }
0x37: {  	[smem:$0x3FB0] =	sst s10  }
0x38: {  	s10 =	sld [smem:$0x3FB1]  }
0x39: {  	_ = 	snop;
	(pc) =	sbr.ind lr, $3  }
0x3a: {  	_ = 	snop  }
0x3b: {  	_ = 	snop  }
0x3c: {  	p2 =	seq.s32 s10, $0x1;
	s10 =	sld [smem:$0x3FB0]  }
0x3d: {  	_ =	shalt  }
0x3e: {  	_ =	shalt  }
0x3f: {  	_ =	shalt  }
0x40: {  	_ =	shalt  }
0x41: {  	_ =	shalt  }
0x42: {  	_ =	shalt  }
0x43: {  	_ =	shalt  }
0x44: {  	_ =	shalt  }
0x45: {  	_ =	shalt  }
0x46: {  	_ =	shalt  }
0x47: {  	_ =	shalt  }
0x48: {  	_ =	shalt  }
0x49: {  	_ =	shalt  }
0x4a: {  	_ =	shalt  }
0x4b: {  	_ =	shalt  }
0x4c: {  	_ =	shalt  }
0x4d: {  	_ =	shalt  }
0x4e: {  	_ =	shalt  }
0x4f: {  	_ =	shalt  }
0x50: {  	_ =	shalt  }
0x51: {  	_ =	shalt  }
0x52: {  	_ =	shalt  }
0x53: {  	_ =	shalt  }
0x54: {  	_ =	shalt  }
0x55: {  	_ =	shalt  }
0x56: {  	_ =	shalt  }
0x57: {  	_ =	shalt  }
0x58: {  	_ =	shalt  }
0x59: {  	_ =	shalt  }
0x5a: {  	_ =	shalt  }
0x5b: {  	_ =	shalt  }
0x5c: {  	_ =	shalt  }
0x5d: {  	_ =	shalt  }
0x5e: {  	_ =	shalt  }
0x5f: {  	_ =	shalt  }
0x60: {  	_ =	shalt  }
0x61: {  	_ =	shalt  }
0x62: {  	_ =	shalt  }
0x63: {  	_ =	shalt  }
0x64: {  	_ =	shalt  }
0x65: {  	_ =	shalt  }
0x66: {  	_ =	shalt  }
0x67: {  	_ =	shalt  }
0x68: {  	_ =	shalt  }
0x69: {  	_ =	shalt  }
0x6a: {  	_ =	shalt  }
0x6b: {  	_ =	shalt  }
0x6c: {  	_ =	shalt  }
0x6d: {  	_ =	shalt  }
0x6e: {  	_ =	shalt  }
0x6f: {  	_ =	shalt  }
0x70: {  	_ =	shalt  }
0x71: {  	_ =	shalt  }
0x72: {  	_ =	shalt  }
0x73: {  	_ =	shalt  }
0x74: {  	_ =	shalt  }
0x75: {  	_ =	shalt  }
0x76: {  	_ =	shalt  }
0x77: {  	_ =	shalt  }
0x78: {  	_ =	shalt  }
0x79: {  	_ =	shalt  }
0x7a: {  	_ =	shalt  }
0x7b: {  	_ =	shalt  }
0x7c: {  	_ =	shalt  }
0x7d: {  	_ =	shalt  }
0x7e: {  	_ =	shalt  }
0x7f: {  	_ =	shalt  }
0x80: {  	_ =	shalt  }
0x81: {  	_ =	shalt  }
0x82: {  	_ =	shalt  }
0x83: {  	_ =	shalt  }
0x84: {  	_ =	shalt  }
0x85: {  	_ =	shalt  }
0x86: {  	_ =	shalt  }
0x87: {  	_ =	shalt  }
.Lfunc_end0:
.L_simem_size_0:
called_computation.3_lowered:
.L_overlay_start_0:
0x88: {  	s2 =	sld [smem:$0x3FD9]  }
0x89: {  	s3 =	sld [smem:$0x3FFE];
	_ =	sdelay $0x1  }
0x8a: {  	s1 =	srdreg.scid  }
0x8b: {  	s0 =	sand.u32 $0x1, s1  }
0x8c: {  	s17 =	sshll.u32 s0, $0xA;
	s2 =	sadd.s32 s3, s2  }
0x8d: {  	s2 =	sadd.s32 s2, s17  }
0x8e: {  	[smem:$0x3FBC] =	sst s2  }
0x8f: {  	_ = 	snop  }
0x90: {  	s2 =	sld [smem:$0x3FD0];
	(tm) =	ssettm $0x1  }
0x91: {  	s18 =	sld [smem:$0x3FFB];
	_ =	sdelay $0x3  }
0x92: {  	_ =	strace s18  }
0x93: {  	s3 =	sld [smem:$0x3FFC];
	_ =	sdelay $0x3  }
0x94: {  	_ =	strace s3  }
0x95: {  	s3 =	sld [smem:$0x3FFD];
	_ =	sdelay $0x3  }
0x96: {  	_ =	strace s3  }
0x97: {  	_ =	strace $0x8FFFFFFF  }
0x98: {  	s19 =	sld [smem:$0x3FDB];
	_ =	sdelay $0x1  }
0x99: {  	s4 =	simm.s32 $_scs_section_size  }
0x9a: {  	s5 =	simm.s32 $_size__tile_overlayer_lowered;
	s6 =	simm.s32 $_tile_overlayer_lowered  }
0x9b: {  	s22 =	simm.s32 $0x1BFF;
	s21 =	sshll.u32 s6, $0x1;
	s3 =	sadd.s32 s4, s19  }
0x9c: {  	s7 =	simm.s32 $0x0;
	s20 =	sshll.u32 s5, $0x1;
	s5 =	sadd.s32 s21, s3  }
0x9d: {  	[timem:s7], [sflag:s22] =	dma.local [hbm:s5], s20  }
0x9e: {  	_ =	swait.ge [sflag:s22], s20  }
0x9f: {  	s4 =	ssub.s32 $0x0, s20;
	[sflag:s22] =	ssyncset.done $0x0  }
0xa0: {  	[sflag:s22] =	ssyncadd.s32 s4;
	_ =	sdelay $0x1  }
0xa1: {  	s23 =	simm.s32 $0x1B8B  }
0xa2: {  	_ =	swait.ge [sflag:s23], $0x1  }
0xa3: {  	[sflag:s23] =	ssyncset.done $0x0  }
0xa4: {  	s25 =	simm.s32 $0x1B8E;
	s24 =	sld [smem:$0x3FFE];
	[sflag:s23] =	ssyncadd.s32 $0xFFFFFFFF  }
0xa5: {  	s26 =	simm.s32 $execute0_lowered;
	[smem:$0x3FD2] =	sst s25  }
0xa6: {  	s5 =	sshll.u32 s26, $0x1;
	_ =	strace $0x8000004F;
	[dreg:$0x1] =	wrdreg $0xFFFFFFFF  }
0xa7: {  	s28 =	simm.s32 $_size_execute0_lowered;
	s3 =	sadd.s32 s3, s5;
	[dreg:$0x0] =	wrdreg $0x0  }
0xa8: {  	s5 =	sshll.u32 s28, $0x1;
	[dreg:$0x2] =	wrdreg s3  }
0xa9: {  	[dreg:$0x3] =	wrdreg s5  }
0xaa: {  	[dreg:$0x4] =	wrdreg $0xC0  }
0xab: {  	_ =	task [dreg:s7], $0x5FFFF  }
0xac: {  	[dreg:$0x1] =	wrdreg $0xFFFFFFFF  }
0xad: {  	[dreg:$0x0] =	wrdreg $0x60  }
0xae: {  	[dreg:$0x2] =	wrdreg s24  }
0xaf: {  	[dreg:$0x3] =	wrdreg s2  }
0xb0: {  	[dreg:$0x4] =	wrdreg $0xA8000  }
0xb1: {  	[dreg:$0x5] =	wrdreg $0x9  }
0xb2: {  	_ =	task.clear_ibuf [dreg:s7], $0x6FFFF;
	_ =	strace $0x9000004F  }
0xb3: {  	s29 =	simm.s32 $0x9;
	_ =	strace $0x80000051  }
0xb4: {  	_ =	swait.ge [sflag:s29], $0x1  }
0xb5: {  	[sflag:s29] =	ssyncadd.s32 $0xFFFFFFFF  }
0xb6: {  	_ =	strace $0x90000051  }
0xb7: {  	_ =	sfence  }
0xb8: {  	s30 =	sld [smem:$0x0];
	_ =	sdelay $0x2  }
0xb9: {  	s31 =	sshll.u32 s1, $0xD;
	s1 =	sshrl.u32 s1, $0x2  }
0xba: {  	s3 =	sand.u32 $0x4000, s31;
	s1 =	sadd.s32 s1, s30  }
0xbb: {  	s0 =	sor.u32 s3, s0;
	s1 =	sshll.u32 s1, $0x11  }
0xbc: {  	s0 =	sor.u32 s1, s0  }
0xbd: {  	s0 =	sadd.s32 $0x8F2B, s0  }
0xbe: {  	[sflag:s0] =	ssyncadd.remote.s32 $0x1  }
0xbf: {  	_ =	sfence.sel $0xFFFF  }
0xc0: {  	[dreg:$0x0] =	wrdreg $0xFFFFFFFF;
	(pc) =	sbr.abs _section_cstart, $3  }
0xc1: {  	[dreg:$0x1] =	wrdreg $0xFFFFFFFF  }
0xc2: {  	_ =	task.clear_ibuf [dreg:s7], $0x2FFFF;
	_ =	strace $0x9FFFFFFF  }
0xc3: {  	(tm) =	ssettm $0x7FFFFFFF  }
tec
execute0_lowered:
.L_overlay_start_1:
0x0: {  	(tag) =	ssettag $0x1  }
0x1: {  	s5 =	rddreg [dreg:$0x0]  }
0x2: {  	s9 =	rddreg [dreg:$0x1]  }
0x3: {  	s2 =	rddreg [dreg:$0x2]  }
0x4: {  	s0 =	rddreg [dreg:$0x3];
	s3 =	simm.s32 $0x0  }
0x5: {  	s1 =	stileid.u32;
	s4 =	srdreg.scid;
	s16 =	simm.s32 $0x80  }
0x6: {  	s17 =	simm.s32 $0x2800;
	s18 =	simm.s32 $0x6800;
	s19 =	simm.s32 $0x1  }
0x7: {  	s20 =	simm.s32 $0x2;
	s21 =	simm.s32 $0x2700;
	s22 =	simm.s32 $0x2780  }
0x8: {  	s23 =	simm.s32 $0x0;
	[smem:$0x7FF] =	sst s3;
	s6 =	smul.u32 $0x13C00, s1  }
0x9: {  	s7 =	sand.u32 $0x1, s4;
	s4 =	sadd.s32 $0x36400, s5;
	s11 =	sadd.s32 $0x4C00, s5  }
0xa: {  	s26 =	smul.u32 $0x4F000, s1;
	s31 =	sshll.u32 s1, $0x6;
	_ =	strace $0x80000050  }
0xb: {  	s8 =	smul.u32 $0x13C000, s7;
	s10 =	sshll.u32 s7, $0x4;
	s7 =	ssub.s32 $0x2, s7  }
0xc: {  	s12 =	sshrl.u32 s6, $0x3;
	s10 =	sor.u32 s1, s10;
	s28 =	sshrl.u32 s7, $0x1  }
0xd: {  	s29 =	sshrl.u32 s26, $0x2;
	s12 =	sadd.s32 s12, s5;
	s6 =	sadd.s32 s6, s8  }
0xe: {  	s25 =	smul.u32 $0x2800, s10;
	s14 =	ssub.s32 s7, s28;
	s15 =	sadd.s32 s29, s2  }
0xf: {  	s6 =	sshrl.u32 s6, $0x3;
	s7 =	sadd.s32 $0xEC00, s12;
	s12 =	simm.s32 $0x3  }
0x10: {  	s15 =	sshrl.u32 s15, $0x3;
	s13 =	sadd.s32 s6, s5;
	s8 =	sshrl.u32 s25, $0x3  }
0x11: {  	s5 =	sadd.s32 s11, s8;
	s6 =	sadd.s32 s9, s8;
	s30 =	sadd.s32 $0x280, s8  }
0x12: {  	s10 =	sadd.s32 $0x5D600, s13;
	s13 =	simm.s32 $0x1400;
	s8 =	sadd.s32 s11, s30  }
0x13: {  	s9 =	sadd.s32 s9, s30;
	s11 =	smax.u32 s14, $0x1;
	s14 =	sor.u32 $0x1C03, s31  }
.LBB2_1:
0x14: {  	[tilespmem:s3], [sflag:$0x3] =	stream.linear.gather [hbm4b:s5+s3], $0x1400, $0x38;
	[tilespmem:$0x1E400] =	vst v63  }
0x15: {  	_ =	swait.ge [sflag:s12], $0x1400  }
0x16: {  	[sflag:s12] =	ssyncset.done $0x0  }
0x17: {  	[sflag:s12] =	ssyncadd.s32 $0xFFFFEC00  }
0x18: {  	[tilespmem:s13], [sflag:$0x3] =	stream.linear.gather [hbm4b:s6+s3], $0x1400, $0x38;
	[tilespmem:$0x1E400] =	vst v63  }
0x19: {  	_ =	swait.ge [sflag:s12], $0x1400  }
0x1a: {  	[sflag:s12] =	ssyncset.done $0x0  }
0x1b: {  	[sflag:s12] =	ssyncadd.s32 $0xFFFFEC00  }
0x1c: {  	[spmem:s15], [sflag:s14] =	dma.local [hbm:s7], $0x2780  }
0x1d: {  	_ =	swait.ge [sflag:s12], $0x2780  }
0x1e: {  	[sflag:s12] =	ssyncset.done $0x0  }
0x1f: {  	[sflag:s12] =	ssyncadd.s32 $0xFFFFD880  }
0x20: {  	[bflag:$0x0] =	sbarrier.arrive $0xFFFF  }
0x21: {  	[tilespmem:s17], [sflag:$0x1] =	stream.indirect.gather [hbm4b:s4+s16], $0x80, s3, s16, $0xb8;
	[tilespmem:$0x1E400] =	vst v63  }
0x22: {  	_ = 	snop  }
0x23: {  	[tilespmem:s18], [sflag:$0x2] =	stream.indirect.gather [hbm4b:s4+s16], $0x80, s16, s16, $0xb8;
	[tilespmem:$0x1E400] =	vst v63  }
0x24: {  	_ =	swait.ge [sflag:s19], $0x4000  }
0x25: {  	[sflag:s19] =	ssyncset.done $0x0  }
0x26: {  	s24 =	simm.s32 $0x1400;
	[sflag:s19] =	ssyncadd.s32 $0xFFFFC000  }
0x27: {  	[spmem:s2] =	stream.indirect.scatter.add.f32 [tilespmem:s17], [sflag:$0x3], $0x80, s24, s16, $0xb8;
	[tilespmem:$0x1E400] =	vst v63  }
0x28: {  	_ =	swait.ge [sflag:s12], $0x4000  }
0x29: {  	[sflag:s12] =	ssyncset.done $0x0  }
0x2a: {  	s30 =	simm.s32 $0x100;
	[sflag:s12] =	ssyncadd.s32 $0xFFFFC000  }
0x2b: {  	[tilespmem:s17], [sflag:$0x1] =	stream.indirect.gather [hbm4b:s4+s16], $0x80, s30, s16, $0xb8;
	[tilespmem:$0x1E400] =	vst v63  }
0x2c: {  	_ =	swait.ge [sflag:s20], $0x4000  }
0x2d: {  	[sflag:s20] =	ssyncset.done $0x0  }
0x2e: {  	s31 =	simm.s32 $0x1480;
	[sflag:s20] =	ssyncadd.s32 $0xFFFFC000  }
0x2f: {  	[spmem:s2] =	stream.indirect.scatter.add.f32 [tilespmem:s18], [sflag:$0x3], $0x80, s31, s16, $0xb8;
	[tilespmem:$0x1E400] =	vst v63  }
0x30: {  	_ =	swait.ge [sflag:s12], $0x4000  }
0x31: {  	[sflag:s12] =	ssyncset.done $0x0  }
0x32: {  	s25 =	simm.s32 $0x180;
	s24 =	simm.s32 $0x400;
	[sflag:s12] =	ssyncadd.s32 $0xFFFFC000  }
.LBB2_2:
0x33: {  	[tilespmem:s18], [sflag:$0x2] =	stream.indirect.gather [hbm4b:s4+s16], $0x80, s25, s16, $0xb8;
	[tilespmem:$0x1E400] =	vst v63  }
0x34: {  	s25 =	smov.u32 s24  }
0x35: {  	p0 =	sne.s32 s24, $0x4800;
	s24 =	sadd.s32 $0x400, s24;
	_ =	swait.ge [sflag:s19], $0x4000  }
0x36: {  	s25 =	sshra.s32 s25, $0x2;
	[sflag:s19] =	ssyncset.done $0x0  }
0x37: {  	s26 =	sadd.s32 $0x1400, s25;
	[sflag:s19] =	ssyncadd.s32 $0xFFFFC000  }
0x38: {  	[spmem:s2] =	stream.indirect.scatter.add.f32 [tilespmem:s17], [sflag:$0x3], $0x80, s26, s16, $0xb8;
	[tilespmem:$0x1E400] =	vst v63  }
0x39: {  	_ =	swait.ge [sflag:s12], $0x4000  }
0x3a: {  	[sflag:s12] =	ssyncset.done $0x0  }
0x3b: {  	s26 =	sadd.s32 $0x100, s25;
	[sflag:s12] =	ssyncadd.s32 $0xFFFFC000  }
0x3c: {  	[tilespmem:s17], [sflag:$0x1] =	stream.indirect.gather [hbm4b:s4+s16], $0x80, s26, s16, $0xb8;
	[tilespmem:$0x1E400] =	vst v63  }
0x3d: {  	_ =	swait.ge [sflag:s20], $0x4000  }
0x3e: {  	[sflag:s20] =	ssyncset.done $0x0  }
.Ltmp0:
0x3f: {  	s26 =	sadd.s32 $0x1480, s25;
	[sflag:s20] =	ssyncadd.s32 $0xFFFFC000;
	(pc) =	sbr.rel @p0 .LBB2_2-.Ltmp0, $4  }
0x40: {  	[spmem:s2] =	stream.indirect.scatter.add.f32 [tilespmem:s18], [sflag:$0x3], $0x80, s26, s16, $0xb8;
	[tilespmem:$0x1E400] =	vst v63  }
0x41: {  	_ =	swait.ge [sflag:s12], $0x4000  }
0x42: {  	[sflag:s12] =	ssyncset.done $0x0  }
0x43: {  	s25 =	sadd.s32 $0x180, s25;
	[sflag:s12] =	ssyncadd.s32 $0xFFFFC000  }
0x44: {  	[tilespmem:s18], [sflag:$0x2] =	stream.indirect.gather [hbm4b:s4+s16], $0x80, s25, s16, $0xb8;
	[tilespmem:$0x1E400] =	vst v63  }
0x45: {  	_ =	swait.ge [sflag:s19], $0x4000  }
0x46: {  	[sflag:s19] =	ssyncset.done $0x0  }
0x47: {  	[sflag:s19] =	ssyncadd.s32 $0xFFFFC000  }
0x48: {  	[spmem:s2] =	stream.indirect.scatter.add.f32 [tilespmem:s17], [sflag:$0x3], $0x80, s21, s16, $0xb8;
	[tilespmem:$0x1E400] =	vst v63  }
0x49: {  	_ =	swait.ge [sflag:s12], $0x4000  }
0x4a: {  	[sflag:s12] =	ssyncset.done $0x0  }
0x4b: {  	[sflag:s12] =	ssyncadd.s32 $0xFFFFC000  }
0x4c: {  	_ =	swait.ge [sflag:s20], $0x4000  }
0x4d: {  	[sflag:s20] =	ssyncset.done $0x0  }
0x4e: {  	[sflag:s20] =	ssyncadd.s32 $0xFFFFC000  }
0x4f: {  	[spmem:s2] =	stream.indirect.scatter.add.f32 [tilespmem:s18], [sflag:$0x3], $0x80, s22, s16, $0xb8;
	[tilespmem:$0x1E400] =	vst v63  }
0x50: {  	_ =	swait.ge [sflag:s12], $0x4000  }
0x51: {  	[sflag:s12] =	ssyncset.done $0x0  }
0x52: {  	s24 =	simm.s32 $0x0;
	[sflag:s12] =	ssyncadd.s32 $0xFFFFC000  }
0x53: {  	[tilespmem:s24], [sflag:$0x3] =	stream.linear.gather [hbm4b:s8+s24], $0x1400, $0x38;
	[tilespmem:$0x1E400] =	vst v63  }
0x54: {  	_ =	swait.ge [sflag:s12], $0x1400  }
0x55: {  	[sflag:s12] =	ssyncset.done $0x0  }
0x56: {  	[sflag:s12] =	ssyncadd.s32 $0xFFFFEC00  }
0x57: {  	[tilespmem:s13], [sflag:$0x3] =	stream.linear.gather [hbm4b:s9+s24], $0x1400, $0x38;
	[tilespmem:$0x1E400] =	vst v63  }
0x58: {  	_ =	swait.ge [sflag:s12], $0x1400  }
0x59: {  	[sflag:s12] =	ssyncset.done $0x0  }
0x5a: {  	[sflag:s12] =	ssyncadd.s32 $0xFFFFEC00  }
0x5b: {  	[tilespmem:s17], [sflag:$0x1] =	stream.indirect.gather [hbm4b:s4+s16], $0x80, s24, s16, $0xb8;
	[tilespmem:$0x1E400] =	vst v63  }
0x5c: {  	_ = 	snop  }
0x5d: {  	[tilespmem:s18], [sflag:$0x2] =	stream.indirect.gather [hbm4b:s4+s16], $0x80, s16, s16, $0xb8;
	[tilespmem:$0x1E400] =	vst v63  }
0x5e: {  	_ =	swait.ge [sflag:s19], $0x4000  }
0x5f: {  	[sflag:s19] =	ssyncset.done $0x0  }
0x60: {  	s29 =	simm.s32 $0x1400;
	[sflag:s19] =	ssyncadd.s32 $0xFFFFC000  }
0x61: {  	[spmem:s2] =	stream.indirect.scatter.add.f32 [tilespmem:s17], [sflag:$0x3], $0x80, s29, s16, $0xb8;
	[tilespmem:$0x1E400] =	vst v63  }
0x62: {  	_ =	swait.ge [sflag:s12], $0x4000  }
0x63: {  	[sflag:s12] =	ssyncset.done $0x0  }
0x64: {  	s30 =	simm.s32 $0x100;
	[sflag:s12] =	ssyncadd.s32 $0xFFFFC000  }
0x65: {  	[tilespmem:s17], [sflag:$0x1] =	stream.indirect.gather [hbm4b:s4+s16], $0x80, s30, s16, $0xb8;
	[tilespmem:$0x1E400] =	vst v63  }
0x66: {  	_ =	swait.ge [sflag:s20], $0x4000  }
0x67: {  	[sflag:s20] =	ssyncset.done $0x0  }
0x68: {  	s31 =	simm.s32 $0x1480;
	[sflag:s20] =	ssyncadd.s32 $0xFFFFC000  }
0x69: {  	[spmem:s2] =	stream.indirect.scatter.add.f32 [tilespmem:s18], [sflag:$0x3], $0x80, s31, s16, $0xb8;
	[tilespmem:$0x1E400] =	vst v63  }
0x6a: {  	_ =	swait.ge [sflag:s12], $0x4000  }
0x6b: {  	[sflag:s12] =	ssyncset.done $0x0  }
0x6c: {  	s25 =	simm.s32 $0x180;
	s24 =	simm.s32 $0x400;
	[sflag:s12] =	ssyncadd.s32 $0xFFFFC000  }
.LBB2_4:
0x6d: {  	[tilespmem:s18], [sflag:$0x2] =	stream.indirect.gather [hbm4b:s4+s16], $0x80, s25, s16, $0xb8;
	[tilespmem:$0x1E400] =	vst v63  }
0x6e: {  	s25 =	smov.u32 s24  }
0x6f: {  	p0 =	sne.s32 s24, $0x4800;
	s24 =	sadd.s32 $0x400, s24;
	_ =	swait.ge [sflag:s19], $0x4000  }
0x70: {  	s25 =	sshra.s32 s25, $0x2;
	[sflag:s19] =	ssyncset.done $0x0  }
0x71: {  	s26 =	sadd.s32 $0x1400, s25;
	[sflag:s19] =	ssyncadd.s32 $0xFFFFC000  }
0x72: {  	[spmem:s2] =	stream.indirect.scatter.add.f32 [tilespmem:s17], [sflag:$0x3], $0x80, s26, s16, $0xb8;
	[tilespmem:$0x1E400] =	vst v63  }
0x73: {  	_ =	swait.ge [sflag:s12], $0x4000  }
0x74: {  	[sflag:s12] =	ssyncset.done $0x0  }
0x75: {  	s26 =	sadd.s32 $0x100, s25;
	[sflag:s12] =	ssyncadd.s32 $0xFFFFC000  }
0x76: {  	[tilespmem:s17], [sflag:$0x1] =	stream.indirect.gather [hbm4b:s4+s16], $0x80, s26, s16, $0xb8;
	[tilespmem:$0x1E400] =	vst v63  }
0x77: {  	_ =	swait.ge [sflag:s20], $0x4000  }
0x78: {  	[sflag:s20] =	ssyncset.done $0x0  }
.Ltmp1:
0x79: {  	s26 =	sadd.s32 $0x1480, s25;
	[sflag:s20] =	ssyncadd.s32 $0xFFFFC000;
	(pc) =	sbr.rel @p0 .LBB2_4-.Ltmp1, $4  }
0x7a: {  	[spmem:s2] =	stream.indirect.scatter.add.f32 [tilespmem:s18], [sflag:$0x3], $0x80, s26, s16, $0xb8;
	[tilespmem:$0x1E400] =	vst v63  }
0x7b: {  	_ =	swait.ge [sflag:s12], $0x4000  }
0x7c: {  	[sflag:s12] =	ssyncset.done $0x0  }
0x7d: {  	s25 =	sadd.s32 $0x180, s25;
	[sflag:s12] =	ssyncadd.s32 $0xFFFFC000  }
0x7e: {  	[tilespmem:s18], [sflag:$0x2] =	stream.indirect.gather [hbm4b:s4+s16], $0x80, s25, s16, $0xb8;
	[tilespmem:$0x1E400] =	vst v63  }
0x7f: {  	_ =	swait.ge [sflag:s19], $0x4000  }
0x80: {  	[sflag:s19] =	ssyncset.done $0x0  }
0x81: {  	[sflag:s19] =	ssyncadd.s32 $0xFFFFC000  }
0x82: {  	[spmem:s2] =	stream.indirect.scatter.add.f32 [tilespmem:s17], [sflag:$0x3], $0x80, s21, s16, $0xb8;
	[tilespmem:$0x1E400] =	vst v63  }
0x83: {  	_ =	swait.ge [sflag:s12], $0x4000  }
0x84: {  	[sflag:s12] =	ssyncset.done $0x0  }
0x85: {  	[sflag:s12] =	ssyncadd.s32 $0xFFFFC000  }
0x86: {  	_ =	swait.ge [sflag:s20], $0x4000  }
0x87: {  	[sflag:s20] =	ssyncset.done $0x0  }
0x88: {  	[sflag:s20] =	ssyncadd.s32 $0xFFFFC000  }
0x89: {  	[spmem:s2] =	stream.indirect.scatter.add.f32 [tilespmem:s18], [sflag:$0x3], $0x80, s22, s16, $0xb8;
	[tilespmem:$0x1E400] =	vst v63  }
0x8a: {  	_ =	swait.ge [sflag:s12], $0x4000  }
0x8b: {  	s23 =	sadd.s32 $0x1, s23;
	[sflag:s12] =	ssyncset.done $0x0  }
0x8c: {  	p0 =	sne.s32 s23, s11;
	[sflag:s12] =	ssyncadd.s32 $0xFFFFC000  }
.Ltmp2:
0x8d: {  	[bflag:$0x0] =	sbarrier.arrive $0xFFFF;
	(pc) =	sbr.rel @p0 .LBB2_1-.Ltmp2, $4  }
0x8e: {  	[hbm:s10], [sflag:s14] =	dma.local [spmem:s15], $0x2780  }
0x8f: {  	_ =	swait.ge [sflag:s12], $0x2780  }
0x90: {  	[sflag:s12] =	ssyncset.done $0x0  }
0x91: {  	[sflag:s12] =	ssyncadd.s32 $0xFFFFD880  }
0x92: {  	_ =	sfence.sel $0x180000  }
0x93: {  	[bflag:$0x0] =	sbarrier.arrive $0xFFFF  }
0x94: {  	p0 =	sne.s32 s1, $0x0;
	_ =	strace $0x90000050  }
0x95: {  	s0 =	sadd.s32 @!p0 $0x100000, s0;
	[bflag:$0x2] =	sbarrier.arrive $0xFFFF  }
0x96: {  	[sflag:s0] =	ssyncadd.tile.s32 @!p0 $0x1;
	_ =	shalt  }
.Lfunc_end2:
_tile_overlayer_lowered:
.L_overlay_start_2:
0x97: {  	(tag) =	ssettag $0x2  }
0x98: {  	s0 =	rddreg [dreg:$0x0];
	s2 =	stileid.u32  }
0x99: {  	s1 =	rddreg [dreg:$0x1];
	p0 =	sne.s32 s2, $0x0  }
0x9a: {  	s3 =	rddreg [dreg:$0x2];
	[bflag:$0x3] =	sbarrier.arrive $0xFFFF;
	s2 =	simm.s32 @!p0 $0x1C03  }
0x9b: {  	[timem:s3], [sflag:s2] =	dma.local @!p0 [hbm:s0], s1  }
0x9c: {  	s0 =	simm.s32 @!p0 $0x3  }
0x9d: {  	_ =	swait.ge @!p0 [sflag:s0], s1  }
0x9e: {  	s1 =	ssub.s32 @!p0 $0x0, s1;
	[sflag:s0] =	ssyncset.done @!p0 $0x0  }
0x9f: {  	[sflag:s0] =	ssyncadd.s32 @!p0 s1  }
0xa0: {  	[bflag:$0x3] =	sbarrier.arrive $0xFFFF  }
0xa1: {  	_ =	shalt  }

</sc_bundles>
